<compile_context>
chip_gen: v7x
topology: tpu7x:2x2x1
jax: 0.10.2.dev20260603
libtpu: 0.0.44.dev20260713+nightly
codegen_flags: <defaults>
</compile_context>

<pallas_src>
import functools

import jax
import jax.numpy as jnp
from jax import lax
from jax.experimental import pallas as pl
from jax.experimental.pallas import tpu as pltpu
from jax.experimental.pallas import tpu_sc as plsc

ROWS = 64
N = 32768
L = 16
NB = N // L
U = 8
NG = NB // U
T_NEWTON = 10
C = 24576
GPI = 4
NEG = -3e38

_NC = 2
_NS = 16
NW = _NC * _NS
ROWS_PER = ROWS // NW


def _tree_max8(c):
    t01 = jnp.maximum(c[0], c[1])
    t23 = jnp.maximum(c[2], c[3])
    t45 = jnp.maximum(c[4], c[5])
    t67 = jnp.maximum(c[6], c[7])
    return jnp.maximum(jnp.maximum(t01, t23), jnp.maximum(t45, t67))


def _fmc_start(row_v):
    g0 = [row_v[pl.ds(j * L, L)] for j in range(U)]
    m0 = _tree_max8(g0)
    w = jnp.broadcast_to(jnp.max(m0), (L,)) - 1.0
    return (m0, w, w, jnp.int32(0))


def _fmc_range(row_v, cand_v, lo, hi, carry):
    def body(it, carry):
        m, t0, t1, off = carry
        m_new = m
        for gg in range(GPI):
            base = (it * GPI + gg) * (U * L)
            c = [row_v[pl.ds(base + j * L, L)] for j in range(U)]
            for j in range(0, U, 2):
                msk = jnp.logical_or(c[j] > t0, c[j + 1] > t0)
                cnt = plsc.all_reduce_population_count(msk)[0]
                cand_v[pl.ds(off, L)] = c[j]
                cand_v[pl.ds(off + L, L)] = c[j + 1]
                off = off + jnp.where(
                    jnp.logical_and(cnt > 0, off < C - 4 * L),
                    jnp.int32(2 * L), jnp.int32(0))
            m_new = jnp.maximum(m_new, _tree_max8(c))
        nt = jnp.broadcast_to(jnp.max(m_new), (L,)) - 1.0
        return (m_new, t1, nt, off)

    return lax.fori_loop(lo, hi, body, carry)


def _shrink(cand_v, vals_v, nb_c, thr):
    def body(i, off2):
        v = cand_v[pl.ds(i * L, L)]
        msk = v > thr
        cnt = plsc.all_reduce_population_count(msk)[0]
        plsc.store_compressed(vals_v.at[pl.ds(off2, L)], v, mask=msk)
        return off2 + cnt
    k1 = lax.fori_loop(0, nb_c, body, jnp.int32(0))
    vals_v[pl.ds(k1, L)] = jnp.full((L,), NEG, jnp.float32)
    return k1


def _row_tau(row_v, cand_v, vals_v, carry):
    m, _, _, off = carry
    mx = jnp.max(m)
    thr = jnp.broadcast_to(mx, (L,)) - 1.0
    overflow = off >= C - 2 * L

    k1 = _shrink(cand_v, vals_v, off >> 4, thr)
    nv = (k1 + (L - 1)) >> 4

    def _sk_pass(ref, n_chunks, tau):
        def b(i, sk):
            sv, kv = sk
            v = ref[pl.ds(i * L, L)]
            msk = v > tau
            sv = sv + jnp.where(msk, v, jnp.float32(0))
            kv = kv + msk.astype(jnp.int32)
            return (sv, kv)
        return lax.fori_loop(
            0, n_chunks, b,
            (jnp.zeros((L,), jnp.float32), jnp.zeros((L,), jnp.int32)))

    def newton_body(t, tau):
        sv, kv = lax.cond(
            overflow,
            lambda tt: _sk_pass(row_v, NB, tt),
            lambda tt: _sk_pass(vals_v, nv, tt),
            tau)
        s = jnp.sum(sv)
        kf = jnp.sum(kv.astype(jnp.float32))
        kfv = jnp.maximum(jnp.broadcast_to(kf, (L,)), 1.0)
        tau_new = (jnp.broadcast_to(s, (L,)) - 1.0) / kfv
        return jnp.maximum(tau, tau_new)
    return lax.fori_loop(0, T_NEWTON, newton_body, thr)


def _out_half(row_v, tau, half):
    def out_body(g):
        base = g * (U * L)
        for j in range(U):
            sl = pl.ds(base + j * L, L)
            row_v[sl] = jnp.maximum(row_v[sl] - tau, jnp.float32(0))
    plsc.parallel_loop(half * (NG // 2), (half + 1) * (NG // 2), 1,
                       unroll=2)(out_body)


HN = N // 2
NIT = NG // GPI


def _body(x_hbm, out_hbm, row_a, row_b, cand_v, vals_v, s0, s1, s2, s3):
    wid = lax.axis_index("s") * _NC + lax.axis_index("c")
    r0 = wid * ROWS_PER
    r1 = r0 + 1
    ia0 = pltpu.async_copy(x_hbm.at[r0, pl.ds(0, HN)],
                           row_a.at[pl.ds(0, HN)], s0)
    ia1 = pltpu.async_copy(x_hbm.at[r0, pl.ds(HN, HN)],
                           row_a.at[pl.ds(HN, HN)], s1)
    ib = pltpu.async_copy(x_hbm.at[r1], row_b, s2)

    ia0.wait()
    carry = _fmc_range(row_a, cand_v, 0, NIT // 2, _fmc_start(row_a))
    ia1.wait()
    carry = _fmc_range(row_a, cand_v, NIT // 2, NIT, carry)
    tau_a = _row_tau(row_a, cand_v, vals_v, carry)
    _out_half(row_a, tau_a, 0)
    oa0 = pltpu.async_copy(row_a.at[pl.ds(0, HN)],
                           out_hbm.at[r0, pl.ds(0, HN)], s0)
    _out_half(row_a, tau_a, 1)
    oa1 = pltpu.async_copy(row_a.at[pl.ds(HN, HN)],
                           out_hbm.at[r0, pl.ds(HN, HN)], s1)

    ib.wait()
    carry = _fmc_range(row_b, cand_v, 0, NIT, _fmc_start(row_b))
    tau_b = _row_tau(row_b, cand_v, vals_v, carry)
    _out_half(row_b, tau_b, 0)
    ob0 = pltpu.async_copy(row_b.at[pl.ds(0, HN)],
                           out_hbm.at[r1, pl.ds(0, HN)], s2)
    _out_half(row_b, tau_b, 1)
    ob1 = pltpu.async_copy(row_b.at[pl.ds(HN, HN)],
                           out_hbm.at[r1, pl.ds(HN, HN)], s3)
    oa0.wait()
    oa1.wait()
    ob0.wait()
    ob1.wait()


@jax.jit
def kernel(input):
    mesh = plsc.VectorSubcoreMesh(core_axis_name="c", subcore_axis_name="s")
    f = pl.kernel(
        _body,
        out_type=jax.ShapeDtypeStruct((ROWS, N), jnp.float32),
        mesh=mesh,
        scratch_types=[
            pltpu.VMEM((N,), jnp.float32),
            pltpu.VMEM((N,), jnp.float32),
            pltpu.VMEM((C,), jnp.float32),
            pltpu.VMEM((C,), jnp.float32),
            pltpu.SemaphoreType.DMA,
            pltpu.SemaphoreType.DMA,
            pltpu.SemaphoreType.DMA,
            pltpu.SemaphoreType.DMA,
        ],
        compiler_params=pltpu.CompilerParams(needs_layout_passes=False),
    )
    return f(input)

# --- scband reference (transcript-rebuilt; emitter-appended) ---
"""Pipeline reference for scband-sparsemax-38878043964005 (READ-ONLY COPY).

The authoritative reference and input builder live on the scoring server;
editing this copy changes nothing except your own understanding.
"""

import jax, jax.numpy as jnp
import numpy as np

def setup_inputs(seed: int = 0) -> dict:
    key = jax.random.key(seed)
    inp = jax.random.normal(key, (64, 32768), dtype=jnp.float32)
    return {"input": inp}

def reference(input):
    original_shape = input.shape
    x = input.reshape(-1, input.shape[-1])
    n = x.shape[1]
    # shift by max for numerical stability
    x = x - jnp.max(x, axis=1, keepdims=True)
    # sort descending
    zs = -jnp.sort(-x, axis=1)
    rng = jnp.arange(1, n + 1, dtype=x.dtype).reshape(1, -1)
    bound = 1.0 + rng * zs
    cumulative_sum_zs = jnp.cumsum(zs, axis=1)
    is_gt = (bound > cumulative_sum_zs).astype(x.dtype)
    k = jnp.max(is_gt * rng, axis=1, keepdims=True)
    zs_sparse = is_gt * zs
    taus = (jnp.sum(zs_sparse, axis=1, keepdims=True) - 1.0) / k
    output = jnp.maximum(jnp.zeros_like(x), x - taus)
    return output.reshape(original_shape)

if __name__ == "__main__":
    import jax
    _d = setup_inputs()
    print(jax.jit(kernel)(*tuple(_d.values())))

</pallas_src>

<mosaic_0001>
#map = affine_map<(d0, d1) -> (0, 0)>
module attributes {stable_mosaic.version = 14 : i64} {
  func.func @_body(%arg0: i32, %arg1: i32, %arg2: memref<64x32768xf32, #tpu.memory_space<hbm>>, %arg3: memref<64x32768xf32, #tpu.memory_space<hbm>>, %arg4: memref<32768xf32, #tpu.memory_space<vmem>>, %arg5: memref<32768xf32, #tpu.memory_space<vmem>>, %arg6: memref<24576xf32, #tpu.memory_space<vmem>>, %arg7: memref<24576xf32, #tpu.memory_space<vmem>>, %arg8: memref<!tpu.dma_semaphore, #tpu.memory_space<semaphore_mem>>, %arg9: memref<!tpu.dma_semaphore, #tpu.memory_space<semaphore_mem>>, %arg10: memref<!tpu.dma_semaphore, #tpu.memory_space<semaphore_mem>>, %arg11: memref<!tpu.dma_semaphore, #tpu.memory_space<semaphore_mem>>) attributes {dimension_semantics = [#tpu.dimension_semantics<core_parallel>, #tpu.dimension_semantics<subcore_parallel>], iteration_bounds = array<i64: 2, 16>, scalar_prefetch = 0 : i64, scratch_operands = 8 : i64, tpu.core_type = #tpu.core_type<sc_vector_subcore>, window_params = [{transform_indices = #map}, {transform_indices = #map}]} {
    %mul3A = arith.constant 2 : i32
    %mul3A_0 = arith.muli %arg1, %mul3A : i32
    %add3A = arith.addi %mul3A_0, %arg0 : i32
    %mul3A_1 = arith.constant 2 : i32
    %mul3A_2 = arith.muli %add3A, %mul3A_1 : i32
    %add3A_3 = arith.constant 1 : i32
    %add3A_4 = arith.addi %mul3A_2, %add3A_3 : i32
    %dma_start3A = arith.constant 0 : i32
    %dma_start3A_5 = tpu.memref_slice %arg4[%dma_start3A] : memref<32768xf32, #tpu.memory_space<vmem>> -> memref<16384xf32, #tpu.memory_space<vmem>>
    %dma_start3A_6 = arith.constant 0 : i32
    %dma_start3A_7 = tpu.memref_slice %arg2[%mul3A_2, %dma_start3A_6] : memref<64x32768xf32, #tpu.memory_space<hbm>> -> memref<1x16384xf32, #tpu.memory_space<hbm>>
    %dma_start3A_8 = tpu.memref_squeeze %dma_start3A_7 : memref<1x16384xf32, #tpu.memory_space<hbm>> -> memref<16384xf32, #tpu.memory_space<hbm>>
    %dma_start3A_9 = arith.constant 0 : i32
    %dma_start3A_10 = tpu.memref_slice %arg4[%dma_start3A_9] : memref<32768xf32, #tpu.memory_space<vmem>> -> memref<16384xf32, #tpu.memory_space<vmem>>
    %dma_start3A_11 = arith.constant 0 : i32
    %dma_start3A_12 = tpu.memref_slice %arg2[%mul3A_2, %dma_start3A_11] : memref<64x32768xf32, #tpu.memory_space<hbm>> -> memref<1x16384xf32, #tpu.memory_space<hbm>>
    %dma_start3A_13 = tpu.memref_squeeze %dma_start3A_12 : memref<1x16384xf32, #tpu.memory_space<hbm>> -> memref<16384xf32, #tpu.memory_space<hbm>>
    tpu.enqueue_dma source(%dma_start3A_13 : memref<16384xf32, #tpu.memory_space<hbm>>) target(%dma_start3A_10 : memref<16384xf32, #tpu.memory_space<vmem>>) target_semaphore(%arg8 : memref<!tpu.dma_semaphore, #tpu.memory_space<semaphore_mem>>)
    %dma_start3A_14 = arith.constant 16384 : i32
    %dma_start3A_15 = tpu.memref_slice %arg4[%dma_start3A_14] : memref<32768xf32, #tpu.memory_space<vmem>> -> memref<16384xf32, #tpu.memory_space<vmem>>
    %dma_start3A_16 = arith.constant 16384 : i32
    %dma_start3A_17 = tpu.memref_slice %arg2[%mul3A_2, %dma_start3A_16] : memref<64x32768xf32, #tpu.memory_space<hbm>> -> memref<1x16384xf32, #tpu.memory_space<hbm>>
    %dma_start3A_18 = tpu.memref_squeeze %dma_start3A_17 : memref<1x16384xf32, #tpu.memory_space<hbm>> -> memref<16384xf32, #tpu.memory_space<hbm>>
    %dma_start3A_19 = arith.constant 16384 : i32
    %dma_start3A_20 = tpu.memref_slice %arg4[%dma_start3A_19] : memref<32768xf32, #tpu.memory_space<vmem>> -> memref<16384xf32, #tpu.memory_space<vmem>>
    %dma_start3A_21 = arith.constant 16384 : i32
    %dma_start3A_22 = tpu.memref_slice %arg2[%mul3A_2, %dma_start3A_21] : memref<64x32768xf32, #tpu.memory_space<hbm>> -> memref<1x16384xf32, #tpu.memory_space<hbm>>
    %dma_start3A_23 = tpu.memref_squeeze %dma_start3A_22 : memref<1x16384xf32, #tpu.memory_space<hbm>> -> memref<16384xf32, #tpu.memory_space<hbm>>
    tpu.enqueue_dma source(%dma_start3A_23 : memref<16384xf32, #tpu.memory_space<hbm>>) target(%dma_start3A_20 : memref<16384xf32, #tpu.memory_space<vmem>>) target_semaphore(%arg9 : memref<!tpu.dma_semaphore, #tpu.memory_space<semaphore_mem>>)
    %dma_start3A_24 = arith.constant 0 : i32
    %dma_start3A_25 = tpu.memref_slice %arg2[%add3A_4, %dma_start3A_24] : memref<64x32768xf32, #tpu.memory_space<hbm>> -> memref<1x32768xf32, #tpu.memory_space<hbm>>
    %dma_start3A_26 = tpu.memref_squeeze %dma_start3A_25 : memref<1x32768xf32, #tpu.memory_space<hbm>> -> memref<32768xf32, #tpu.memory_space<hbm>>
    %dma_start3A_27 = arith.constant 0 : i32
    %dma_start3A_28 = tpu.memref_slice %arg2[%add3A_4, %dma_start3A_27] : memref<64x32768xf32, #tpu.memory_space<hbm>> -> memref<1x32768xf32, #tpu.memory_space<hbm>>
    %dma_start3A_29 = tpu.memref_squeeze %dma_start3A_28 : memref<1x32768xf32, #tpu.memory_space<hbm>> -> memref<32768xf32, #tpu.memory_space<hbm>>
    tpu.enqueue_dma source(%dma_start3A_29 : memref<32768xf32, #tpu.memory_space<hbm>>) target(%arg5 : memref<32768xf32, #tpu.memory_space<vmem>>) target_semaphore(%arg10 : memref<!tpu.dma_semaphore, #tpu.memory_space<semaphore_mem>>)
    %dma_wait3A = arith.constant 0 : i32
    %dma_wait3A_30 = tpu.memref_slice %arg4[%dma_wait3A] : memref<32768xf32, #tpu.memory_space<vmem>> -> memref<16384xf32, #tpu.memory_space<vmem>>
    %dma_wait3A_31 = arith.constant 0 : i32
    %dma_wait3A_32 = tpu.memref_slice %arg2[%mul3A_2, %dma_wait3A_31] : memref<64x32768xf32, #tpu.memory_space<hbm>> -> memref<1x16384xf32, #tpu.memory_space<hbm>>
    %dma_wait3A_33 = tpu.memref_squeeze %dma_wait3A_32 : memref<1x16384xf32, #tpu.memory_space<hbm>> -> memref<16384xf32, #tpu.memory_space<hbm>>
    %dma_wait3A_34 = arith.constant 0 : i32
    %dma_wait3A_35 = tpu.memref_slice %arg4[%dma_wait3A_34] : memref<32768xf32, #tpu.memory_space<vmem>> -> memref<16384xf32, #tpu.memory_space<vmem>>
    %dma_wait3A_36 = arith.constant 0 : i32
    %dma_wait3A_37 = tpu.memref_slice %arg2[%mul3A_2, %dma_wait3A_36] : memref<64x32768xf32, #tpu.memory_space<hbm>> -> memref<1x16384xf32, #tpu.memory_space<hbm>>
    %dma_wait3A_38 = tpu.memref_squeeze %dma_wait3A_37 : memref<1x16384xf32, #tpu.memory_space<hbm>> -> memref<16384xf32, #tpu.memory_space<hbm>>
    tpu.wait_dma2 semaphore(%arg8 : memref<!tpu.dma_semaphore, #tpu.memory_space<semaphore_mem>>) src(%dma_wait3A_38 : memref<16384xf32, #tpu.memory_space<hbm>>) dst(%dma_wait3A_35 : memref<16384xf32, #tpu.memory_space<vmem>>)
    %get3A = arith.constant 0 : index
    %get3A_39 = tpu.vector_load %arg4[%get3A] {strides = array<i32>} : memref<32768xf32, #tpu.memory_space<vmem>>, vector<16xf32>,
    %get3A_40 = arith.constant 16 : index
    %get3A_41 = tpu.vector_load %arg4[%get3A_40] {strides = array<i32>} : memref<32768xf32, #tpu.memory_space<vmem>>, vector<16xf32>,
    %get3A_42 = arith.constant 32 : index
    %get3A_43 = tpu.vector_load %arg4[%get3A_42] {strides = array<i32>} : memref<32768xf32, #tpu.memory_space<vmem>>, vector<16xf32>,
    %get3A_44 = arith.constant 48 : index
    %get3A_45 = tpu.vector_load %arg4[%get3A_44] {strides = array<i32>} : memref<32768xf32, #tpu.memory_space<vmem>>, vector<16xf32>,
    %get3A_46 = arith.constant 64 : index
    %get3A_47 = tpu.vector_load %arg4[%get3A_46] {strides = array<i32>} : memref<32768xf32, #tpu.memory_space<vmem>>, vector<16xf32>,
    %get3A_48 = arith.constant 80 : index
    %get3A_49 = tpu.vector_load %arg4[%get3A_48] {strides = array<i32>} : memref<32768xf32, #tpu.memory_space<vmem>>, vector<16xf32>,
    %get3A_50 = arith.constant 96 : index
    %get3A_51 = tpu.vector_load %arg4[%get3A_50] {strides = array<i32>} : memref<32768xf32, #tpu.memory_space<vmem>>, vector<16xf32>,
    %get3A_52 = arith.constant 112 : index
    %get3A_53 = tpu.vector_load %arg4[%get3A_52] {strides = array<i32>} : memref<32768xf32, #tpu.memory_space<vmem>>, vector<16xf32>,
    %max3A = arith.maximumf %get3A_39, %get3A_41 : vector<16xf32>
    %max3A_54 = arith.maximumf %get3A_43, %get3A_45 : vector<16xf32>
    %max3A_55 = arith.maximumf %get3A_47, %get3A_49 : vector<16xf32>
    %max3A_56 = arith.maximumf %get3A_51, %get3A_53 : vector<16xf32>
    %max3A_57 = arith.maximumf %max3A, %max3A_54 : vector<16xf32>
    %max3A_58 = arith.maximumf %max3A_55, %max3A_56 : vector<16xf32>
    %max3A_59 = arith.maximumf %max3A_57, %max3A_58 : vector<16xf32>
    %reduce_max3A = arith.constant true
    %reduce_max3A_60 = vector.broadcast %reduce_max3A : i1 to vector<16xi1>
    %reduce_max3A_61 = tpu.scan <max>, %max3A_59 masked %reduce_max3A_60 : vector<16xf32>, vector<16xi1> -> vector<16xf32>
    %reduce_max3A_62 = vector.extract %reduce_max3A_61[15] : f32 from vector<16xf32>
    %broadcast_in_dim3A = vector.broadcast %reduce_max3A_62 : f32 to vector<16xf32>
    %sub3A = arith.constant 1.000000e+00 : f32
    %sub3A_63 = vector.broadcast %sub3A : f32 to vector<16xf32>
    %sub3A_64 = arith.subf %broadcast_in_dim3A, %sub3A_63 : vector<16xf32>
    %scan3A = arith.constant 0 : i32
    %scan3A_65 = arith.constant 0 : i32
    %scan3A_66 = arith.constant 32 : i32
    %scan3A_67 = arith.addi %scan3A_65, %scan3A_66 : i32
    %scan3A_68 = arith.constant 1 : i32
    %scan3A_69:4 = scf.for %scan3A_294 = %scan3A_65 to %scan3A_67 step %scan3A_68 iter_args(%scan3A_295 = %max3A_59, %scan3A_296 = %sub3A_64, %scan3A_297 = %sub3A_64, %scan3A_298 = %scan3A) -> (vector<16xf32>, vector<16xf32>, vector<16xf32>, i32)  : i32 {
      %mul3A_299 = arith.constant 4 : i32
      %mul3A_300 = arith.muli %scan3A_294, %mul3A_299 : i32
      %add3A_301 = arith.constant 0 : i32
      %add3A_302 = arith.addi %mul3A_300, %add3A_301 : i32
      %mul3A_303 = arith.constant 128 : i32
      %mul3A_304 = arith.muli %add3A_302, %mul3A_303 : i32
      %add3A_305 = arith.constant 0 : i32
      %add3A_306 = arith.addi %mul3A_304, %add3A_305 : i32
      %get3A_307 = arith.index_cast %add3A_306 : i32 to index
      %get3A_308 = tpu.vector_load %arg4[%get3A_307] {strides = array<i32>} : memref<32768xf32, #tpu.memory_space<vmem>>, vector<16xf32>,
      %add3A_309 = arith.constant 16 : i32
      %add3A_310 = arith.addi %mul3A_304, %add3A_309 : i32
      %get3A_311 = arith.index_cast %add3A_310 : i32 to index
      %get3A_312 = tpu.vector_load %arg4[%get3A_311] {strides = array<i32>} : memref<32768xf32, #tpu.memory_space<vmem>>, vector<16xf32>,
      %add3A_313 = arith.constant 32 : i32
      %add3A_314 = arith.addi %mul3A_304, %add3A_313 : i32
      %get3A_315 = arith.index_cast %add3A_314 : i32 to index
      %get3A_316 = tpu.vector_load %arg4[%get3A_315] {strides = array<i32>} : memref<32768xf32, #tpu.memory_space<vmem>>, vector<16xf32>,
      %add3A_317 = arith.constant 48 : i32
      %add3A_318 = arith.addi %mul3A_304, %add3A_317 : i32
      %get3A_319 = arith.index_cast %add3A_318 : i32 to index
      %get3A_320 = tpu.vector_load %arg4[%get3A_319] {strides = array<i32>} : memref<32768xf32, #tpu.memory_space<vmem>>, vector<16xf32>,
      %add3A_321 = arith.constant 64 : i32
      %add3A_322 = arith.addi %mul3A_304, %add3A_321 : i32
      %get3A_323 = arith.index_cast %add3A_322 : i32 to index
      %get3A_324 = tpu.vector_load %arg4[%get3A_323] {strides = array<i32>} : memref<32768xf32, #tpu.memory_space<vmem>>, vector<16xf32>,
      %add3A_325 = arith.constant 80 : i32
      %add3A_326 = arith.addi %mul3A_304, %add3A_325 : i32
      %get3A_327 = arith.index_cast %add3A_326 : i32 to index
      %get3A_328 = tpu.vector_load %arg4[%get3A_327] {strides = array<i32>} : memref<32768xf32, #tpu.memory_space<vmem>>, vector<16xf32>,
      %add3A_329 = arith.constant 96 : i32
      %add3A_330 = arith.addi %mul3A_304, %add3A_329 : i32
      %get3A_331 = arith.index_cast %add3A_330 : i32 to index
      %get3A_332 = tpu.vector_load %arg4[%get3A_331] {strides = array<i32>} : memref<32768xf32, #tpu.memory_space<vmem>>, vector<16xf32>,
      %add3A_333 = arith.constant 112 : i32
      %add3A_334 = arith.addi %mul3A_304, %add3A_333 : i32
      %get3A_335 = arith.index_cast %add3A_334 : i32 to index
      %get3A_336 = tpu.vector_load %arg4[%get3A_335] {strides = array<i32>} : memref<32768xf32, #tpu.memory_space<vmem>>, vector<16xf32>,
      %gt3A = arith.cmpf ogt, %get3A_308, %scan3A_296 : vector<16xf32>
      %gt3A_337 = arith.cmpf ogt, %get3A_312, %scan3A_296 : vector<16xf32>
      %or3A = arith.ori %gt3A, %gt3A_337 : vector<16xi1>
      %all_reduce_population_count3A = tpu.all_reduce %or3A {dim = 0 : i64, kind = #tpu.reduction_kind<sum>} : vector<16xi1> -> vector<16xi32>
      %slice3A = vector.extract_strided_slice %all_reduce_population_count3A {offsets = [0], sizes = [1], strides = [1]} : vector<16xi32> to vector<1xi32>
      %squeeze3A = vector.extract %slice3A[0] : i32 from vector<1xi32>
      %swap3A_338 = arith.index_cast %scan3A_298 : i32 to index
      %swap3A_339 = tpu.vector_load %arg6[%swap3A_338] {strides = array<i32>} : memref<24576xf32, #tpu.memory_space<vmem>>, vector<16xf32>,
      tpu.vector_store %arg6[%swap3A_338], %get3A_308 {strides = array<i32>} : memref<24576xf32, #tpu.memory_space<vmem>>, vector<16xf32>,
      %add3A_340 = arith.constant 16 : i32
      %add3A_341 = arith.addi %scan3A_298, %add3A_340 : i32
      %swap3A_342 = arith.index_cast %add3A_341 : i32 to index
      %swap3A_343 = tpu.vector_load %arg6[%swap3A_342] {strides = array<i32>} : memref<24576xf32, #tpu.memory_space<vmem>>, vector<16xf32>,
      tpu.vector_store %arg6[%swap3A_342], %get3A_312 {strides = array<i32>} : memref<24576xf32, #tpu.memory_space<vmem>>, vector<16xf32>,
      %gt3A_344 = arith.constant 0 : i32
      %gt3A_345 = arith.cmpi sgt, %squeeze3A, %gt3A_344 : i32
      %lt3A = arith.constant 24512 : i32
      %lt3A_346 = arith.cmpi slt, %scan3A_298, %lt3A : i32
      %and3A = arith.andi %gt3A_345, %lt3A_346 : i1
      %jit3A = arith.constant 32 : i32
      %jit3A_347 = arith.constant 0 : i32
      %select_n3A = arith.select %and3A, %jit3A, %jit3A_347 : i32
      %add3A_348 = arith.addi %scan3A_298, %select_n3A : i32
      %gt3A_349 = arith.cmpf ogt, %get3A_316, %scan3A_296 : vector<16xf32>
      %gt3A_350 = arith.cmpf ogt, %get3A_320, %scan3A_296 : vector<16xf32>
      %or3A_351 = arith.ori %gt3A_349, %gt3A_350 : vector<16xi1>
      %all_reduce_population_count3A_352 = tpu.all_reduce %or3A_351 {dim = 0 : i64, kind = #tpu.reduction_kind<sum>} : vector<16xi1> -> vector<16xi32>
      %slice3A_353 = vector.extract_strided_slice %all_reduce_population_count3A_352 {offsets = [0], sizes = [1], strides = [1]} : vector<16xi32> to vector<1xi32>
      %squeeze3A_354 = vector.extract %slice3A_353[0] : i32 from vector<1xi32>
      %swap3A_355 = arith.index_cast %add3A_348 : i32 to index
      %swap3A_356 = tpu.vector_load %arg6[%swap3A_355] {strides = array<i32>} : memref<24576xf32, #tpu.memory_space<vmem>>, vector<16xf32>,
      tpu.vector_store %arg6[%swap3A_355], %get3A_316 {strides = array<i32>} : memref<24576xf32, #tpu.memory_space<vmem>>, vector<16xf32>,
      %add3A_357 = arith.constant 16 : i32
      %add3A_358 = arith.addi %add3A_348, %add3A_357 : i32
      %swap3A_359 = arith.index_cast %add3A_358 : i32 to index
      %swap3A_360 = tpu.vector_load %arg6[%swap3A_359] {strides = array<i32>} : memref<24576xf32, #tpu.memory_space<vmem>>, vector<16xf32>,
      tpu.vector_store %arg6[%swap3A_359], %get3A_320 {strides = array<i32>} : memref<24576xf32, #tpu.memory_space<vmem>>, vector<16xf32>,
      %gt3A_361 = arith.constant 0 : i32
      %gt3A_362 = arith.cmpi sgt, %squeeze3A_354, %gt3A_361 : i32
      %lt3A_363 = arith.constant 24512 : i32
      %lt3A_364 = arith.cmpi slt, %add3A_348, %lt3A_363 : i32
      %and3A_365 = arith.andi %gt3A_362, %lt3A_364 : i1
      %jit3A_366 = arith.constant 32 : i32
      %jit3A_367 = arith.constant 0 : i32
      %select_n3A_368 = arith.select %and3A_365, %jit3A_366, %jit3A_367 : i32
      %add3A_369 = arith.addi %add3A_348, %select_n3A_368 : i32
      %gt3A_370 = arith.cmpf ogt, %get3A_324, %scan3A_296 : vector<16xf32>
      %gt3A_371 = arith.cmpf ogt, %get3A_328, %scan3A_296 : vector<16xf32>
      %or3A_372 = arith.ori %gt3A_370, %gt3A_371 : vector<16xi1>
      %all_reduce_population_count3A_373 = tpu.all_reduce %or3A_372 {dim = 0 : i64, kind = #tpu.reduction_kind<sum>} : vector<16xi1> -> vector<16xi32>
      %slice3A_374 = vector.extract_strided_slice %all_reduce_population_count3A_373 {offsets = [0], sizes = [1], strides = [1]} : vector<16xi32> to vector<1xi32>
      %squeeze3A_375 = vector.extract %slice3A_374[0] : i32 from vector<1xi32>
      %swap3A_376 = arith.index_cast %add3A_369 : i32 to index
      %swap3A_377 = tpu.vector_load %arg6[%swap3A_376] {strides = array<i32>} : memref<24576xf32, #tpu.memory_space<vmem>>, vector<16xf32>,
      tpu.vector_store %arg6[%swap3A_376], %get3A_324 {strides = array<i32>} : memref<24576xf32, #tpu.memory_space<vmem>>, vector<16xf32>,
      %add3A_378 = arith.constant 16 : i32
      %add3A_379 = arith.addi %add3A_369, %add3A_378 : i32
      %swap3A_380 = arith.index_cast %add3A_379 : i32 to index
      %swap3A_381 = tpu.vector_load %arg6[%swap3A_380] {strides = array<i32>} : memref<24576xf32, #tpu.memory_space<vmem>>, vector<16xf32>,
      tpu.vector_store %arg6[%swap3A_380], %get3A_328 {strides = array<i32>} : memref<24576xf32, #tpu.memory_space<vmem>>, vector<16xf32>,
      %gt3A_382 = arith.constant 0 : i32
      %gt3A_383 = arith.cmpi sgt, %squeeze3A_375, %gt3A_382 : i32
      %lt3A_384 = arith.constant 24512 : i32
      %lt3A_385 = arith.cmpi slt, %add3A_369, %lt3A_384 : i32
      %and3A_386 = arith.andi %gt3A_383, %lt3A_385 : i1
      %jit3A_387 = arith.constant 32 : i32
      %jit3A_388 = arith.constant 0 : i32
      %select_n3A_389 = arith.select %and3A_386, %jit3A_387, %jit3A_388 : i32
      %add3A_390 = arith.addi %add3A_369, %select_n3A_389 : i32
      %gt3A_391 = arith.cmpf ogt, %get3A_332, %scan3A_296 : vector<16xf32>
      %gt3A_392 = arith.cmpf ogt, %get3A_336, %scan3A_296 : vector<16xf32>
      %or3A_393 = arith.ori %gt3A_391, %gt3A_392 : vector<16xi1>
      %all_reduce_population_count3A_394 = tpu.all_reduce %or3A_393 {dim = 0 : i64, kind = #tpu.reduction_kind<sum>} : vector<16xi1> -> vector<16xi32>
      %slice3A_395 = vector.extract_strided_slice %all_reduce_population_count3A_394 {offsets = [0], sizes = [1], strides = [1]} : vector<16xi32> to vector<1xi32>
      %squeeze3A_396 = vector.extract %slice3A_395[0] : i32 from vector<1xi32>
      %swap3A_397 = arith.index_cast %add3A_390 : i32 to index
      %swap3A_398 = tpu.vector_load %arg6[%swap3A_397] {strides = array<i32>} : memref<24576xf32, #tpu.memory_space<vmem>>, vector<16xf32>,
      tpu.vector_store %arg6[%swap3A_397], %get3A_332 {strides = array<i32>} : memref<24576xf32, #tpu.memory_space<vmem>>, vector<16xf32>,
      %add3A_399 = arith.constant 16 : i32
      %add3A_400 = arith.addi %add3A_390, %add3A_399 : i32
      %swap3A_401 = arith.index_cast %add3A_400 : i32 to index
      %swap3A_402 = tpu.vector_load %arg6[%swap3A_401] {strides = array<i32>} : memref<24576xf32, #tpu.memory_space<vmem>>, vector<16xf32>,
      tpu.vector_store %arg6[%swap3A_401], %get3A_336 {strides = array<i32>} : memref<24576xf32, #tpu.memory_space<vmem>>, vector<16xf32>,
      %gt3A_403 = arith.constant 0 : i32
      %gt3A_404 = arith.cmpi sgt, %squeeze3A_396, %gt3A_403 : i32
      %lt3A_405 = arith.constant 24512 : i32
      %lt3A_406 = arith.cmpi slt, %add3A_390, %lt3A_405 : i32
      %and3A_407 = arith.andi %gt3A_404, %lt3A_406 : i1
      %jit3A_408 = arith.constant 32 : i32
      %jit3A_409 = arith.constant 0 : i32
      %select_n3A_410 = arith.select %and3A_407, %jit3A_408, %jit3A_409 : i32
      %add3A_411 = arith.addi %add3A_390, %select_n3A_410 : i32
      %max3A_412 = arith.maximumf %get3A_308, %get3A_312 : vector<16xf32>
      %max3A_413 = arith.maximumf %get3A_316, %get3A_320 : vector<16xf32>
      %max3A_414 = arith.maximumf %get3A_324, %get3A_328 : vector<16xf32>
      %max3A_415 = arith.maximumf %get3A_332, %get3A_336 : vector<16xf32>
      %max3A_416 = arith.maximumf %max3A_412, %max3A_413 : vector<16xf32>
      %max3A_417 = arith.maximumf %max3A_414, %max3A_415 : vector<16xf32>
      %max3A_418 = arith.maximumf %max3A_416, %max3A_417 : vector<16xf32>
      %max3A_419 = arith.maximumf %scan3A_295, %max3A_418 : vector<16xf32>
      %mul3A_420 = arith.constant 4 : i32
      %mul3A_421 = arith.muli %scan3A_294, %mul3A_420 : i32
      %add3A_422 = arith.constant 1 : i32
      %add3A_423 = arith.addi %mul3A_421, %add3A_422 : i32
      %mul3A_424 = arith.constant 128 : i32
      %mul3A_425 = arith.muli %add3A_423, %mul3A_424 : i32
      %add3A_426 = arith.constant 0 : i32
      %add3A_427 = arith.addi %mul3A_425, %add3A_426 : i32
      %get3A_428 = arith.index_cast %add3A_427 : i32 to index
      %get3A_429 = tpu.vector_load %arg4[%get3A_428] {strides = array<i32>} : memref<32768xf32, #tpu.memory_space<vmem>>, vector<16xf32>,
      %add3A_430 = arith.constant 16 : i32
      %add3A_431 = arith.addi %mul3A_425, %add3A_430 : i32
      %get3A_432 = arith.index_cast %add3A_431 : i32 to index
      %get3A_433 = tpu.vector_load %arg4[%get3A_432] {strides = array<i32>} : memref<32768xf32, #tpu.memory_space<vmem>>, vector<16xf32>,
      %add3A_434 = arith.constant 32 : i32
      %add3A_435 = arith.addi %mul3A_425, %add3A_434 : i32
      %get3A_436 = arith.index_cast %add3A_435 : i32 to index
      %get3A_437 = tpu.vector_load %arg4[%get3A_436] {strides = array<i32>} : memref<32768xf32, #tpu.memory_space<vmem>>, vector<16xf32>,
      %add3A_438 = arith.constant 48 : i32
      %add3A_439 = arith.addi %mul3A_425, %add3A_438 : i32
      %get3A_440 = arith.index_cast %add3A_439 : i32 to index
      %get3A_441 = tpu.vector_load %arg4[%get3A_440] {strides = array<i32>} : memref<32768xf32, #tpu.memory_space<vmem>>, vector<16xf32>,
      %add3A_442 = arith.constant 64 : i32
      %add3A_443 = arith.addi %mul3A_425, %add3A_442 : i32
      %get3A_444 = arith.index_cast %add3A_443 : i32 to index
      %get3A_445 = tpu.vector_load %arg4[%get3A_444] {strides = array<i32>} : memref<32768xf32, #tpu.memory_space<vmem>>, vector<16xf32>,
      %add3A_446 = arith.constant 80 : i32
      %add3A_447 = arith.addi %mul3A_425, %add3A_446 : i32
      %get3A_448 = arith.index_cast %add3A_447 : i32 to index
      %get3A_449 = tpu.vector_load %arg4[%get3A_448] {strides = array<i32>} : memref<32768xf32, #tpu.memory_space<vmem>>, vector<16xf32>,
      %add3A_450 = arith.constant 96 : i32
      %add3A_451 = arith.addi %mul3A_425, %add3A_450 : i32
      %get3A_452 = arith.index_cast %add3A_451 : i32 to index
      %get3A_453 = tpu.vector_load %arg4[%get3A_452] {strides = array<i32>} : memref<32768xf32, #tpu.memory_space<vmem>>, vector<16xf32>,
      %add3A_454 = arith.constant 112 : i32
      %add3A_455 = arith.addi %mul3A_425, %add3A_454 : i32
      %get3A_456 = arith.index_cast %add3A_455 : i32 to index
      %get3A_457 = tpu.vector_load %arg4[%get3A_456] {strides = array<i32>} : memref<32768xf32, #tpu.memory_space<vmem>>, vector<16xf32>,
      %gt3A_458 = arith.cmpf ogt, %get3A_429, %scan3A_296 : vector<16xf32>
      %gt3A_459 = arith.cmpf ogt, %get3A_433, %scan3A_296 : vector<16xf32>
      %or3A_460 = arith.ori %gt3A_458, %gt3A_459 : vector<16xi1>
      %all_reduce_population_count3A_461 = tpu.all_reduce %or3A_460 {dim = 0 : i64, kind = #tpu.reduction_kind<sum>} : vector<16xi1> -> vector<16xi32>
      %slice3A_462 = vector.extract_strided_slice %all_reduce_population_count3A_461 {offsets = [0], sizes = [1], strides = [1]} : vector<16xi32> to vector<1xi32>
      %squeeze3A_463 = vector.extract %slice3A_462[0] : i32 from vector<1xi32>
      %swap3A_464 = arith.index_cast %add3A_411 : i32 to index
      %swap3A_465 = tpu.vector_load %arg6[%swap3A_464] {strides = array<i32>} : memref<24576xf32, #tpu.memory_space<vmem>>, vector<16xf32>,
      tpu.vector_store %arg6[%swap3A_464], %get3A_429 {strides = array<i32>} : memref<24576xf32, #tpu.memory_space<vmem>>, vector<16xf32>,
      %add3A_466 = arith.constant 16 : i32
      %add3A_467 = arith.addi %add3A_411, %add3A_466 : i32
      %swap3A_468 = arith.index_cast %add3A_467 : i32 to index
      %swap3A_469 = tpu.vector_load %arg6[%swap3A_468] {strides = array<i32>} : memref<24576xf32, #tpu.memory_space<vmem>>, vector<16xf32>,
      tpu.vector_store %arg6[%swap3A_468], %get3A_433 {strides = array<i32>} : memref<24576xf32, #tpu.memory_space<vmem>>, vector<16xf32>,
      %gt3A_470 = arith.constant 0 : i32
      %gt3A_471 = arith.cmpi sgt, %squeeze3A_463, %gt3A_470 : i32
      %lt3A_472 = arith.constant 24512 : i32
      %lt3A_473 = arith.cmpi slt, %add3A_411, %lt3A_472 : i32
      %and3A_474 = arith.andi %gt3A_471, %lt3A_473 : i1
      %jit3A_475 = arith.constant 32 : i32
      %jit3A_476 = arith.constant 0 : i32
      %select_n3A_477 = arith.select %and3A_474, %jit3A_475, %jit3A_476 : i32
      %add3A_478 = arith.addi %add3A_411, %select_n3A_477 : i32
      %gt3A_479 = arith.cmpf ogt, %get3A_437, %scan3A_296 : vector<16xf32>
      %gt3A_480 = arith.cmpf ogt, %get3A_441, %scan3A_296 : vector<16xf32>
      %or3A_481 = arith.ori %gt3A_479, %gt3A_480 : vector<16xi1>
      %all_reduce_population_count3A_482 = tpu.all_reduce %or3A_481 {dim = 0 : i64, kind = #tpu.reduction_kind<sum>} : vector<16xi1> -> vector<16xi32>
      %slice3A_483 = vector.extract_strided_slice %all_reduce_population_count3A_482 {offsets = [0], sizes = [1], strides = [1]} : vector<16xi32> to vector<1xi32>
      %squeeze3A_484 = vector.extract %slice3A_483[0] : i32 from vector<1xi32>
      %swap3A_485 = arith.index_cast %add3A_478 : i32 to index
      %swap3A_486 = tpu.vector_load %arg6[%swap3A_485] {strides = array<i32>} : memref<24576xf32, #tpu.memory_space<vmem>>, vector<16xf32>,
      tpu.vector_store %arg6[%swap3A_485], %get3A_437 {strides = array<i32>} : memref<24576xf32, #tpu.memory_space<vmem>>, vector<16xf32>,
      %add3A_487 = arith.constant 16 : i32
      %add3A_488 = arith.addi %add3A_478, %add3A_487 : i32
      %swap3A_489 = arith.index_cast %add3A_488 : i32 to index
      %swap3A_490 = tpu.vector_load %arg6[%swap3A_489] {strides = array<i32>} : memref<24576xf32, #tpu.memory_space<vmem>>, vector<16xf32>,
      tpu.vector_store %arg6[%swap3A_489], %get3A_441 {strides = array<i32>} : memref<24576xf32, #tpu.memory_space<vmem>>, vector<16xf32>,
      %gt3A_491 = arith.constant 0 : i32
      %gt3A_492 = arith.cmpi sgt, %squeeze3A_484, %gt3A_491 : i32
      %lt3A_493 = arith.constant 24512 : i32
      %lt3A_494 = arith.cmpi slt, %add3A_478, %lt3A_493 : i32
      %and3A_495 = arith.andi %gt3A_492, %lt3A_494 : i1
      %jit3A_496 = arith.constant 32 : i32
      %jit3A_497 = arith.constant 0 : i32
      %select_n3A_498 = arith.select %and3A_495, %jit3A_496, %jit3A_497 : i32
      %add3A_499 = arith.addi %add3A_478, %select_n3A_498 : i32
      %gt3A_500 = arith.cmpf ogt, %get3A_445, %scan3A_296 : vector<16xf32>
      %gt3A_501 = arith.cmpf ogt, %get3A_449, %scan3A_296 : vector<16xf32>
      %or3A_502 = arith.ori %gt3A_500, %gt3A_501 : vector<16xi1>
      %all_reduce_population_count3A_503 = tpu.all_reduce %or3A_502 {dim = 0 : i64, kind = #tpu.reduction_kind<sum>} : vector<16xi1> -> vector<16xi32>
      %slice3A_504 = vector.extract_strided_slice %all_reduce_population_count3A_503 {offsets = [0], sizes = [1], strides = [1]} : vector<16xi32> to vector<1xi32>
      %squeeze3A_505 = vector.extract %slice3A_504[0] : i32 from vector<1xi32>
      %swap3A_506 = arith.index_cast %add3A_499 : i32 to index
      %swap3A_507 = tpu.vector_load %arg6[%swap3A_506] {strides = array<i32>} : memref<24576xf32, #tpu.memory_space<vmem>>, vector<16xf32>,
      tpu.vector_store %arg6[%swap3A_506], %get3A_445 {strides = array<i32>} : memref<24576xf32, #tpu.memory_space<vmem>>, vector<16xf32>,
      %add3A_508 = arith.constant 16 : i32
      %add3A_509 = arith.addi %add3A_499, %add3A_508 : i32
      %swap3A_510 = arith.index_cast %add3A_509 : i32 to index
      %swap3A_511 = tpu.vector_load %arg6[%swap3A_510] {strides = array<i32>} : memref<24576xf32, #tpu.memory_space<vmem>>, vector<16xf32>,
      tpu.vector_store %arg6[%swap3A_510], %get3A_449 {strides = array<i32>} : memref<24576xf32, #tpu.memory_space<vmem>>, vector<16xf32>,
      %gt3A_512 = arith.constant 0 : i32
      %gt3A_513 = arith.cmpi sgt, %squeeze3A_505, %gt3A_512 : i32
      %lt3A_514 = arith.constant 24512 : i32
      %lt3A_515 = arith.cmpi slt, %add3A_499, %lt3A_514 : i32
      %and3A_516 = arith.andi %gt3A_513, %lt3A_515 : i1
      %jit3A_517 = arith.constant 32 : i32
      %jit3A_518 = arith.constant 0 : i32
      %select_n3A_519 = arith.select %and3A_516, %jit3A_517, %jit3A_518 : i32
      %add3A_520 = arith.addi %add3A_499, %select_n3A_519 : i32
      %gt3A_521 = arith.cmpf ogt, %get3A_453, %scan3A_296 : vector<16xf32>
      %gt3A_522 = arith.cmpf ogt, %get3A_457, %scan3A_296 : vector<16xf32>
      %or3A_523 = arith.ori %gt3A_521, %gt3A_522 : vector<16xi1>
      %all_reduce_population_count3A_524 = tpu.all_reduce %or3A_523 {dim = 0 : i64, kind = #tpu.reduction_kind<sum>} : vector<16xi1> -> vector<16xi32>
      %slice3A_525 = vector.extract_strided_slice %all_reduce_population_count3A_524 {offsets = [0], sizes = [1], strides = [1]} : vector<16xi32> to vector<1xi32>
      %squeeze3A_526 = vector.extract %slice3A_525[0] : i32 from vector<1xi32>
      %swap3A_527 = arith.index_cast %add3A_520 : i32 to index
      %swap3A_528 = tpu.vector_load %arg6[%swap3A_527] {strides = array<i32>} : memref<24576xf32, #tpu.memory_space<vmem>>, vector<16xf32>,
      tpu.vector_store %arg6[%swap3A_527], %get3A_453 {strides = array<i32>} : memref<24576xf32, #tpu.memory_space<vmem>>, vector<16xf32>,
      %add3A_529 = arith.constant 16 : i32
      %add3A_530 = arith.addi %add3A_520, %add3A_529 : i32
      %swap3A_531 = arith.index_cast %add3A_530 : i32 to index
      %swap3A_532 = tpu.vector_load %arg6[%swap3A_531] {strides = array<i32>} : memref<24576xf32, #tpu.memory_space<vmem>>, vector<16xf32>,
      tpu.vector_store %arg6[%swap3A_531], %get3A_457 {strides = array<i32>} : memref<24576xf32, #tpu.memory_space<vmem>>, vector<16xf32>,
      %gt3A_533 = arith.constant 0 : i32
      %gt3A_534 = arith.cmpi sgt, %squeeze3A_526, %gt3A_533 : i32
      %lt3A_535 = arith.constant 24512 : i32
      %lt3A_536 = arith.cmpi slt, %add3A_520, %lt3A_535 : i32
      %and3A_537 = arith.andi %gt3A_534, %lt3A_536 : i1
      %jit3A_538 = arith.constant 32 : i32
      %jit3A_539 = arith.constant 0 : i32
      %select_n3A_540 = arith.select %and3A_537, %jit3A_538, %jit3A_539 : i32
      %add3A_541 = arith.addi %add3A_520, %select_n3A_540 : i32
      %max3A_542 = arith.maximumf %get3A_429, %get3A_433 : vector<16xf32>
      %max3A_543 = arith.maximumf %get3A_437, %get3A_441 : vector<16xf32>
      %max3A_544 = arith.maximumf %get3A_445, %get3A_449 : vector<16xf32>
      %max3A_545 = arith.maximumf %get3A_453, %get3A_457 : vector<16xf32>
      %max3A_546 = arith.maximumf %max3A_542, %max3A_543 : vector<16xf32>
      %max3A_547 = arith.maximumf %max3A_544, %max3A_545 : vector<16xf32>
      %max3A_548 = arith.maximumf %max3A_546, %max3A_547 : vector<16xf32>
      %max3A_549 = arith.maximumf %max3A_419, %max3A_548 : vector<16xf32>
      %mul3A_550 = arith.constant 4 : i32
      %mul3A_551 = arith.muli %scan3A_294, %mul3A_550 : i32
      %add3A_552 = arith.constant 2 : i32
      %add3A_553 = arith.addi %mul3A_551, %add3A_552 : i32
      %mul3A_554 = arith.constant 128 : i32
      %mul3A_555 = arith.muli %add3A_553, %mul3A_554 : i32
      %add3A_556 = arith.constant 0 : i32
      %add3A_557 = arith.addi %mul3A_555, %add3A_556 : i32
      %get3A_558 = arith.index_cast %add3A_557 : i32 to index
      %get3A_559 = tpu.vector_load %arg4[%get3A_558] {strides = array<i32>} : memref<32768xf32, #tpu.memory_space<vmem>>, vector<16xf32>,
      %add3A_560 = arith.constant 16 : i32
      %add3A_561 = arith.addi %mul3A_555, %add3A_560 : i32
      %get3A_562 = arith.index_cast %add3A_561 : i32 to index
      %get3A_563 = tpu.vector_load %arg4[%get3A_562] {strides = array<i32>} : memref<32768xf32, #tpu.memory_space<vmem>>, vector<16xf32>,
      %add3A_564 = arith.constant 32 : i32
      %add3A_565 = arith.addi %mul3A_555, %add3A_564 : i32
      %get3A_566 = arith.index_cast %add3A_565 : i32 to index
      %get3A_567 = tpu.vector_load %arg4[%get3A_566] {strides = array<i32>} : memref<32768xf32, #tpu.memory_space<vmem>>, vector<16xf32>,
      %add3A_568 = arith.constant 48 : i32
      %add3A_569 = arith.addi %mul3A_555, %add3A_568 : i32
      %get3A_570 = arith.index_cast %add3A_569 : i32 to index
      %get3A_571 = tpu.vector_load %arg4[%get3A_570] {strides = array<i32>} : memref<32768xf32, #tpu.memory_space<vmem>>, vector<16xf32>,
      %add3A_572 = arith.constant 64 : i32
      %add3A_573 = arith.addi %mul3A_555, %add3A_572 : i32
      %get3A_574 = arith.index_cast %add3A_573 : i32 to index
      %get3A_575 = tpu.vector_load %arg4[%get3A_574] {strides = array<i32>} : memref<32768xf32, #tpu.memory_space<vmem>>, vector<16xf32>,
      %add3A_576 = arith.constant 80 : i32
      %add3A_577 = arith.addi %mul3A_555, %add3A_576 : i32
      %get3A_578 = arith.index_cast %add3A_577 : i32 to index
      %get3A_579 = tpu.vector_load %arg4[%get3A_578] {strides = array<i32>} : memref<32768xf32, #tpu.memory_space<vmem>>, vector<16xf32>,
      %add3A_580 = arith.constant 96 : i32
      %add3A_581 = arith.addi %mul3A_555, %add3A_580 : i32
      %get3A_582 = arith.index_cast %add3A_581 : i32 to index
      %get3A_583 = tpu.vector_load %arg4[%get3A_582] {strides = array<i32>} : memref<32768xf32, #tpu.memory_space<vmem>>, vector<16xf32>,
      %add3A_584 = arith.constant 112 : i32
      %add3A_585 = arith.addi %mul3A_555, %add3A_584 : i32
      %get3A_586 = arith.index_cast %add3A_585 : i32 to index
      %get3A_587 = tpu.vector_load %arg4[%get3A_586] {strides = array<i32>} : memref<32768xf32, #tpu.memory_space<vmem>>, vector<16xf32>,
      %gt3A_588 = arith.cmpf ogt, %get3A_559, %scan3A_296 : vector<16xf32>
      %gt3A_589 = arith.cmpf ogt, %get3A_563, %scan3A_296 : vector<16xf32>
      %or3A_590 = arith.ori %gt3A_588, %gt3A_589 : vector<16xi1>
      %all_reduce_population_count3A_591 = tpu.all_reduce %or3A_590 {dim = 0 : i64, kind = #tpu.reduction_kind<sum>} : vector<16xi1> -> vector<16xi32>
      %slice3A_592 = vector.extract_strided_slice %all_reduce_population_count3A_591 {offsets = [0], sizes = [1], strides = [1]} : vector<16xi32> to vector<1xi32>
      %squeeze3A_593 = vector.extract %slice3A_592[0] : i32 from vector<1xi32>
      %swap3A_594 = arith.index_cast %add3A_541 : i32 to index
      %swap3A_595 = tpu.vector_load %arg6[%swap3A_594] {strides = array<i32>} : memref<24576xf32, #tpu.memory_space<vmem>>, vector<16xf32>,
      tpu.vector_store %arg6[%swap3A_594], %get3A_559 {strides = array<i32>} : memref<24576xf32, #tpu.memory_space<vmem>>, vector<16xf32>,
      %add3A_596 = arith.constant 16 : i32
      %add3A_597 = arith.addi %add3A_541, %add3A_596 : i32
      %swap3A_598 = arith.index_cast %add3A_597 : i32 to index
      %swap3A_599 = tpu.vector_load %arg6[%swap3A_598] {strides = array<i32>} : memref<24576xf32, #tpu.memory_space<vmem>>, vector<16xf32>,
      tpu.vector_store %arg6[%swap3A_598], %get3A_563 {strides = array<i32>} : memref<24576xf32, #tpu.memory_space<vmem>>, vector<16xf32>,
      %gt3A_600 = arith.constant 0 : i32
      %gt3A_601 = arith.cmpi sgt, %squeeze3A_593, %gt3A_600 : i32
      %lt3A_602 = arith.constant 24512 : i32
      %lt3A_603 = arith.cmpi slt, %add3A_541, %lt3A_602 : i32
      %and3A_604 = arith.andi %gt3A_601, %lt3A_603 : i1
      %jit3A_605 = arith.constant 32 : i32
      %jit3A_606 = arith.constant 0 : i32
      %select_n3A_607 = arith.select %and3A_604, %jit3A_605, %jit3A_606 : i32
      %add3A_608 = arith.addi %add3A_541, %select_n3A_607 : i32
      %gt3A_609 = arith.cmpf ogt, %get3A_567, %scan3A_296 : vector<16xf32>
      %gt3A_610 = arith.cmpf ogt, %get3A_571, %scan3A_296 : vector<16xf32>
      %or3A_611 = arith.ori %gt3A_609, %gt3A_610 : vector<16xi1>
      %all_reduce_population_count3A_612 = tpu.all_reduce %or3A_611 {dim = 0 : i64, kind = #tpu.reduction_kind<sum>} : vector<16xi1> -> vector<16xi32>
      %slice3A_613 = vector.extract_strided_slice %all_reduce_population_count3A_612 {offsets = [0], sizes = [1], strides = [1]} : vector<16xi32> to vector<1xi32>
      %squeeze3A_614 = vector.extract %slice3A_613[0] : i32 from vector<1xi32>
      %swap3A_615 = arith.index_cast %add3A_608 : i32 to index
      %swap3A_616 = tpu.vector_load %arg6[%swap3A_615] {strides = array<i32>} : memref<24576xf32, #tpu.memory_space<vmem>>, vector<16xf32>,
      tpu.vector_store %arg6[%swap3A_615], %get3A_567 {strides = array<i32>} : memref<24576xf32, #tpu.memory_space<vmem>>, vector<16xf32>,
      %add3A_617 = arith.constant 16 : i32
      %add3A_618 = arith.addi %add3A_608, %add3A_617 : i32
      %swap3A_619 = arith.index_cast %add3A_618 : i32 to index
      %swap3A_620 = tpu.vector_load %arg6[%swap3A_619] {strides = array<i32>} : memref<24576xf32, #tpu.memory_space<vmem>>, vector<16xf32>,
      tpu.vector_store %arg6[%swap3A_619], %get3A_571 {strides = array<i32>} : memref<24576xf32, #tpu.memory_space<vmem>>, vector<16xf32>,
      %gt3A_621 = arith.constant 0 : i32
      %gt3A_622 = arith.cmpi sgt, %squeeze3A_614, %gt3A_621 : i32
      %lt3A_623 = arith.constant 24512 : i32
      %lt3A_624 = arith.cmpi slt, %add3A_608, %lt3A_623 : i32
      %and3A_625 = arith.andi %gt3A_622, %lt3A_624 : i1
      %jit3A_626 = arith.constant 32 : i32
      %jit3A_627 = arith.constant 0 : i32
      %select_n3A_628 = arith.select %and3A_625, %jit3A_626, %jit3A_627 : i32
      %add3A_629 = arith.addi %add3A_608, %select_n3A_628 : i32
      %gt3A_630 = arith.cmpf ogt, %get3A_575, %scan3A_296 : vector<16xf32>
      %gt3A_631 = arith.cmpf ogt, %get3A_579, %scan3A_296 : vector<16xf32>
      %or3A_632 = arith.ori %gt3A_630, %gt3A_631 : vector<16xi1>
      %all_reduce_population_count3A_633 = tpu.all_reduce %or3A_632 {dim = 0 : i64, kind = #tpu.reduction_kind<sum>} : vector<16xi1> -> vector<16xi32>
      %slice3A_634 = vector.extract_strided_slice %all_reduce_population_count3A_633 {offsets = [0], sizes = [1], strides = [1]} : vector<16xi32> to vector<1xi32>
      %squeeze3A_635 = vector.extract %slice3A_634[0] : i32 from vector<1xi32>
      %swap3A_636 = arith.index_cast %add3A_629 : i32 to index
      %swap3A_637 = tpu.vector_load %arg6[%swap3A_636] {strides = array<i32>} : memref<24576xf32, #tpu.memory_space<vmem>>, vector<16xf32>,
      tpu.vector_store %arg6[%swap3A_636], %get3A_575 {strides = array<i32>} : memref<24576xf32, #tpu.memory_space<vmem>>, vector<16xf32>,
      %add3A_638 = arith.constant 16 : i32
      %add3A_639 = arith.addi %add3A_629, %add3A_638 : i32
      %swap3A_640 = arith.index_cast %add3A_639 : i32 to index
      %swap3A_641 = tpu.vector_load %arg6[%swap3A_640] {strides = array<i32>} : memref<24576xf32, #tpu.memory_space<vmem>>, vector<16xf32>,
      tpu.vector_store %arg6[%swap3A_640], %get3A_579 {strides = array<i32>} : memref<24576xf32, #tpu.memory_space<vmem>>, vector<16xf32>,
      %gt3A_642 = arith.constant 0 : i32
      %gt3A_643 = arith.cmpi sgt, %squeeze3A_635, %gt3A_642 : i32
      %lt3A_644 = arith.constant 24512 : i32
      %lt3A_645 = arith.cmpi slt, %add3A_629, %lt3A_644 : i32
      %and3A_646 = arith.andi %gt3A_643, %lt3A_645 : i1
      %jit3A_647 = arith.constant 32 : i32
      %jit3A_648 = arith.constant 0 : i32
      %select_n3A_649 = arith.select %and3A_646, %jit3A_647, %jit3A_648 : i32
      %add3A_650 = arith.addi %add3A_629, %select_n3A_649 : i32
      %gt3A_651 = arith.cmpf ogt, %get3A_583, %scan3A_296 : vector<16xf32>
      %gt3A_652 = arith.cmpf ogt, %get3A_587, %scan3A_296 : vector<16xf32>
      %or3A_653 = arith.ori %gt3A_651, %gt3A_652 : vector<16xi1>
      %all_reduce_population_count3A_654 = tpu.all_reduce %or3A_653 {dim = 0 : i64, kind = #tpu.reduction_kind<sum>} : vector<16xi1> -> vector<16xi32>
      %slice3A_655 = vector.extract_strided_slice %all_reduce_population_count3A_654 {offsets = [0], sizes = [1], strides = [1]} : vector<16xi32> to vector<1xi32>
      %squeeze3A_656 = vector.extract %slice3A_655[0] : i32 from vector<1xi32>
      %swap3A_657 = arith.index_cast %add3A_650 : i32 to index
      %swap3A_658 = tpu.vector_load %arg6[%swap3A_657] {strides = array<i32>} : memref<24576xf32, #tpu.memory_space<vmem>>, vector<16xf32>,
      tpu.vector_store %arg6[%swap3A_657], %get3A_583 {strides = array<i32>} : memref<24576xf32, #tpu.memory_space<vmem>>, vector<16xf32>,
      %add3A_659 = arith.constant 16 : i32
      %add3A_660 = arith.addi %add3A_650, %add3A_659 : i32
      %swap3A_661 = arith.index_cast %add3A_660 : i32 to index
      %swap3A_662 = tpu.vector_load %arg6[%swap3A_661] {strides = array<i32>} : memref<24576xf32, #tpu.memory_space<vmem>>, vector<16xf32>,
      tpu.vector_store %arg6[%swap3A_661], %get3A_587 {strides = array<i32>} : memref<24576xf32, #tpu.memory_space<vmem>>, vector<16xf32>,
      %gt3A_663 = arith.constant 0 : i32
      %gt3A_664 = arith.cmpi sgt, %squeeze3A_656, %gt3A_663 : i32
      %lt3A_665 = arith.constant 24512 : i32
      %lt3A_666 = arith.cmpi slt, %add3A_650, %lt3A_665 : i32
      %and3A_667 = arith.andi %gt3A_664, %lt3A_666 : i1
      %jit3A_668 = arith.constant 32 : i32
      %jit3A_669 = arith.constant 0 : i32
      %select_n3A_670 = arith.select %and3A_667, %jit3A_668, %jit3A_669 : i32
      %add3A_671 = arith.addi %add3A_650, %select_n3A_670 : i32
      %max3A_672 = arith.maximumf %get3A_559, %get3A_563 : vector<16xf32>
      %max3A_673 = arith.maximumf %get3A_567, %get3A_571 : vector<16xf32>
      %max3A_674 = arith.maximumf %get3A_575, %get3A_579 : vector<16xf32>
      %max3A_675 = arith.maximumf %get3A_583, %get3A_587 : vector<16xf32>
      %max3A_676 = arith.maximumf %max3A_672, %max3A_673 : vector<16xf32>
      %max3A_677 = arith.maximumf %max3A_674, %max3A_675 : vector<16xf32>
      %max3A_678 = arith.maximumf %max3A_676, %max3A_677 : vector<16xf32>
      %max3A_679 = arith.maximumf %max3A_549, %max3A_678 : vector<16xf32>
      %mul3A_680 = arith.constant 4 : i32
      %mul3A_681 = arith.muli %scan3A_294, %mul3A_680 : i32
      %add3A_682 = arith.constant 3 : i32
      %add3A_683 = arith.addi %mul3A_681, %add3A_682 : i32
      %mul3A_684 = arith.constant 128 : i32
      %mul3A_685 = arith.muli %add3A_683, %mul3A_684 : i32
      %add3A_686 = arith.constant 0 : i32
      %add3A_687 = arith.addi %mul3A_685, %add3A_686 : i32
      %get3A_688 = arith.index_cast %add3A_687 : i32 to index
      %get3A_689 = tpu.vector_load %arg4[%get3A_688] {strides = array<i32>} : memref<32768xf32, #tpu.memory_space<vmem>>, vector<16xf32>,
      %add3A_690 = arith.constant 16 : i32
      %add3A_691 = arith.addi %mul3A_685, %add3A_690 : i32
      %get3A_692 = arith.index_cast %add3A_691 : i32 to index
      %get3A_693 = tpu.vector_load %arg4[%get3A_692] {strides = array<i32>} : memref<32768xf32, #tpu.memory_space<vmem>>, vector<16xf32>,
      %add3A_694 = arith.constant 32 : i32
      %add3A_695 = arith.addi %mul3A_685, %add3A_694 : i32
      %get3A_696 = arith.index_cast %add3A_695 : i32 to index
      %get3A_697 = tpu.vector_load %arg4[%get3A_696] {strides = array<i32>} : memref<32768xf32, #tpu.memory_space<vmem>>, vector<16xf32>,
      %add3A_698 = arith.constant 48 : i32
      %add3A_699 = arith.addi %mul3A_685, %add3A_698 : i32
      %get3A_700 = arith.index_cast %add3A_699 : i32 to index
      %get3A_701 = tpu.vector_load %arg4[%get3A_700] {strides = array<i32>} : memref<32768xf32, #tpu.memory_space<vmem>>, vector<16xf32>,
      %add3A_702 = arith.constant 64 : i32
      %add3A_703 = arith.addi %mul3A_685, %add3A_702 : i32
      %get3A_704 = arith.index_cast %add3A_703 : i32 to index
      %get3A_705 = tpu.vector_load %arg4[%get3A_704] {strides = array<i32>} : memref<32768xf32, #tpu.memory_space<vmem>>, vector<16xf32>,
      %add3A_706 = arith.constant 80 : i32
      %add3A_707 = arith.addi %mul3A_685, %add3A_706 : i32
      %get3A_708 = arith.index_cast %add3A_707 : i32 to index
      %get3A_709 = tpu.vector_load %arg4[%get3A_708] {strides = array<i32>} : memref<32768xf32, #tpu.memory_space<vmem>>, vector<16xf32>,
      %add3A_710 = arith.constant 96 : i32
      %add3A_711 = arith.addi %mul3A_685, %add3A_710 : i32
      %get3A_712 = arith.index_cast %add3A_711 : i32 to index
      %get3A_713 = tpu.vector_load %arg4[%get3A_712] {strides = array<i32>} : memref<32768xf32, #tpu.memory_space<vmem>>, vector<16xf32>,
      %add3A_714 = arith.constant 112 : i32
      %add3A_715 = arith.addi %mul3A_685, %add3A_714 : i32
      %get3A_716 = arith.index_cast %add3A_715 : i32 to index
      %get3A_717 = tpu.vector_load %arg4[%get3A_716] {strides = array<i32>} : memref<32768xf32, #tpu.memory_space<vmem>>, vector<16xf32>,
      %gt3A_718 = arith.cmpf ogt, %get3A_689, %scan3A_296 : vector<16xf32>
      %gt3A_719 = arith.cmpf ogt, %get3A_693, %scan3A_296 : vector<16xf32>
      %or3A_720 = arith.ori %gt3A_718, %gt3A_719 : vector<16xi1>
      %all_reduce_population_count3A_721 = tpu.all_reduce %or3A_720 {dim = 0 : i64, kind = #tpu.reduction_kind<sum>} : vector<16xi1> -> vector<16xi32>
      %slice3A_722 = vector.extract_strided_slice %all_reduce_population_count3A_721 {offsets = [0], sizes = [1], strides = [1]} : vector<16xi32> to vector<1xi32>
      %squeeze3A_723 = vector.extract %slice3A_722[0] : i32 from vector<1xi32>
      %swap3A_724 = arith.index_cast %add3A_671 : i32 to index
      %swap3A_725 = tpu.vector_load %arg6[%swap3A_724] {strides = array<i32>} : memref<24576xf32, #tpu.memory_space<vmem>>, vector<16xf32>,
      tpu.vector_store %arg6[%swap3A_724], %get3A_689 {strides = array<i32>} : memref<24576xf32, #tpu.memory_space<vmem>>, vector<16xf32>,
      %add3A_726 = arith.constant 16 : i32
      %add3A_727 = arith.addi %add3A_671, %add3A_726 : i32
      %swap3A_728 = arith.index_cast %add3A_727 : i32 to index
      %swap3A_729 = tpu.vector_load %arg6[%swap3A_728] {strides = array<i32>} : memref<24576xf32, #tpu.memory_space<vmem>>, vector<16xf32>,
      tpu.vector_store %arg6[%swap3A_728], %get3A_693 {strides = array<i32>} : memref<24576xf32, #tpu.memory_space<vmem>>, vector<16xf32>,
      %gt3A_730 = arith.constant 0 : i32
      %gt3A_731 = arith.cmpi sgt, %squeeze3A_723, %gt3A_730 : i32
      %lt3A_732 = arith.constant 24512 : i32
      %lt3A_733 = arith.cmpi slt, %add3A_671, %lt3A_732 : i32
      %and3A_734 = arith.andi %gt3A_731, %lt3A_733 : i1
      %jit3A_735 = arith.constant 32 : i32
      %jit3A_736 = arith.constant 0 : i32
      %select_n3A_737 = arith.select %and3A_734, %jit3A_735, %jit3A_736 : i32
      %add3A_738 = arith.addi %add3A_671, %select_n3A_737 : i32
      %gt3A_739 = arith.cmpf ogt, %get3A_697, %scan3A_296 : vector<16xf32>
      %gt3A_740 = arith.cmpf ogt, %get3A_701, %scan3A_296 : vector<16xf32>
      %or3A_741 = arith.ori %gt3A_739, %gt3A_740 : vector<16xi1>
      %all_reduce_population_count3A_742 = tpu.all_reduce %or3A_741 {dim = 0 : i64, kind = #tpu.reduction_kind<sum>} : vector<16xi1> -> vector<16xi32>
      %slice3A_743 = vector.extract_strided_slice %all_reduce_population_count3A_742 {offsets = [0], sizes = [1], strides = [1]} : vector<16xi32> to vector<1xi32>
      %squeeze3A_744 = vector.extract %slice3A_743[0] : i32 from vector<1xi32>
      %swap3A_745 = arith.index_cast %add3A_738 : i32 to index
      %swap3A_746 = tpu.vector_load %arg6[%swap3A_745] {strides = array<i32>} : memref<24576xf32, #tpu.memory_space<vmem>>, vector<16xf32>,
      tpu.vector_store %arg6[%swap3A_745], %get3A_697 {strides = array<i32>} : memref<24576xf32, #tpu.memory_space<vmem>>, vector<16xf32>,
      %add3A_747 = arith.constant 16 : i32
      %add3A_748 = arith.addi %add3A_738, %add3A_747 : i32
      %swap3A_749 = arith.index_cast %add3A_748 : i32 to index
      %swap3A_750 = tpu.vector_load %arg6[%swap3A_749] {strides = array<i32>} : memref<24576xf32, #tpu.memory_space<vmem>>, vector<16xf32>,
      tpu.vector_store %arg6[%swap3A_749], %get3A_701 {strides = array<i32>} : memref<24576xf32, #tpu.memory_space<vmem>>, vector<16xf32>,
      %gt3A_751 = arith.constant 0 : i32
      %gt3A_752 = arith.cmpi sgt, %squeeze3A_744, %gt3A_751 : i32
      %lt3A_753 = arith.constant 24512 : i32
      %lt3A_754 = arith.cmpi slt, %add3A_738, %lt3A_753 : i32
      %and3A_755 = arith.andi %gt3A_752, %lt3A_754 : i1
      %jit3A_756 = arith.constant 32 : i32
      %jit3A_757 = arith.constant 0 : i32
      %select_n3A_758 = arith.select %and3A_755, %jit3A_756, %jit3A_757 : i32
      %add3A_759 = arith.addi %add3A_738, %select_n3A_758 : i32
      %gt3A_760 = arith.cmpf ogt, %get3A_705, %scan3A_296 : vector<16xf32>
      %gt3A_761 = arith.cmpf ogt, %get3A_709, %scan3A_296 : vector<16xf32>
      %or3A_762 = arith.ori %gt3A_760, %gt3A_761 : vector<16xi1>
      %all_reduce_population_count3A_763 = tpu.all_reduce %or3A_762 {dim = 0 : i64, kind = #tpu.reduction_kind<sum>} : vector<16xi1> -> vector<16xi32>
      %slice3A_764 = vector.extract_strided_slice %all_reduce_population_count3A_763 {offsets = [0], sizes = [1], strides = [1]} : vector<16xi32> to vector<1xi32>
      %squeeze3A_765 = vector.extract %slice3A_764[0] : i32 from vector<1xi32>
      %swap3A_766 = arith.index_cast %add3A_759 : i32 to index
      %swap3A_767 = tpu.vector_load %arg6[%swap3A_766] {strides = array<i32>} : memref<24576xf32, #tpu.memory_space<vmem>>, vector<16xf32>,
      tpu.vector_store %arg6[%swap3A_766], %get3A_705 {strides = array<i32>} : memref<24576xf32, #tpu.memory_space<vmem>>, vector<16xf32>,
      %add3A_768 = arith.constant 16 : i32
      %add3A_769 = arith.addi %add3A_759, %add3A_768 : i32
      %swap3A_770 = arith.index_cast %add3A_769 : i32 to index
      %swap3A_771 = tpu.vector_load %arg6[%swap3A_770] {strides = array<i32>} : memref<24576xf32, #tpu.memory_space<vmem>>, vector<16xf32>,
      tpu.vector_store %arg6[%swap3A_770], %get3A_709 {strides = array<i32>} : memref<24576xf32, #tpu.memory_space<vmem>>, vector<16xf32>,
      %gt3A_772 = arith.constant 0 : i32
      %gt3A_773 = arith.cmpi sgt, %squeeze3A_765, %gt3A_772 : i32
      %lt3A_774 = arith.constant 24512 : i32
      %lt3A_775 = arith.cmpi slt, %add3A_759, %lt3A_774 : i32
      %and3A_776 = arith.andi %gt3A_773, %lt3A_775 : i1
      %jit3A_777 = arith.constant 32 : i32
      %jit3A_778 = arith.constant 0 : i32
      %select_n3A_779 = arith.select %and3A_776, %jit3A_777, %jit3A_778 : i32
      %add3A_780 = arith.addi %add3A_759, %select_n3A_779 : i32
      %gt3A_781 = arith.cmpf ogt, %get3A_713, %scan3A_296 : vector<16xf32>
      %gt3A_782 = arith.cmpf ogt, %get3A_717, %scan3A_296 : vector<16xf32>
      %or3A_783 = arith.ori %gt3A_781, %gt3A_782 : vector<16xi1>
      %all_reduce_population_count3A_784 = tpu.all_reduce %or3A_783 {dim = 0 : i64, kind = #tpu.reduction_kind<sum>} : vector<16xi1> -> vector<16xi32>
      %slice3A_785 = vector.extract_strided_slice %all_reduce_population_count3A_784 {offsets = [0], sizes = [1], strides = [1]} : vector<16xi32> to vector<1xi32>
      %squeeze3A_786 = vector.extract %slice3A_785[0] : i32 from vector<1xi32>
      %swap3A_787 = arith.index_cast %add3A_780 : i32 to index
      %swap3A_788 = tpu.vector_load %arg6[%swap3A_787] {strides = array<i32>} : memref<24576xf32, #tpu.memory_space<vmem>>, vector<16xf32>,
      tpu.vector_store %arg6[%swap3A_787], %get3A_713 {strides = array<i32>} : memref<24576xf32, #tpu.memory_space<vmem>>, vector<16xf32>,
      %add3A_789 = arith.constant 16 : i32
      %add3A_790 = arith.addi %add3A_780, %add3A_789 : i32
      %swap3A_791 = arith.index_cast %add3A_790 : i32 to index
      %swap3A_792 = tpu.vector_load %arg6[%swap3A_791] {strides = array<i32>} : memref<24576xf32, #tpu.memory_space<vmem>>, vector<16xf32>,
      tpu.vector_store %arg6[%swap3A_791], %get3A_717 {strides = array<i32>} : memref<24576xf32, #tpu.memory_space<vmem>>, vector<16xf32>,
      %gt3A_793 = arith.constant 0 : i32
      %gt3A_794 = arith.cmpi sgt, %squeeze3A_786, %gt3A_793 : i32
      %lt3A_795 = arith.constant 24512 : i32
      %lt3A_796 = arith.cmpi slt, %add3A_780, %lt3A_795 : i32
      %and3A_797 = arith.andi %gt3A_794, %lt3A_796 : i1
      %jit3A_798 = arith.constant 32 : i32
      %jit3A_799 = arith.constant 0 : i32
      %select_n3A_800 = arith.select %and3A_797, %jit3A_798, %jit3A_799 : i32
      %add3A_801 = arith.addi %add3A_780, %select_n3A_800 : i32
      %max3A_802 = arith.maximumf %get3A_689, %get3A_693 : vector<16xf32>
      %max3A_803 = arith.maximumf %get3A_697, %get3A_701 : vector<16xf32>
      %max3A_804 = arith.maximumf %get3A_705, %get3A_709 : vector<16xf32>
      %max3A_805 = arith.maximumf %get3A_713, %get3A_717 : vector<16xf32>
      %max3A_806 = arith.maximumf %max3A_802, %max3A_803 : vector<16xf32>
      %max3A_807 = arith.maximumf %max3A_804, %max3A_805 : vector<16xf32>
      %max3A_808 = arith.maximumf %max3A_806, %max3A_807 : vector<16xf32>
      %max3A_809 = arith.maximumf %max3A_679, %max3A_808 : vector<16xf32>
      %reduce_max3A_810 = arith.constant true
      %reduce_max3A_811 = vector.broadcast %reduce_max3A_810 : i1 to vector<16xi1>
      %reduce_max3A_812 = tpu.scan <max>, %max3A_809 masked %reduce_max3A_811 : vector<16xf32>, vector<16xi1> -> vector<16xf32>
      %reduce_max3A_813 = vector.extract %reduce_max3A_812[15] : f32 from vector<16xf32>
      %broadcast_in_dim3A_814 = vector.broadcast %reduce_max3A_813 : f32 to vector<16xf32>
      %sub3A_815 = arith.constant 1.000000e+00 : f32
      %sub3A_816 = vector.broadcast %sub3A_815 : f32 to vector<16xf32>
      %sub3A_817 = arith.subf %broadcast_in_dim3A_814, %sub3A_816 : vector<16xf32>
      scf.yield %max3A_809, %scan3A_297, %sub3A_817, %add3A_801 : vector<16xf32>, vector<16xf32>, vector<16xf32>, i32
    }
    %scan3A_70 = arith.constant 32 : i32
    %dma_wait3A_71 = arith.constant 16384 : i32
    %dma_wait3A_72 = tpu.memref_slice %arg4[%dma_wait3A_71] : memref<32768xf32, #tpu.memory_space<vmem>> -> memref<16384xf32, #tpu.memory_space<vmem>>
    %dma_wait3A_73 = arith.constant 16384 : i32
    %dma_wait3A_74 = tpu.memref_slice %arg2[%mul3A_2, %dma_wait3A_73] : memref<64x32768xf32, #tpu.memory_space<hbm>> -> memref<1x16384xf32, #tpu.memory_space<hbm>>
    %dma_wait3A_75 = tpu.memref_squeeze %dma_wait3A_74 : memref<1x16384xf32, #tpu.memory_space<hbm>> -> memref<16384xf32, #tpu.memory_space<hbm>>
    %dma_wait3A_76 = arith.constant 16384 : i32
    %dma_wait3A_77 = tpu.memref_slice %arg4[%dma_wait3A_76] : memref<32768xf32, #tpu.memory_space<vmem>> -> memref<16384xf32, #tpu.memory_space<vmem>>
    %dma_wait3A_78 = arith.constant 16384 : i32
    %dma_wait3A_79 = tpu.memref_slice %arg2[%mul3A_2, %dma_wait3A_78] : memref<64x32768xf32, #tpu.memory_space<hbm>> -> memref<1x16384xf32, #tpu.memory_space<hbm>>
    %dma_wait3A_80 = tpu.memref_squeeze %dma_wait3A_79 : memref<1x16384xf32, #tpu.memory_space<hbm>> -> memref<16384xf32, #tpu.memory_space<hbm>>
    tpu.wait_dma2 semaphore(%arg9 : memref<!tpu.dma_semaphore, #tpu.memory_space<semaphore_mem>>) src(%dma_wait3A_80 : memref<16384xf32, #tpu.memory_space<hbm>>) dst(%dma_wait3A_77 : memref<16384xf32, #tpu.memory_space<vmem>>)
    %scan3A_81 = arith.constant 32 : i32
    %scan3A_82 = arith.constant 32 : i32
    %scan3A_83 = arith.addi %scan3A_81, %scan3A_82 : i32
    %scan3A_84 = arith.constant 1 : i32
    %scan3A_85:4 = scf.for %scan3A_294 = %scan3A_81 to %scan3A_83 step %scan3A_84 iter_args(%scan3A_295 = %scan3A_69#0, %scan3A_296 = %scan3A_69#1, %scan3A_297 = %scan3A_69#2, %scan3A_298 = %scan3A_69#3) -> (vector<16xf32>, vector<16xf32>, vector<16xf32>, i32)  : i32 {
      %mul3A_299 = arith.constant 4 : i32
      %mul3A_300 = arith.muli %scan3A_294, %mul3A_299 : i32
      %add3A_301 = arith.constant 0 : i32
      %add3A_302 = arith.addi %mul3A_300, %add3A_301 : i32
      %mul3A_303 = arith.constant 128 : i32
      %mul3A_304 = arith.muli %add3A_302, %mul3A_303 : i32
      %add3A_305 = arith.constant 0 : i32
      %add3A_306 = arith.addi %mul3A_304, %add3A_305 : i32
      %get3A_307 = arith.index_cast %add3A_306 : i32 to index
      %get3A_308 = tpu.vector_load %arg4[%get3A_307] {strides = array<i32>} : memref<32768xf32, #tpu.memory_space<vmem>>, vector<16xf32>,
      %add3A_309 = arith.constant 16 : i32
      %add3A_310 = arith.addi %mul3A_304, %add3A_309 : i32
      %get3A_311 = arith.index_cast %add3A_310 : i32 to index
      %get3A_312 = tpu.vector_load %arg4[%get3A_311] {strides = array<i32>} : memref<32768xf32, #tpu.memory_space<vmem>>, vector<16xf32>,
      %add3A_313 = arith.constant 32 : i32
      %add3A_314 = arith.addi %mul3A_304, %add3A_313 : i32
      %get3A_315 = arith.index_cast %add3A_314 : i32 to index
      %get3A_316 = tpu.vector_load %arg4[%get3A_315] {strides = array<i32>} : memref<32768xf32, #tpu.memory_space<vmem>>, vector<16xf32>,
      %add3A_317 = arith.constant 48 : i32
      %add3A_318 = arith.addi %mul3A_304, %add3A_317 : i32
      %get3A_319 = arith.index_cast %add3A_318 : i32 to index
      %get3A_320 = tpu.vector_load %arg4[%get3A_319] {strides = array<i32>} : memref<32768xf32, #tpu.memory_space<vmem>>, vector<16xf32>,
      %add3A_321 = arith.constant 64 : i32
      %add3A_322 = arith.addi %mul3A_304, %add3A_321 : i32
      %get3A_323 = arith.index_cast %add3A_322 : i32 to index
      %get3A_324 = tpu.vector_load %arg4[%get3A_323] {strides = array<i32>} : memref<32768xf32, #tpu.memory_space<vmem>>, vector<16xf32>,
      %add3A_325 = arith.constant 80 : i32
      %add3A_326 = arith.addi %mul3A_304, %add3A_325 : i32
      %get3A_327 = arith.index_cast %add3A_326 : i32 to index
      %get3A_328 = tpu.vector_load %arg4[%get3A_327] {strides = array<i32>} : memref<32768xf32, #tpu.memory_space<vmem>>, vector<16xf32>,
      %add3A_329 = arith.constant 96 : i32
      %add3A_330 = arith.addi %mul3A_304, %add3A_329 : i32
      %get3A_331 = arith.index_cast %add3A_330 : i32 to index
      %get3A_332 = tpu.vector_load %arg4[%get3A_331] {strides = array<i32>} : memref<32768xf32, #tpu.memory_space<vmem>>, vector<16xf32>,
      %add3A_333 = arith.constant 112 : i32
      %add3A_334 = arith.addi %mul3A_304, %add3A_333 : i32
      %get3A_335 = arith.index_cast %add3A_334 : i32 to index
      %get3A_336 = tpu.vector_load %arg4[%get3A_335] {strides = array<i32>} : memref<32768xf32, #tpu.memory_space<vmem>>, vector<16xf32>,
      %gt3A = arith.cmpf ogt, %get3A_308, %scan3A_296 : vector<16xf32>
      %gt3A_337 = arith.cmpf ogt, %get3A_312, %scan3A_296 : vector<16xf32>
      %or3A = arith.ori %gt3A, %gt3A_337 : vector<16xi1>
      %all_reduce_population_count3A = tpu.all_reduce %or3A {dim = 0 : i64, kind = #tpu.reduction_kind<sum>} : vector<16xi1> -> vector<16xi32>
      %slice3A = vector.extract_strided_slice %all_reduce_population_count3A {offsets = [0], sizes = [1], strides = [1]} : vector<16xi32> to vector<1xi32>
      %squeeze3A = vector.extract %slice3A[0] : i32 from vector<1xi32>
      %swap3A_338 = arith.index_cast %scan3A_298 : i32 to index
      %swap3A_339 = tpu.vector_load %arg6[%swap3A_338] {strides = array<i32>} : memref<24576xf32, #tpu.memory_space<vmem>>, vector<16xf32>,
      tpu.vector_store %arg6[%swap3A_338], %get3A_308 {strides = array<i32>} : memref<24576xf32, #tpu.memory_space<vmem>>, vector<16xf32>,
      %add3A_340 = arith.constant 16 : i32
      %add3A_341 = arith.addi %scan3A_298, %add3A_340 : i32
      %swap3A_342 = arith.index_cast %add3A_341 : i32 to index
      %swap3A_343 = tpu.vector_load %arg6[%swap3A_342] {strides = array<i32>} : memref<24576xf32, #tpu.memory_space<vmem>>, vector<16xf32>,
      tpu.vector_store %arg6[%swap3A_342], %get3A_312 {strides = array<i32>} : memref<24576xf32, #tpu.memory_space<vmem>>, vector<16xf32>,
      %gt3A_344 = arith.constant 0 : i32
      %gt3A_345 = arith.cmpi sgt, %squeeze3A, %gt3A_344 : i32
      %lt3A = arith.constant 24512 : i32
      %lt3A_346 = arith.cmpi slt, %scan3A_298, %lt3A : i32
      %and3A = arith.andi %gt3A_345, %lt3A_346 : i1
      %jit3A = arith.constant 32 : i32
      %jit3A_347 = arith.constant 0 : i32
      %select_n3A = arith.select %and3A, %jit3A, %jit3A_347 : i32
      %add3A_348 = arith.addi %scan3A_298, %select_n3A : i32
      %gt3A_349 = arith.cmpf ogt, %get3A_316, %scan3A_296 : vector<16xf32>
      %gt3A_350 = arith.cmpf ogt, %get3A_320, %scan3A_296 : vector<16xf32>
      %or3A_351 = arith.ori %gt3A_349, %gt3A_350 : vector<16xi1>
      %all_reduce_population_count3A_352 = tpu.all_reduce %or3A_351 {dim = 0 : i64, kind = #tpu.reduction_kind<sum>} : vector<16xi1> -> vector<16xi32>
      %slice3A_353 = vector.extract_strided_slice %all_reduce_population_count3A_352 {offsets = [0], sizes = [1], strides = [1]} : vector<16xi32> to vector<1xi32>
      %squeeze3A_354 = vector.extract %slice3A_353[0] : i32 from vector<1xi32>
      %swap3A_355 = arith.index_cast %add3A_348 : i32 to index
      %swap3A_356 = tpu.vector_load %arg6[%swap3A_355] {strides = array<i32>} : memref<24576xf32, #tpu.memory_space<vmem>>, vector<16xf32>,
      tpu.vector_store %arg6[%swap3A_355], %get3A_316 {strides = array<i32>} : memref<24576xf32, #tpu.memory_space<vmem>>, vector<16xf32>,
      %add3A_357 = arith.constant 16 : i32
      %add3A_358 = arith.addi %add3A_348, %add3A_357 : i32
      %swap3A_359 = arith.index_cast %add3A_358 : i32 to index
      %swap3A_360 = tpu.vector_load %arg6[%swap3A_359] {strides = array<i32>} : memref<24576xf32, #tpu.memory_space<vmem>>, vector<16xf32>,
      tpu.vector_store %arg6[%swap3A_359], %get3A_320 {strides = array<i32>} : memref<24576xf32, #tpu.memory_space<vmem>>, vector<16xf32>,
      %gt3A_361 = arith.constant 0 : i32
      %gt3A_362 = arith.cmpi sgt, %squeeze3A_354, %gt3A_361 : i32
      %lt3A_363 = arith.constant 24512 : i32
      %lt3A_364 = arith.cmpi slt, %add3A_348, %lt3A_363 : i32
      %and3A_365 = arith.andi %gt3A_362, %lt3A_364 : i1
      %jit3A_366 = arith.constant 32 : i32
      %jit3A_367 = arith.constant 0 : i32
      %select_n3A_368 = arith.select %and3A_365, %jit3A_366, %jit3A_367 : i32
      %add3A_369 = arith.addi %add3A_348, %select_n3A_368 : i32
      %gt3A_370 = arith.cmpf ogt, %get3A_324, %scan3A_296 : vector<16xf32>
      %gt3A_371 = arith.cmpf ogt, %get3A_328, %scan3A_296 : vector<16xf32>
      %or3A_372 = arith.ori %gt3A_370, %gt3A_371 : vector<16xi1>
      %all_reduce_population_count3A_373 = tpu.all_reduce %or3A_372 {dim = 0 : i64, kind = #tpu.reduction_kind<sum>} : vector<16xi1> -> vector<16xi32>
      %slice3A_374 = vector.extract_strided_slice %all_reduce_population_count3A_373 {offsets = [0], sizes = [1], strides = [1]} : vector<16xi32> to vector<1xi32>
      %squeeze3A_375 = vector.extract %slice3A_374[0] : i32 from vector<1xi32>
      %swap3A_376 = arith.index_cast %add3A_369 : i32 to index
      %swap3A_377 = tpu.vector_load %arg6[%swap3A_376] {strides = array<i32>} : memref<24576xf32, #tpu.memory_space<vmem>>, vector<16xf32>,
      tpu.vector_store %arg6[%swap3A_376], %get3A_324 {strides = array<i32>} : memref<24576xf32, #tpu.memory_space<vmem>>, vector<16xf32>,
      %add3A_378 = arith.constant 16 : i32
      %add3A_379 = arith.addi %add3A_369, %add3A_378 : i32
      %swap3A_380 = arith.index_cast %add3A_379 : i32 to index
      %swap3A_381 = tpu.vector_load %arg6[%swap3A_380] {strides = array<i32>} : memref<24576xf32, #tpu.memory_space<vmem>>, vector<16xf32>,
      tpu.vector_store %arg6[%swap3A_380], %get3A_328 {strides = array<i32>} : memref<24576xf32, #tpu.memory_space<vmem>>, vector<16xf32>,
      %gt3A_382 = arith.constant 0 : i32
      %gt3A_383 = arith.cmpi sgt, %squeeze3A_375, %gt3A_382 : i32
      %lt3A_384 = arith.constant 24512 : i32
      %lt3A_385 = arith.cmpi slt, %add3A_369, %lt3A_384 : i32
      %and3A_386 = arith.andi %gt3A_383, %lt3A_385 : i1
      %jit3A_387 = arith.constant 32 : i32
      %jit3A_388 = arith.constant 0 : i32
      %select_n3A_389 = arith.select %and3A_386, %jit3A_387, %jit3A_388 : i32
      %add3A_390 = arith.addi %add3A_369, %select_n3A_389 : i32
      %gt3A_391 = arith.cmpf ogt, %get3A_332, %scan3A_296 : vector<16xf32>
      %gt3A_392 = arith.cmpf ogt, %get3A_336, %scan3A_296 : vector<16xf32>
      %or3A_393 = arith.ori %gt3A_391, %gt3A_392 : vector<16xi1>
      %all_reduce_population_count3A_394 = tpu.all_reduce %or3A_393 {dim = 0 : i64, kind = #tpu.reduction_kind<sum>} : vector<16xi1> -> vector<16xi32>
      %slice3A_395 = vector.extract_strided_slice %all_reduce_population_count3A_394 {offsets = [0], sizes = [1], strides = [1]} : vector<16xi32> to vector<1xi32>
      %squeeze3A_396 = vector.extract %slice3A_395[0] : i32 from vector<1xi32>
      %swap3A_397 = arith.index_cast %add3A_390 : i32 to index
      %swap3A_398 = tpu.vector_load %arg6[%swap3A_397] {strides = array<i32>} : memref<24576xf32, #tpu.memory_space<vmem>>, vector<16xf32>,
      tpu.vector_store %arg6[%swap3A_397], %get3A_332 {strides = array<i32>} : memref<24576xf32, #tpu.memory_space<vmem>>, vector<16xf32>,
      %add3A_399 = arith.constant 16 : i32
      %add3A_400 = arith.addi %add3A_390, %add3A_399 : i32
      %swap3A_401 = arith.index_cast %add3A_400 : i32 to index
      %swap3A_402 = tpu.vector_load %arg6[%swap3A_401] {strides = array<i32>} : memref<24576xf32, #tpu.memory_space<vmem>>, vector<16xf32>,
      tpu.vector_store %arg6[%swap3A_401], %get3A_336 {strides = array<i32>} : memref<24576xf32, #tpu.memory_space<vmem>>, vector<16xf32>,
      %gt3A_403 = arith.constant 0 : i32
      %gt3A_404 = arith.cmpi sgt, %squeeze3A_396, %gt3A_403 : i32
      %lt3A_405 = arith.constant 24512 : i32
      %lt3A_406 = arith.cmpi slt, %add3A_390, %lt3A_405 : i32
      %and3A_407 = arith.andi %gt3A_404, %lt3A_406 : i1
      %jit3A_408 = arith.constant 32 : i32
      %jit3A_409 = arith.constant 0 : i32
      %select_n3A_410 = arith.select %and3A_407, %jit3A_408, %jit3A_409 : i32
      %add3A_411 = arith.addi %add3A_390, %select_n3A_410 : i32
      %max3A_412 = arith.maximumf %get3A_308, %get3A_312 : vector<16xf32>
      %max3A_413 = arith.maximumf %get3A_316, %get3A_320 : vector<16xf32>
      %max3A_414 = arith.maximumf %get3A_324, %get3A_328 : vector<16xf32>
      %max3A_415 = arith.maximumf %get3A_332, %get3A_336 : vector<16xf32>
      %max3A_416 = arith.maximumf %max3A_412, %max3A_413 : vector<16xf32>
      %max3A_417 = arith.maximumf %max3A_414, %max3A_415 : vector<16xf32>
      %max3A_418 = arith.maximumf %max3A_416, %max3A_417 : vector<16xf32>
      %max3A_419 = arith.maximumf %scan3A_295, %max3A_418 : vector<16xf32>
      %mul3A_420 = arith.constant 4 : i32
      %mul3A_421 = arith.muli %scan3A_294, %mul3A_420 : i32
      %add3A_422 = arith.constant 1 : i32
      %add3A_423 = arith.addi %mul3A_421, %add3A_422 : i32
      %mul3A_424 = arith.constant 128 : i32
      %mul3A_425 = arith.muli %add3A_423, %mul3A_424 : i32
      %add3A_426 = arith.constant 0 : i32
      %add3A_427 = arith.addi %mul3A_425, %add3A_426 : i32
      %get3A_428 = arith.index_cast %add3A_427 : i32 to index
      %get3A_429 = tpu.vector_load %arg4[%get3A_428] {strides = array<i32>} : memref<32768xf32, #tpu.memory_space<vmem>>, vector<16xf32>,
      %add3A_430 = arith.constant 16 : i32
      %add3A_431 = arith.addi %mul3A_425, %add3A_430 : i32
      %get3A_432 = arith.index_cast %add3A_431 : i32 to index
      %get3A_433 = tpu.vector_load %arg4[%get3A_432] {strides = array<i32>} : memref<32768xf32, #tpu.memory_space<vmem>>, vector<16xf32>,
      %add3A_434 = arith.constant 32 : i32
      %add3A_435 = arith.addi %mul3A_425, %add3A_434 : i32
      %get3A_436 = arith.index_cast %add3A_435 : i32 to index
      %get3A_437 = tpu.vector_load %arg4[%get3A_436] {strides = array<i32>} : memref<32768xf32, #tpu.memory_space<vmem>>, vector<16xf32>,
      %add3A_438 = arith.constant 48 : i32
      %add3A_439 = arith.addi %mul3A_425, %add3A_438 : i32
      %get3A_440 = arith.index_cast %add3A_439 : i32 to index
      %get3A_441 = tpu.vector_load %arg4[%get3A_440] {strides = array<i32>} : memref<32768xf32, #tpu.memory_space<vmem>>, vector<16xf32>,
      %add3A_442 = arith.constant 64 : i32
      %add3A_443 = arith.addi %mul3A_425, %add3A_442 : i32
      %get3A_444 = arith.index_cast %add3A_443 : i32 to index
      %get3A_445 = tpu.vector_load %arg4[%get3A_444] {strides = array<i32>} : memref<32768xf32, #tpu.memory_space<vmem>>, vector<16xf32>,
      %add3A_446 = arith.constant 80 : i32
      %add3A_447 = arith.addi %mul3A_425, %add3A_446 : i32
      %get3A_448 = arith.index_cast %add3A_447 : i32 to index
      %get3A_449 = tpu.vector_load %arg4[%get3A_448] {strides = array<i32>} : memref<32768xf32, #tpu.memory_space<vmem>>, vector<16xf32>,
      %add3A_450 = arith.constant 96 : i32
      %add3A_451 = arith.addi %mul3A_425, %add3A_450 : i32
      %get3A_452 = arith.index_cast %add3A_451 : i32 to index
      %get3A_453 = tpu.vector_load %arg4[%get3A_452] {strides = array<i32>} : memref<32768xf32, #tpu.memory_space<vmem>>, vector<16xf32>,
      %add3A_454 = arith.constant 112 : i32
      %add3A_455 = arith.addi %mul3A_425, %add3A_454 : i32
      %get3A_456 = arith.index_cast %add3A_455 : i32 to index
      %get3A_457 = tpu.vector_load %arg4[%get3A_456] {strides = array<i32>} : memref<32768xf32, #tpu.memory_space<vmem>>, vector<16xf32>,
      %gt3A_458 = arith.cmpf ogt, %get3A_429, %scan3A_296 : vector<16xf32>
      %gt3A_459 = arith.cmpf ogt, %get3A_433, %scan3A_296 : vector<16xf32>
      %or3A_460 = arith.ori %gt3A_458, %gt3A_459 : vector<16xi1>
      %all_reduce_population_count3A_461 = tpu.all_reduce %or3A_460 {dim = 0 : i64, kind = #tpu.reduction_kind<sum>} : vector<16xi1> -> vector<16xi32>
      %slice3A_462 = vector.extract_strided_slice %all_reduce_population_count3A_461 {offsets = [0], sizes = [1], strides = [1]} : vector<16xi32> to vector<1xi32>
      %squeeze3A_463 = vector.extract %slice3A_462[0] : i32 from vector<1xi32>
      %swap3A_464 = arith.index_cast %add3A_411 : i32 to index
      %swap3A_465 = tpu.vector_load %arg6[%swap3A_464] {strides = array<i32>} : memref<24576xf32, #tpu.memory_space<vmem>>, vector<16xf32>,
      tpu.vector_store %arg6[%swap3A_464], %get3A_429 {strides = array<i32>} : memref<24576xf32, #tpu.memory_space<vmem>>, vector<16xf32>,
      %add3A_466 = arith.constant 16 : i32
      %add3A_467 = arith.addi %add3A_411, %add3A_466 : i32
      %swap3A_468 = arith.index_cast %add3A_467 : i32 to index
      %swap3A_469 = tpu.vector_load %arg6[%swap3A_468] {strides = array<i32>} : memref<24576xf32, #tpu.memory_space<vmem>>, vector<16xf32>,
      tpu.vector_store %arg6[%swap3A_468], %get3A_433 {strides = array<i32>} : memref<24576xf32, #tpu.memory_space<vmem>>, vector<16xf32>,
      %gt3A_470 = arith.constant 0 : i32
      %gt3A_471 = arith.cmpi sgt, %squeeze3A_463, %gt3A_470 : i32
      %lt3A_472 = arith.constant 24512 : i32
      %lt3A_473 = arith.cmpi slt, %add3A_411, %lt3A_472 : i32
      %and3A_474 = arith.andi %gt3A_471, %lt3A_473 : i1
      %jit3A_475 = arith.constant 32 : i32
      %jit3A_476 = arith.constant 0 : i32
      %select_n3A_477 = arith.select %and3A_474, %jit3A_475, %jit3A_476 : i32
      %add3A_478 = arith.addi %add3A_411, %select_n3A_477 : i32
      %gt3A_479 = arith.cmpf ogt, %get3A_437, %scan3A_296 : vector<16xf32>
      %gt3A_480 = arith.cmpf ogt, %get3A_441, %scan3A_296 : vector<16xf32>
      %or3A_481 = arith.ori %gt3A_479, %gt3A_480 : vector<16xi1>
      %all_reduce_population_count3A_482 = tpu.all_reduce %or3A_481 {dim = 0 : i64, kind = #tpu.reduction_kind<sum>} : vector<16xi1> -> vector<16xi32>
      %slice3A_483 = vector.extract_strided_slice %all_reduce_population_count3A_482 {offsets = [0], sizes = [1], strides = [1]} : vector<16xi32> to vector<1xi32>
      %squeeze3A_484 = vector.extract %slice3A_483[0] : i32 from vector<1xi32>
      %swap3A_485 = arith.index_cast %add3A_478 : i32 to index
      %swap3A_486 = tpu.vector_load %arg6[%swap3A_485] {strides = array<i32>} : memref<24576xf32, #tpu.memory_space<vmem>>, vector<16xf32>,
      tpu.vector_store %arg6[%swap3A_485], %get3A_437 {strides = array<i32>} : memref<24576xf32, #tpu.memory_space<vmem>>, vector<16xf32>,
      %add3A_487 = arith.constant 16 : i32
      %add3A_488 = arith.addi %add3A_478, %add3A_487 : i32
      %swap3A_489 = arith.index_cast %add3A_488 : i32 to index
      %swap3A_490 = tpu.vector_load %arg6[%swap3A_489] {strides = array<i32>} : memref<24576xf32, #tpu.memory_space<vmem>>, vector<16xf32>,
      tpu.vector_store %arg6[%swap3A_489], %get3A_441 {strides = array<i32>} : memref<24576xf32, #tpu.memory_space<vmem>>, vector<16xf32>,
      %gt3A_491 = arith.constant 0 : i32
      %gt3A_492 = arith.cmpi sgt, %squeeze3A_484, %gt3A_491 : i32
      %lt3A_493 = arith.constant 24512 : i32
      %lt3A_494 = arith.cmpi slt, %add3A_478, %lt3A_493 : i32
      %and3A_495 = arith.andi %gt3A_492, %lt3A_494 : i1
      %jit3A_496 = arith.constant 32 : i32
      %jit3A_497 = arith.constant 0 : i32
      %select_n3A_498 = arith.select %and3A_495, %jit3A_496, %jit3A_497 : i32
      %add3A_499 = arith.addi %add3A_478, %select_n3A_498 : i32
      %gt3A_500 = arith.cmpf ogt, %get3A_445, %scan3A_296 : vector<16xf32>
      %gt3A_501 = arith.cmpf ogt, %get3A_449, %scan3A_296 : vector<16xf32>
      %or3A_502 = arith.ori %gt3A_500, %gt3A_501 : vector<16xi1>
      %all_reduce_population_count3A_503 = tpu.all_reduce %or3A_502 {dim = 0 : i64, kind = #tpu.reduction_kind<sum>} : vector<16xi1> -> vector<16xi32>
      %slice3A_504 = vector.extract_strided_slice %all_reduce_population_count3A_503 {offsets = [0], sizes = [1], strides = [1]} : vector<16xi32> to vector<1xi32>
      %squeeze3A_505 = vector.extract %slice3A_504[0] : i32 from vector<1xi32>
      %swap3A_506 = arith.index_cast %add3A_499 : i32 to index
      %swap3A_507 = tpu.vector_load %arg6[%swap3A_506] {strides = array<i32>} : memref<24576xf32, #tpu.memory_space<vmem>>, vector<16xf32>,
      tpu.vector_store %arg6[%swap3A_506], %get3A_445 {strides = array<i32>} : memref<24576xf32, #tpu.memory_space<vmem>>, vector<16xf32>,
      %add3A_508 = arith.constant 16 : i32
      %add3A_509 = arith.addi %add3A_499, %add3A_508 : i32
      %swap3A_510 = arith.index_cast %add3A_509 : i32 to index
      %swap3A_511 = tpu.vector_load %arg6[%swap3A_510] {strides = array<i32>} : memref<24576xf32, #tpu.memory_space<vmem>>, vector<16xf32>,
      tpu.vector_store %arg6[%swap3A_510], %get3A_449 {strides = array<i32>} : memref<24576xf32, #tpu.memory_space<vmem>>, vector<16xf32>,
      %gt3A_512 = arith.constant 0 : i32
      %gt3A_513 = arith.cmpi sgt, %squeeze3A_505, %gt3A_512 : i32
      %lt3A_514 = arith.constant 24512 : i32
      %lt3A_515 = arith.cmpi slt, %add3A_499, %lt3A_514 : i32
      %and3A_516 = arith.andi %gt3A_513, %lt3A_515 : i1
      %jit3A_517 = arith.constant 32 : i32
      %jit3A_518 = arith.constant 0 : i32
      %select_n3A_519 = arith.select %and3A_516, %jit3A_517, %jit3A_518 : i32
      %add3A_520 = arith.addi %add3A_499, %select_n3A_519 : i32
      %gt3A_521 = arith.cmpf ogt, %get3A_453, %scan3A_296 : vector<16xf32>
      %gt3A_522 = arith.cmpf ogt, %get3A_457, %scan3A_296 : vector<16xf32>
      %or3A_523 = arith.ori %gt3A_521, %gt3A_522 : vector<16xi1>
      %all_reduce_population_count3A_524 = tpu.all_reduce %or3A_523 {dim = 0 : i64, kind = #tpu.reduction_kind<sum>} : vector<16xi1> -> vector<16xi32>
      %slice3A_525 = vector.extract_strided_slice %all_reduce_population_count3A_524 {offsets = [0], sizes = [1], strides = [1]} : vector<16xi32> to vector<1xi32>
      %squeeze3A_526 = vector.extract %slice3A_525[0] : i32 from vector<1xi32>
      %swap3A_527 = arith.index_cast %add3A_520 : i32 to index
      %swap3A_528 = tpu.vector_load %arg6[%swap3A_527] {strides = array<i32>} : memref<24576xf32, #tpu.memory_space<vmem>>, vector<16xf32>,
      tpu.vector_store %arg6[%swap3A_527], %get3A_453 {strides = array<i32>} : memref<24576xf32, #tpu.memory_space<vmem>>, vector<16xf32>,
      %add3A_529 = arith.constant 16 : i32
      %add3A_530 = arith.addi %add3A_520, %add3A_529 : i32
      %swap3A_531 = arith.index_cast %add3A_530 : i32 to index
      %swap3A_532 = tpu.vector_load %arg6[%swap3A_531] {strides = array<i32>} : memref<24576xf32, #tpu.memory_space<vmem>>, vector<16xf32>,
      tpu.vector_store %arg6[%swap3A_531], %get3A_457 {strides = array<i32>} : memref<24576xf32, #tpu.memory_space<vmem>>, vector<16xf32>,
      %gt3A_533 = arith.constant 0 : i32
      %gt3A_534 = arith.cmpi sgt, %squeeze3A_526, %gt3A_533 : i32
      %lt3A_535 = arith.constant 24512 : i32
      %lt3A_536 = arith.cmpi slt, %add3A_520, %lt3A_535 : i32
      %and3A_537 = arith.andi %gt3A_534, %lt3A_536 : i1
      %jit3A_538 = arith.constant 32 : i32
      %jit3A_539 = arith.constant 0 : i32
      %select_n3A_540 = arith.select %and3A_537, %jit3A_538, %jit3A_539 : i32
      %add3A_541 = arith.addi %add3A_520, %select_n3A_540 : i32
      %max3A_542 = arith.maximumf %get3A_429, %get3A_433 : vector<16xf32>
      %max3A_543 = arith.maximumf %get3A_437, %get3A_441 : vector<16xf32>
      %max3A_544 = arith.maximumf %get3A_445, %get3A_449 : vector<16xf32>
      %max3A_545 = arith.maximumf %get3A_453, %get3A_457 : vector<16xf32>
      %max3A_546 = arith.maximumf %max3A_542, %max3A_543 : vector<16xf32>
      %max3A_547 = arith.maximumf %max3A_544, %max3A_545 : vector<16xf32>
      %max3A_548 = arith.maximumf %max3A_546, %max3A_547 : vector<16xf32>
      %max3A_549 = arith.maximumf %max3A_419, %max3A_548 : vector<16xf32>
      %mul3A_550 = arith.constant 4 : i32
      %mul3A_551 = arith.muli %scan3A_294, %mul3A_550 : i32
      %add3A_552 = arith.constant 2 : i32
      %add3A_553 = arith.addi %mul3A_551, %add3A_552 : i32
      %mul3A_554 = arith.constant 128 : i32
      %mul3A_555 = arith.muli %add3A_553, %mul3A_554 : i32
      %add3A_556 = arith.constant 0 : i32
      %add3A_557 = arith.addi %mul3A_555, %add3A_556 : i32
      %get3A_558 = arith.index_cast %add3A_557 : i32 to index
      %get3A_559 = tpu.vector_load %arg4[%get3A_558] {strides = array<i32>} : memref<32768xf32, #tpu.memory_space<vmem>>, vector<16xf32>,
      %add3A_560 = arith.constant 16 : i32
      %add3A_561 = arith.addi %mul3A_555, %add3A_560 : i32
      %get3A_562 = arith.index_cast %add3A_561 : i32 to index
      %get3A_563 = tpu.vector_load %arg4[%get3A_562] {strides = array<i32>} : memref<32768xf32, #tpu.memory_space<vmem>>, vector<16xf32>,
      %add3A_564 = arith.constant 32 : i32
      %add3A_565 = arith.addi %mul3A_555, %add3A_564 : i32
      %get3A_566 = arith.index_cast %add3A_565 : i32 to index
      %get3A_567 = tpu.vector_load %arg4[%get3A_566] {strides = array<i32>} : memref<32768xf32, #tpu.memory_space<vmem>>, vector<16xf32>,
      %add3A_568 = arith.constant 48 : i32
      %add3A_569 = arith.addi %mul3A_555, %add3A_568 : i32
      %get3A_570 = arith.index_cast %add3A_569 : i32 to index
      %get3A_571 = tpu.vector_load %arg4[%get3A_570] {strides = array<i32>} : memref<32768xf32, #tpu.memory_space<vmem>>, vector<16xf32>,
      %add3A_572 = arith.constant 64 : i32
      %add3A_573 = arith.addi %mul3A_555, %add3A_572 : i32
      %get3A_574 = arith.index_cast %add3A_573 : i32 to index
      %get3A_575 = tpu.vector_load %arg4[%get3A_574] {strides = array<i32>} : memref<32768xf32, #tpu.memory_space<vmem>>, vector<16xf32>,
      %add3A_576 = arith.constant 80 : i32
      %add3A_577 = arith.addi %mul3A_555, %add3A_576 : i32
      %get3A_578 = arith.index_cast %add3A_577 : i32 to index
      %get3A_579 = tpu.vector_load %arg4[%get3A_578] {strides = array<i32>} : memref<32768xf32, #tpu.memory_space<vmem>>, vector<16xf32>,
      %add3A_580 = arith.constant 96 : i32
      %add3A_581 = arith.addi %mul3A_555, %add3A_580 : i32
      %get3A_582 = arith.index_cast %add3A_581 : i32 to index
      %get3A_583 = tpu.vector_load %arg4[%get3A_582] {strides = array<i32>} : memref<32768xf32, #tpu.memory_space<vmem>>, vector<16xf32>,
      %add3A_584 = arith.constant 112 : i32
      %add3A_585 = arith.addi %mul3A_555, %add3A_584 : i32
      %get3A_586 = arith.index_cast %add3A_585 : i32 to index
      %get3A_587 = tpu.vector_load %arg4[%get3A_586] {strides = array<i32>} : memref<32768xf32, #tpu.memory_space<vmem>>, vector<16xf32>,
      %gt3A_588 = arith.cmpf ogt, %get3A_559, %scan3A_296 : vector<16xf32>
      %gt3A_589 = arith.cmpf ogt, %get3A_563, %scan3A_296 : vector<16xf32>
      %or3A_590 = arith.ori %gt3A_588, %gt3A_589 : vector<16xi1>
      %all_reduce_population_count3A_591 = tpu.all_reduce %or3A_590 {dim = 0 : i64, kind = #tpu.reduction_kind<sum>} : vector<16xi1> -> vector<16xi32>
      %slice3A_592 = vector.extract_strided_slice %all_reduce_population_count3A_591 {offsets = [0], sizes = [1], strides = [1]} : vector<16xi32> to vector<1xi32>
      %squeeze3A_593 = vector.extract %slice3A_592[0] : i32 from vector<1xi32>
      %swap3A_594 = arith.index_cast %add3A_541 : i32 to index
      %swap3A_595 = tpu.vector_load %arg6[%swap3A_594] {strides = array<i32>} : memref<24576xf32, #tpu.memory_space<vmem>>, vector<16xf32>,
      tpu.vector_store %arg6[%swap3A_594], %get3A_559 {strides = array<i32>} : memref<24576xf32, #tpu.memory_space<vmem>>, vector<16xf32>,
      %add3A_596 = arith.constant 16 : i32
      %add3A_597 = arith.addi %add3A_541, %add3A_596 : i32
      %swap3A_598 = arith.index_cast %add3A_597 : i32 to index
      %swap3A_599 = tpu.vector_load %arg6[%swap3A_598] {strides = array<i32>} : memref<24576xf32, #tpu.memory_space<vmem>>, vector<16xf32>,
      tpu.vector_store %arg6[%swap3A_598], %get3A_563 {strides = array<i32>} : memref<24576xf32, #tpu.memory_space<vmem>>, vector<16xf32>,
      %gt3A_600 = arith.constant 0 : i32
      %gt3A_601 = arith.cmpi sgt, %squeeze3A_593, %gt3A_600 : i32
      %lt3A_602 = arith.constant 24512 : i32
      %lt3A_603 = arith.cmpi slt, %add3A_541, %lt3A_602 : i32
      %and3A_604 = arith.andi %gt3A_601, %lt3A_603 : i1
      %jit3A_605 = arith.constant 32 : i32
      %jit3A_606 = arith.constant 0 : i32
      %select_n3A_607 = arith.select %and3A_604, %jit3A_605, %jit3A_606 : i32
      %add3A_608 = arith.addi %add3A_541, %select_n3A_607 : i32
      %gt3A_609 = arith.cmpf ogt, %get3A_567, %scan3A_296 : vector<16xf32>
      %gt3A_610 = arith.cmpf ogt, %get3A_571, %scan3A_296 : vector<16xf32>
      %or3A_611 = arith.ori %gt3A_609, %gt3A_610 : vector<16xi1>
      %all_reduce_population_count3A_612 = tpu.all_reduce %or3A_611 {dim = 0 : i64, kind = #tpu.reduction_kind<sum>} : vector<16xi1> -> vector<16xi32>
      %slice3A_613 = vector.extract_strided_slice %all_reduce_population_count3A_612 {offsets = [0], sizes = [1], strides = [1]} : vector<16xi32> to vector<1xi32>
      %squeeze3A_614 = vector.extract %slice3A_613[0] : i32 from vector<1xi32>
      %swap3A_615 = arith.index_cast %add3A_608 : i32 to index
      %swap3A_616 = tpu.vector_load %arg6[%swap3A_615] {strides = array<i32>} : memref<24576xf32, #tpu.memory_space<vmem>>, vector<16xf32>,
      tpu.vector_store %arg6[%swap3A_615], %get3A_567 {strides = array<i32>} : memref<24576xf32, #tpu.memory_space<vmem>>, vector<16xf32>,
      %add3A_617 = arith.constant 16 : i32
      %add3A_618 = arith.addi %add3A_608, %add3A_617 : i32
      %swap3A_619 = arith.index_cast %add3A_618 : i32 to index
      %swap3A_620 = tpu.vector_load %arg6[%swap3A_619] {strides = array<i32>} : memref<24576xf32, #tpu.memory_space<vmem>>, vector<16xf32>,
      tpu.vector_store %arg6[%swap3A_619], %get3A_571 {strides = array<i32>} : memref<24576xf32, #tpu.memory_space<vmem>>, vector<16xf32>,
      %gt3A_621 = arith.constant 0 : i32
      %gt3A_622 = arith.cmpi sgt, %squeeze3A_614, %gt3A_621 : i32
      %lt3A_623 = arith.constant 24512 : i32
      %lt3A_624 = arith.cmpi slt, %add3A_608, %lt3A_623 : i32
      %and3A_625 = arith.andi %gt3A_622, %lt3A_624 : i1
      %jit3A_626 = arith.constant 32 : i32
      %jit3A_627 = arith.constant 0 : i32
      %select_n3A_628 = arith.select %and3A_625, %jit3A_626, %jit3A_627 : i32
      %add3A_629 = arith.addi %add3A_608, %select_n3A_628 : i32
      %gt3A_630 = arith.cmpf ogt, %get3A_575, %scan3A_296 : vector<16xf32>
      %gt3A_631 = arith.cmpf ogt, %get3A_579, %scan3A_296 : vector<16xf32>
      %or3A_632 = arith.ori %gt3A_630, %gt3A_631 : vector<16xi1>
      %all_reduce_population_count3A_633 = tpu.all_reduce %or3A_632 {dim = 0 : i64, kind = #tpu.reduction_kind<sum>} : vector<16xi1> -> vector<16xi32>
      %slice3A_634 = vector.extract_strided_slice %all_reduce_population_count3A_633 {offsets = [0], sizes = [1], strides = [1]} : vector<16xi32> to vector<1xi32>
      %squeeze3A_635 = vector.extract %slice3A_634[0] : i32 from vector<1xi32>
      %swap3A_636 = arith.index_cast %add3A_629 : i32 to index
      %swap3A_637 = tpu.vector_load %arg6[%swap3A_636] {strides = array<i32>} : memref<24576xf32, #tpu.memory_space<vmem>>, vector<16xf32>,
      tpu.vector_store %arg6[%swap3A_636], %get3A_575 {strides = array<i32>} : memref<24576xf32, #tpu.memory_space<vmem>>, vector<16xf32>,
      %add3A_638 = arith.constant 16 : i32
      %add3A_639 = arith.addi %add3A_629, %add3A_638 : i32
      %swap3A_640 = arith.index_cast %add3A_639 : i32 to index
      %swap3A_641 = tpu.vector_load %arg6[%swap3A_640] {strides = array<i32>} : memref<24576xf32, #tpu.memory_space<vmem>>, vector<16xf32>,
      tpu.vector_store %arg6[%swap3A_640], %get3A_579 {strides = array<i32>} : memref<24576xf32, #tpu.memory_space<vmem>>, vector<16xf32>,
      %gt3A_642 = arith.constant 0 : i32
      %gt3A_643 = arith.cmpi sgt, %squeeze3A_635, %gt3A_642 : i32
      %lt3A_644 = arith.constant 24512 : i32
      %lt3A_645 = arith.cmpi slt, %add3A_629, %lt3A_644 : i32
      %and3A_646 = arith.andi %gt3A_643, %lt3A_645 : i1
      %jit3A_647 = arith.constant 32 : i32
      %jit3A_648 = arith.constant 0 : i32
      %select_n3A_649 = arith.select %and3A_646, %jit3A_647, %jit3A_648 : i32
      %add3A_650 = arith.addi %add3A_629, %select_n3A_649 : i32
      %gt3A_651 = arith.cmpf ogt, %get3A_583, %scan3A_296 : vector<16xf32>
      %gt3A_652 = arith.cmpf ogt, %get3A_587, %scan3A_296 : vector<16xf32>
      %or3A_653 = arith.ori %gt3A_651, %gt3A_652 : vector<16xi1>
      %all_reduce_population_count3A_654 = tpu.all_reduce %or3A_653 {dim = 0 : i64, kind = #tpu.reduction_kind<sum>} : vector<16xi1> -> vector<16xi32>
      %slice3A_655 = vector.extract_strided_slice %all_reduce_population_count3A_654 {offsets = [0], sizes = [1], strides = [1]} : vector<16xi32> to vector<1xi32>
      %squeeze3A_656 = vector.extract %slice3A_655[0] : i32 from vector<1xi32>
      %swap3A_657 = arith.index_cast %add3A_650 : i32 to index
      %swap3A_658 = tpu.vector_load %arg6[%swap3A_657] {strides = array<i32>} : memref<24576xf32, #tpu.memory_space<vmem>>, vector<16xf32>,
      tpu.vector_store %arg6[%swap3A_657], %get3A_583 {strides = array<i32>} : memref<24576xf32, #tpu.memory_space<vmem>>, vector<16xf32>,
      %add3A_659 = arith.constant 16 : i32
      %add3A_660 = arith.addi %add3A_650, %add3A_659 : i32
      %swap3A_661 = arith.index_cast %add3A_660 : i32 to index
      %swap3A_662 = tpu.vector_load %arg6[%swap3A_661] {strides = array<i32>} : memref<24576xf32, #tpu.memory_space<vmem>>, vector<16xf32>,
      tpu.vector_store %arg6[%swap3A_661], %get3A_587 {strides = array<i32>} : memref<24576xf32, #tpu.memory_space<vmem>>, vector<16xf32>,
      %gt3A_663 = arith.constant 0 : i32
      %gt3A_664 = arith.cmpi sgt, %squeeze3A_656, %gt3A_663 : i32
      %lt3A_665 = arith.constant 24512 : i32
      %lt3A_666 = arith.cmpi slt, %add3A_650, %lt3A_665 : i32
      %and3A_667 = arith.andi %gt3A_664, %lt3A_666 : i1
      %jit3A_668 = arith.constant 32 : i32
      %jit3A_669 = arith.constant 0 : i32
      %select_n3A_670 = arith.select %and3A_667, %jit3A_668, %jit3A_669 : i32
      %add3A_671 = arith.addi %add3A_650, %select_n3A_670 : i32
      %max3A_672 = arith.maximumf %get3A_559, %get3A_563 : vector<16xf32>
      %max3A_673 = arith.maximumf %get3A_567, %get3A_571 : vector<16xf32>
      %max3A_674 = arith.maximumf %get3A_575, %get3A_579 : vector<16xf32>
      %max3A_675 = arith.maximumf %get3A_583, %get3A_587 : vector<16xf32>
      %max3A_676 = arith.maximumf %max3A_672, %max3A_673 : vector<16xf32>
      %max3A_677 = arith.maximumf %max3A_674, %max3A_675 : vector<16xf32>
      %max3A_678 = arith.maximumf %max3A_676, %max3A_677 : vector<16xf32>
      %max3A_679 = arith.maximumf %max3A_549, %max3A_678 : vector<16xf32>
      %mul3A_680 = arith.constant 4 : i32
      %mul3A_681 = arith.muli %scan3A_294, %mul3A_680 : i32
      %add3A_682 = arith.constant 3 : i32
      %add3A_683 = arith.addi %mul3A_681, %add3A_682 : i32
      %mul3A_684 = arith.constant 128 : i32
      %mul3A_685 = arith.muli %add3A_683, %mul3A_684 : i32
      %add3A_686 = arith.constant 0 : i32
      %add3A_687 = arith.addi %mul3A_685, %add3A_686 : i32
      %get3A_688 = arith.index_cast %add3A_687 : i32 to index
      %get3A_689 = tpu.vector_load %arg4[%get3A_688] {strides = array<i32>} : memref<32768xf32, #tpu.memory_space<vmem>>, vector<16xf32>,
      %add3A_690 = arith.constant 16 : i32
      %add3A_691 = arith.addi %mul3A_685, %add3A_690 : i32
      %get3A_692 = arith.index_cast %add3A_691 : i32 to index
      %get3A_693 = tpu.vector_load %arg4[%get3A_692] {strides = array<i32>} : memref<32768xf32, #tpu.memory_space<vmem>>, vector<16xf32>,
      %add3A_694 = arith.constant 32 : i32
      %add3A_695 = arith.addi %mul3A_685, %add3A_694 : i32
      %get3A_696 = arith.index_cast %add3A_695 : i32 to index
      %get3A_697 = tpu.vector_load %arg4[%get3A_696] {strides = array<i32>} : memref<32768xf32, #tpu.memory_space<vmem>>, vector<16xf32>,
      %add3A_698 = arith.constant 48 : i32
      %add3A_699 = arith.addi %mul3A_685, %add3A_698 : i32
      %get3A_700 = arith.index_cast %add3A_699 : i32 to index
      %get3A_701 = tpu.vector_load %arg4[%get3A_700] {strides = array<i32>} : memref<32768xf32, #tpu.memory_space<vmem>>, vector<16xf32>,
      %add3A_702 = arith.constant 64 : i32
      %add3A_703 = arith.addi %mul3A_685, %add3A_702 : i32
      %get3A_704 = arith.index_cast %add3A_703 : i32 to index
      %get3A_705 = tpu.vector_load %arg4[%get3A_704] {strides = array<i32>} : memref<32768xf32, #tpu.memory_space<vmem>>, vector<16xf32>,
      %add3A_706 = arith.constant 80 : i32
      %add3A_707 = arith.addi %mul3A_685, %add3A_706 : i32
      %get3A_708 = arith.index_cast %add3A_707 : i32 to index
      %get3A_709 = tpu.vector_load %arg4[%get3A_708] {strides = array<i32>} : memref<32768xf32, #tpu.memory_space<vmem>>, vector<16xf32>,
      %add3A_710 = arith.constant 96 : i32
      %add3A_711 = arith.addi %mul3A_685, %add3A_710 : i32
      %get3A_712 = arith.index_cast %add3A_711 : i32 to index
      %get3A_713 = tpu.vector_load %arg4[%get3A_712] {strides = array<i32>} : memref<32768xf32, #tpu.memory_space<vmem>>, vector<16xf32>,
      %add3A_714 = arith.constant 112 : i32
      %add3A_715 = arith.addi %mul3A_685, %add3A_714 : i32
      %get3A_716 = arith.index_cast %add3A_715 : i32 to index
      %get3A_717 = tpu.vector_load %arg4[%get3A_716] {strides = array<i32>} : memref<32768xf32, #tpu.memory_space<vmem>>, vector<16xf32>,
      %gt3A_718 = arith.cmpf ogt, %get3A_689, %scan3A_296 : vector<16xf32>
      %gt3A_719 = arith.cmpf ogt, %get3A_693, %scan3A_296 : vector<16xf32>
      %or3A_720 = arith.ori %gt3A_718, %gt3A_719 : vector<16xi1>
      %all_reduce_population_count3A_721 = tpu.all_reduce %or3A_720 {dim = 0 : i64, kind = #tpu.reduction_kind<sum>} : vector<16xi1> -> vector<16xi32>
      %slice3A_722 = vector.extract_strided_slice %all_reduce_population_count3A_721 {offsets = [0], sizes = [1], strides = [1]} : vector<16xi32> to vector<1xi32>
      %squeeze3A_723 = vector.extract %slice3A_722[0] : i32 from vector<1xi32>
      %swap3A_724 = arith.index_cast %add3A_671 : i32 to index
      %swap3A_725 = tpu.vector_load %arg6[%swap3A_724] {strides = array<i32>} : memref<24576xf32, #tpu.memory_space<vmem>>, vector<16xf32>,
      tpu.vector_store %arg6[%swap3A_724], %get3A_689 {strides = array<i32>} : memref<24576xf32, #tpu.memory_space<vmem>>, vector<16xf32>,
      %add3A_726 = arith.constant 16 : i32
      %add3A_727 = arith.addi %add3A_671, %add3A_726 : i32
      %swap3A_728 = arith.index_cast %add3A_727 : i32 to index
      %swap3A_729 = tpu.vector_load %arg6[%swap3A_728] {strides = array<i32>} : memref<24576xf32, #tpu.memory_space<vmem>>, vector<16xf32>,
      tpu.vector_store %arg6[%swap3A_728], %get3A_693 {strides = array<i32>} : memref<24576xf32, #tpu.memory_space<vmem>>, vector<16xf32>,
      %gt3A_730 = arith.constant 0 : i32
      %gt3A_731 = arith.cmpi sgt, %squeeze3A_723, %gt3A_730 : i32
      %lt3A_732 = arith.constant 24512 : i32
      %lt3A_733 = arith.cmpi slt, %add3A_671, %lt3A_732 : i32
      %and3A_734 = arith.andi %gt3A_731, %lt3A_733 : i1
      %jit3A_735 = arith.constant 32 : i32
      %jit3A_736 = arith.constant 0 : i32
      %select_n3A_737 = arith.select %and3A_734, %jit3A_735, %jit3A_736 : i32
      %add3A_738 = arith.addi %add3A_671, %select_n3A_737 : i32
      %gt3A_739 = arith.cmpf ogt, %get3A_697, %scan3A_296 : vector<16xf32>
      %gt3A_740 = arith.cmpf ogt, %get3A_701, %scan3A_296 : vector<16xf32>
      %or3A_741 = arith.ori %gt3A_739, %gt3A_740 : vector<16xi1>
      %all_reduce_population_count3A_742 = tpu.all_reduce %or3A_741 {dim = 0 : i64, kind = #tpu.reduction_kind<sum>} : vector<16xi1> -> vector<16xi32>
      %slice3A_743 = vector.extract_strided_slice %all_reduce_population_count3A_742 {offsets = [0], sizes = [1], strides = [1]} : vector<16xi32> to vector<1xi32>
      %squeeze3A_744 = vector.extract %slice3A_743[0] : i32 from vector<1xi32>
      %swap3A_745 = arith.index_cast %add3A_738 : i32 to index
      %swap3A_746 = tpu.vector_load %arg6[%swap3A_745] {strides = array<i32>} : memref<24576xf32, #tpu.memory_space<vmem>>, vector<16xf32>,
      tpu.vector_store %arg6[%swap3A_745], %get3A_697 {strides = array<i32>} : memref<24576xf32, #tpu.memory_space<vmem>>, vector<16xf32>,
      %add3A_747 = arith.constant 16 : i32
      %add3A_748 = arith.addi %add3A_738, %add3A_747 : i32
      %swap3A_749 = arith.index_cast %add3A_748 : i32 to index
      %swap3A_750 = tpu.vector_load %arg6[%swap3A_749] {strides = array<i32>} : memref<24576xf32, #tpu.memory_space<vmem>>, vector<16xf32>,
      tpu.vector_store %arg6[%swap3A_749], %get3A_701 {strides = array<i32>} : memref<24576xf32, #tpu.memory_space<vmem>>, vector<16xf32>,
      %gt3A_751 = arith.constant 0 : i32
      %gt3A_752 = arith.cmpi sgt, %squeeze3A_744, %gt3A_751 : i32
      %lt3A_753 = arith.constant 24512 : i32
      %lt3A_754 = arith.cmpi slt, %add3A_738, %lt3A_753 : i32
      %and3A_755 = arith.andi %gt3A_752, %lt3A_754 : i1
      %jit3A_756 = arith.constant 32 : i32
      %jit3A_757 = arith.constant 0 : i32
      %select_n3A_758 = arith.select %and3A_755, %jit3A_756, %jit3A_757 : i32
      %add3A_759 = arith.addi %add3A_738, %select_n3A_758 : i32
      %gt3A_760 = arith.cmpf ogt, %get3A_705, %scan3A_296 : vector<16xf32>
      %gt3A_761 = arith.cmpf ogt, %get3A_709, %scan3A_296 : vector<16xf32>
      %or3A_762 = arith.ori %gt3A_760, %gt3A_761 : vector<16xi1>
      %all_reduce_population_count3A_763 = tpu.all_reduce %or3A_762 {dim = 0 : i64, kind = #tpu.reduction_kind<sum>} : vector<16xi1> -> vector<16xi32>
      %slice3A_764 = vector.extract_strided_slice %all_reduce_population_count3A_763 {offsets = [0], sizes = [1], strides = [1]} : vector<16xi32> to vector<1xi32>
      %squeeze3A_765 = vector.extract %slice3A_764[0] : i32 from vector<1xi32>
      %swap3A_766 = arith.index_cast %add3A_759 : i32 to index
      %swap3A_767 = tpu.vector_load %arg6[%swap3A_766] {strides = array<i32>} : memref<24576xf32, #tpu.memory_space<vmem>>, vector<16xf32>,
      tpu.vector_store %arg6[%swap3A_766], %get3A_705 {strides = array<i32>} : memref<24576xf32, #tpu.memory_space<vmem>>, vector<16xf32>,
      %add3A_768 = arith.constant 16 : i32
      %add3A_769 = arith.addi %add3A_759, %add3A_768 : i32
      %swap3A_770 = arith.index_cast %add3A_769 : i32 to index
      %swap3A_771 = tpu.vector_load %arg6[%swap3A_770] {strides = array<i32>} : memref<24576xf32, #tpu.memory_space<vmem>>, vector<16xf32>,
      tpu.vector_store %arg6[%swap3A_770], %get3A_709 {strides = array<i32>} : memref<24576xf32, #tpu.memory_space<vmem>>, vector<16xf32>,
      %gt3A_772 = arith.constant 0 : i32
      %gt3A_773 = arith.cmpi sgt, %squeeze3A_765, %gt3A_772 : i32
      %lt3A_774 = arith.constant 24512 : i32
      %lt3A_775 = arith.cmpi slt, %add3A_759, %lt3A_774 : i32
      %and3A_776 = arith.andi %gt3A_773, %lt3A_775 : i1
      %jit3A_777 = arith.constant 32 : i32
      %jit3A_778 = arith.constant 0 : i32
      %select_n3A_779 = arith.select %and3A_776, %jit3A_777, %jit3A_778 : i32
      %add3A_780 = arith.addi %add3A_759, %select_n3A_779 : i32
      %gt3A_781 = arith.cmpf ogt, %get3A_713, %scan3A_296 : vector<16xf32>
      %gt3A_782 = arith.cmpf ogt, %get3A_717, %scan3A_296 : vector<16xf32>
      %or3A_783 = arith.ori %gt3A_781, %gt3A_782 : vector<16xi1>
      %all_reduce_population_count3A_784 = tpu.all_reduce %or3A_783 {dim = 0 : i64, kind = #tpu.reduction_kind<sum>} : vector<16xi1> -> vector<16xi32>
      %slice3A_785 = vector.extract_strided_slice %all_reduce_population_count3A_784 {offsets = [0], sizes = [1], strides = [1]} : vector<16xi32> to vector<1xi32>
      %squeeze3A_786 = vector.extract %slice3A_785[0] : i32 from vector<1xi32>
      %swap3A_787 = arith.index_cast %add3A_780 : i32 to index
      %swap3A_788 = tpu.vector_load %arg6[%swap3A_787] {strides = array<i32>} : memref<24576xf32, #tpu.memory_space<vmem>>, vector<16xf32>,
      tpu.vector_store %arg6[%swap3A_787], %get3A_713 {strides = array<i32>} : memref<24576xf32, #tpu.memory_space<vmem>>, vector<16xf32>,
      %add3A_789 = arith.constant 16 : i32
      %add3A_790 = arith.addi %add3A_780, %add3A_789 : i32
      %swap3A_791 = arith.index_cast %add3A_790 : i32 to index
      %swap3A_792 = tpu.vector_load %arg6[%swap3A_791] {strides = array<i32>} : memref<24576xf32, #tpu.memory_space<vmem>>, vector<16xf32>,
      tpu.vector_store %arg6[%swap3A_791], %get3A_717 {strides = array<i32>} : memref<24576xf32, #tpu.memory_space<vmem>>, vector<16xf32>,
      %gt3A_793 = arith.constant 0 : i32
      %gt3A_794 = arith.cmpi sgt, %squeeze3A_786, %gt3A_793 : i32
      %lt3A_795 = arith.constant 24512 : i32
      %lt3A_796 = arith.cmpi slt, %add3A_780, %lt3A_795 : i32
      %and3A_797 = arith.andi %gt3A_794, %lt3A_796 : i1
      %jit3A_798 = arith.constant 32 : i32
      %jit3A_799 = arith.constant 0 : i32
      %select_n3A_800 = arith.select %and3A_797, %jit3A_798, %jit3A_799 : i32
      %add3A_801 = arith.addi %add3A_780, %select_n3A_800 : i32
      %max3A_802 = arith.maximumf %get3A_689, %get3A_693 : vector<16xf32>
      %max3A_803 = arith.maximumf %get3A_697, %get3A_701 : vector<16xf32>
      %max3A_804 = arith.maximumf %get3A_705, %get3A_709 : vector<16xf32>
      %max3A_805 = arith.maximumf %get3A_713, %get3A_717 : vector<16xf32>
      %max3A_806 = arith.maximumf %max3A_802, %max3A_803 : vector<16xf32>
      %max3A_807 = arith.maximumf %max3A_804, %max3A_805 : vector<16xf32>
      %max3A_808 = arith.maximumf %max3A_806, %max3A_807 : vector<16xf32>
      %max3A_809 = arith.maximumf %max3A_679, %max3A_808 : vector<16xf32>
      %reduce_max3A_810 = arith.constant true
      %reduce_max3A_811 = vector.broadcast %reduce_max3A_810 : i1 to vector<16xi1>
      %reduce_max3A_812 = tpu.scan <max>, %max3A_809 masked %reduce_max3A_811 : vector<16xf32>, vector<16xi1> -> vector<16xf32>
      %reduce_max3A_813 = vector.extract %reduce_max3A_812[15] : f32 from vector<16xf32>
      %broadcast_in_dim3A_814 = vector.broadcast %reduce_max3A_813 : f32 to vector<16xf32>
      %sub3A_815 = arith.constant 1.000000e+00 : f32
      %sub3A_816 = vector.broadcast %sub3A_815 : f32 to vector<16xf32>
      %sub3A_817 = arith.subf %broadcast_in_dim3A_814, %sub3A_816 : vector<16xf32>
      scf.yield %max3A_809, %scan3A_297, %sub3A_817, %add3A_801 : vector<16xf32>, vector<16xf32>, vector<16xf32>, i32
    }
    %scan3A_86 = arith.constant 32 : i32
    %reduce_max3A_87 = arith.constant true
    %reduce_max3A_88 = vector.broadcast %reduce_max3A_87 : i1 to vector<16xi1>
    %reduce_max3A_89 = tpu.scan <max>, %scan3A_85#0 masked %reduce_max3A_88 : vector<16xf32>, vector<16xi1> -> vector<16xf32>
    %reduce_max3A_90 = vector.extract %reduce_max3A_89[15] : f32 from vector<16xf32>
    %broadcast_in_dim3A_91 = vector.broadcast %reduce_max3A_90 : f32 to vector<16xf32>
    %sub3A_92 = arith.constant 1.000000e+00 : f32
    %sub3A_93 = vector.broadcast %sub3A_92 : f32 to vector<16xf32>
    %sub3A_94 = arith.subf %broadcast_in_dim3A_91, %sub3A_93 : vector<16xf32>
    %ge3A = arith.constant 24544 : i32
    %ge3A_95 = arith.cmpi sge, %scan3A_85#3, %ge3A : i32
    %shift_right_arithmetic3A = arith.constant 4 : i32
    %shift_right_arithmetic3A_96 = arith.shrsi %scan3A_85#3, %shift_right_arithmetic3A : i32
    %while3A = arith.constant 0 : i32
    %while3A_97 = arith.constant 0 : i32
    %while3A_98 = arith.subi %shift_right_arithmetic3A_96, %while3A : i32
    %while3A_99 = arith.addi %while3A, %while3A_98 : i32
    %while3A_100 = arith.constant 1 : i32
    %while3A_101 = arith.divsi %while3A_98, %while3A_100 : i32
    %while3A_102 = arith.muli %while3A_101, %while3A_100 : i32
    %while3A_103 = arith.addi %while3A, %while3A_102 : i32
    %while3A_104 = arith.constant 1 : i32
    %while3A_105 = scf.for %while3A_294 = %while3A to %while3A_103 step %while3A_104 iter_args(%while3A_295 = %while3A_97) -> (i32)  : i32 {
      %mul3A_296 = arith.constant 16 : i32
      %mul3A_297 = arith.muli %while3A_294, %mul3A_296 : i32
      %get3A_298 = arith.index_cast %mul3A_297 : i32 to index
      %get3A_299 = tpu.vector_load %arg6[%get3A_298] {strides = array<i32>} : memref<24576xf32, #tpu.memory_space<vmem>>, vector<16xf32>,
      %gt3A = arith.cmpf ogt, %get3A_299, %sub3A_94 : vector<16xf32>
      %all_reduce_population_count3A = tpu.all_reduce %gt3A {dim = 0 : i64, kind = #tpu.reduction_kind<sum>} : vector<16xi1> -> vector<16xi32>
      %slice3A = vector.extract_strided_slice %all_reduce_population_count3A {offsets = [0], sizes = [1], strides = [1]} : vector<16xi32> to vector<1xi32>
      %squeeze3A = vector.extract %slice3A[0] : i32 from vector<1xi32>
      %swap3A_300 = arith.index_cast %while3A_295 : i32 to index
      %swap3A_301 = tpu.vector_load %arg7[%swap3A_300] masked %gt3A {strides = array<i32>} : memref<24576xf32, #tpu.memory_space<vmem>>, vector<16xf32>, vector<16xi1>
      tpu.vector_store %arg7[%swap3A_300], %get3A_299 masked %gt3A {strides = array<i32>} : memref<24576xf32, #tpu.memory_space<vmem>>, vector<16xf32>, vector<16xi1>
      %add3A_302 = arith.addi %while3A_295, %squeeze3A : i32
      scf.yield %add3A_302 : i32
    }
    %while3A_106 = arith.constant 1 : i32
    %while3A_107 = scf.for %while3A_294 = %while3A_103 to %while3A_99 step %while3A_106 iter_args(%while3A_295 = %while3A_105) -> (i32)  : i32 {
      %mul3A_296 = arith.constant 16 : i32
      %mul3A_297 = arith.muli %while3A_294, %mul3A_296 : i32
      %get3A_298 = arith.index_cast %mul3A_297 : i32 to index
      %get3A_299 = tpu.vector_load %arg6[%get3A_298] {strides = array<i32>} : memref<24576xf32, #tpu.memory_space<vmem>>, vector<16xf32>,
      %gt3A = arith.cmpf ogt, %get3A_299, %sub3A_94 : vector<16xf32>
      %all_reduce_population_count3A = tpu.all_reduce %gt3A {dim = 0 : i64, kind = #tpu.reduction_kind<sum>} : vector<16xi1> -> vector<16xi32>
      %slice3A = vector.extract_strided_slice %all_reduce_population_count3A {offsets = [0], sizes = [1], strides = [1]} : vector<16xi32> to vector<1xi32>
      %squeeze3A = vector.extract %slice3A[0] : i32 from vector<1xi32>
      %swap3A_300 = arith.index_cast %while3A_295 : i32 to index
      %swap3A_301 = tpu.vector_load %arg7[%swap3A_300] masked %gt3A {strides = array<i32>} : memref<24576xf32, #tpu.memory_space<vmem>>, vector<16xf32>, vector<16xi1>
      tpu.vector_store %arg7[%swap3A_300], %get3A_299 masked %gt3A {strides = array<i32>} : memref<24576xf32, #tpu.memory_space<vmem>>, vector<16xf32>, vector<16xi1>
      %add3A_302 = arith.addi %while3A_295, %squeeze3A : i32
      scf.yield %add3A_302 : i32
    }
    %broadcast_in_dim3A_108 = arith.constant -3.000000e+38 : f32
    %broadcast_in_dim3A_109 = vector.broadcast %broadcast_in_dim3A_108 : f32 to vector<16xf32>
    %swap3A = arith.index_cast %while3A_107 : i32 to index
    %swap3A_110 = tpu.vector_load %arg7[%swap3A] {strides = array<i32>} : memref<24576xf32, #tpu.memory_space<vmem>>, vector<16xf32>,
    tpu.vector_store %arg7[%swap3A], %broadcast_in_dim3A_109 {strides = array<i32>} : memref<24576xf32, #tpu.memory_space<vmem>>, vector<16xf32>,
    %add3A_111 = arith.constant 15 : i32
    %add3A_112 = arith.addi %while3A_107, %add3A_111 : i32
    %shift_right_arithmetic3A_113 = arith.constant 4 : i32
    %shift_right_arithmetic3A_114 = arith.shrsi %add3A_112, %shift_right_arithmetic3A_113 : i32
    %scan3A_115 = arith.constant 0 : i32
    %scan3A_116 = arith.constant 10 : i32
    %scan3A_117 = arith.addi %scan3A_115, %scan3A_116 : i32
    %scan3A_118 = arith.constant 1 : i32
    %scan3A_119 = scf.for %scan3A_294 = %scan3A_115 to %scan3A_117 step %scan3A_118 iter_args(%scan3A_295 = %sub3A_94) -> (vector<16xf32>)  : i32 {
      %convert_element_type3A = arith.extui %ge3A_95 : i1 to i32
      %cond3A = arith.constant 0 : i32
      %cond3A_296 = arith.cmpi ne, %convert_element_type3A, %cond3A : i32
      %cond3A_297:2 = scf.if %cond3A_296 -> (vector<16xf32>, vector<16xi32>) {
        %broadcast_in_dim3A_315 = arith.constant 0.000000e+00 : f32
        %broadcast_in_dim3A_316 = vector.broadcast %broadcast_in_dim3A_315 : f32 to vector<16xf32>
        %broadcast_in_dim3A_317 = arith.constant 0 : i32
        %broadcast_in_dim3A_318 = vector.broadcast %broadcast_in_dim3A_317 : i32 to vector<16xi32>
        %scan3A_319 = arith.constant 0 : i32
        %scan3A_320 = arith.constant 2048 : i32
        %scan3A_321 = arith.addi %scan3A_319, %scan3A_320 : i32
        %scan3A_322 = arith.constant 1 : i32
        %scan3A_323:2 = scf.for %scan3A_325 = %scan3A_319 to %scan3A_321 step %scan3A_322 iter_args(%scan3A_326 = %broadcast_in_dim3A_316, %scan3A_327 = %broadcast_in_dim3A_318) -> (vector<16xf32>, vector<16xi32>)  : i32 {
          %mul3A_328 = arith.constant 16 : i32
          %mul3A_329 = arith.muli %scan3A_325, %mul3A_328 : i32
          %get3A_330 = arith.index_cast %mul3A_329 : i32 to index
          %get3A_331 = tpu.vector_load %arg4[%get3A_330] {strides = array<i32>} : memref<32768xf32, #tpu.memory_space<vmem>>, vector<16xf32>,
          %gt3A = arith.cmpf ogt, %get3A_331, %scan3A_295 : vector<16xf32>
          %jit3A = arith.constant 0.000000e+00 : f32
          %broadcast_in_dim3A_332 = vector.broadcast %jit3A : f32 to vector<16xf32>
          %select_n3A = arith.select %gt3A, %get3A_331, %broadcast_in_dim3A_332 : vector<16xi1>, vector<16xf32>
          %add3A_333 = arith.addf %scan3A_326, %select_n3A : vector<16xf32>
          %convert_element_type3A_334 = arith.extui %gt3A : vector<16xi1> to vector<16xi32>
          %add3A_335 = arith.addi %scan3A_327, %convert_element_type3A_334 : vector<16xi32>
          scf.yield %add3A_333, %add3A_335 : vector<16xf32>, vector<16xi32>
        }
        %scan3A_324 = arith.constant 2048 : i32
        scf.yield %scan3A_323#0, %scan3A_323#1 : vector<16xf32>, vector<16xi32>
      } else {
        %broadcast_in_dim3A_315 = arith.constant 0.000000e+00 : f32
        %broadcast_in_dim3A_316 = vector.broadcast %broadcast_in_dim3A_315 : f32 to vector<16xf32>
        %broadcast_in_dim3A_317 = arith.constant 0 : i32
        %broadcast_in_dim3A_318 = vector.broadcast %broadcast_in_dim3A_317 : i32 to vector<16xi32>
        %while3A_319 = arith.constant 0 : i32
        %while3A_320 = arith.subi %shift_right_arithmetic3A_114, %while3A_319 : i32
        %while3A_321 = arith.addi %while3A_319, %while3A_320 : i32
        %while3A_322 = arith.constant 1 : i32
        %while3A_323 = arith.divsi %while3A_320, %while3A_322 : i32
        %while3A_324 = arith.muli %while3A_323, %while3A_322 : i32
        %while3A_325 = arith.addi %while3A_319, %while3A_324 : i32
        %while3A_326 = arith.constant 1 : i32
        %while3A_327:2 = scf.for %while3A_330 = %while3A_319 to %while3A_325 step %while3A_326 iter_args(%while3A_331 = %broadcast_in_dim3A_316, %while3A_332 = %broadcast_in_dim3A_318) -> (vector<16xf32>, vector<16xi32>)  : i32 {
          %mul3A_333 = arith.constant 16 : i32
          %mul3A_334 = arith.muli %while3A_330, %mul3A_333 : i32
          %get3A_335 = arith.index_cast %mul3A_334 : i32 to index
          %get3A_336 = tpu.vector_load %arg7[%get3A_335] {strides = array<i32>} : memref<24576xf32, #tpu.memory_space<vmem>>, vector<16xf32>,
          %gt3A = arith.cmpf ogt, %get3A_336, %scan3A_295 : vector<16xf32>
          %jit3A = arith.constant 0.000000e+00 : f32
          %broadcast_in_dim3A_337 = vector.broadcast %jit3A : f32 to vector<16xf32>
          %select_n3A = arith.select %gt3A, %get3A_336, %broadcast_in_dim3A_337 : vector<16xi1>, vector<16xf32>
          %add3A_338 = arith.addf %while3A_331, %select_n3A : vector<16xf32>
          %convert_element_type3A_339 = arith.extui %gt3A : vector<16xi1> to vector<16xi32>
          %add3A_340 = arith.addi %while3A_332, %convert_element_type3A_339 : vector<16xi32>
          scf.yield %add3A_338, %add3A_340 : vector<16xf32>, vector<16xi32>
        }
        %while3A_328 = arith.constant 1 : i32
        %while3A_329:2 = scf.for %while3A_330 = %while3A_325 to %while3A_321 step %while3A_328 iter_args(%while3A_331 = %while3A_327#0, %while3A_332 = %while3A_327#1) -> (vector<16xf32>, vector<16xi32>)  : i32 {
          %mul3A_333 = arith.constant 16 : i32
          %mul3A_334 = arith.muli %while3A_330, %mul3A_333 : i32
          %get3A_335 = arith.index_cast %mul3A_334 : i32 to index
          %get3A_336 = tpu.vector_load %arg7[%get3A_335] {strides = array<i32>} : memref<24576xf32, #tpu.memory_space<vmem>>, vector<16xf32>,
          %gt3A = arith.cmpf ogt, %get3A_336, %scan3A_295 : vector<16xf32>
          %jit3A = arith.constant 0.000000e+00 : f32
          %broadcast_in_dim3A_337 = vector.broadcast %jit3A : f32 to vector<16xf32>
          %select_n3A = arith.select %gt3A, %get3A_336, %broadcast_in_dim3A_337 : vector<16xi1>, vector<16xf32>
          %add3A_338 = arith.addf %while3A_331, %select_n3A : vector<16xf32>
          %convert_element_type3A_339 = arith.extui %gt3A : vector<16xi1> to vector<16xi32>
          %add3A_340 = arith.addi %while3A_332, %convert_element_type3A_339 : vector<16xi32>
          scf.yield %add3A_338, %add3A_340 : vector<16xf32>, vector<16xi32>
        }
        scf.yield %while3A_329#0, %while3A_329#1 : vector<16xf32>, vector<16xi32>
      }
      %reduce_sum3A = arith.constant true
      %reduce_sum3A_298 = vector.broadcast %reduce_sum3A : i1 to vector<16xi1>
      %reduce_sum3A_299 = tpu.scan <sum>, %cond3A_297#0 masked %reduce_sum3A_298 : vector<16xf32>, vector<16xi1> -> vector<16xf32>
      %reduce_sum3A_300 = vector.extract %reduce_sum3A_299[15] : f32 from vector<16xf32>
      %convert_element_type3A_301 = arith.sitofp %cond3A_297#1 : vector<16xi32> to vector<16xf32>
      %reduce_sum3A_302 = arith.constant true
      %reduce_sum3A_303 = vector.broadcast %reduce_sum3A_302 : i1 to vector<16xi1>
      %reduce_sum3A_304 = tpu.scan <sum>, %convert_element_type3A_301 masked %reduce_sum3A_303 : vector<16xf32>, vector<16xi1> -> vector<16xf32>
      %reduce_sum3A_305 = vector.extract %reduce_sum3A_304[15] : f32 from vector<16xf32>
      %broadcast_in_dim3A_306 = vector.broadcast %reduce_sum3A_305 : f32 to vector<16xf32>
      %max3A_307 = arith.constant 1.000000e+00 : f32
      %max3A_308 = vector.broadcast %max3A_307 : f32 to vector<16xf32>
      %max3A_309 = arith.maximumf %broadcast_in_dim3A_306, %max3A_308 : vector<16xf32>
      %broadcast_in_dim3A_310 = vector.broadcast %reduce_sum3A_300 : f32 to vector<16xf32>
      %sub3A_311 = arith.constant 1.000000e+00 : f32
      %sub3A_312 = vector.broadcast %sub3A_311 : f32 to vector<16xf32>
      %sub3A_313 = arith.subf %broadcast_in_dim3A_310, %sub3A_312 : vector<16xf32>
      %div3A = arith.divf %sub3A_313, %max3A_309 : vector<16xf32>
      %max3A_314 = arith.maximumf %scan3A_295, %div3A : vector<16xf32>
      scf.yield %max3A_314 : vector<16xf32>
    }
    %scan3A_120 = arith.constant 10 : i32
    %parallel_loop3A = arith.constant 0 : i32
    %parallel_loop3A_121 = arith.constant 128 : i32
    %parallel_loop3A_122 = arith.constant 1 : i32
    scf.for %parallel_loop3A_294 = %parallel_loop3A to %parallel_loop3A_121 step %parallel_loop3A_122  : i32 {
      %parallel_loop3A_295 = arith.constant 128 : i32
      %parallel_loop3A_296 = arith.muli %parallel_loop3A_294, %parallel_loop3A_295 : i32
      %parallel_loop3A_297 = arith.constant 0 : i32
      %parallel_loop3A_298 = arith.addi %parallel_loop3A_296, %parallel_loop3A_297 : i32
      %parallel_loop3A_299 = arith.index_cast %parallel_loop3A_298 : i32 to index
      %parallel_loop3A_300 = tpu.vector_load %arg4[%parallel_loop3A_299] {strides = array<i32>} : memref<32768xf32, #tpu.memory_space<vmem>>, vector<16xf32>,
      %parallel_loop3A_301 = arith.subf %parallel_loop3A_300, %scan3A_119 : vector<16xf32>
      %parallel_loop3A_302 = arith.constant 0.000000e+00 : f32
      %parallel_loop3A_303 = vector.broadcast %parallel_loop3A_302 : f32 to vector<16xf32>
      %parallel_loop3A_304 = arith.maximumf %parallel_loop3A_301, %parallel_loop3A_303 : vector<16xf32>
      %parallel_loop3A_305 = arith.index_cast %parallel_loop3A_298 : i32 to index
      %parallel_loop3A_306 = tpu.vector_load %arg4[%parallel_loop3A_305] {strides = array<i32>} : memref<32768xf32, #tpu.memory_space<vmem>>, vector<16xf32>,
      tpu.vector_store %arg4[%parallel_loop3A_305], %parallel_loop3A_304 {strides = array<i32>} : memref<32768xf32, #tpu.memory_space<vmem>>, vector<16xf32>,
      %parallel_loop3A_307 = arith.constant 16 : i32
      %parallel_loop3A_308 = arith.addi %parallel_loop3A_296, %parallel_loop3A_307 : i32
      %parallel_loop3A_309 = arith.index_cast %parallel_loop3A_308 : i32 to index
      %parallel_loop3A_310 = tpu.vector_load %arg4[%parallel_loop3A_309] {strides = array<i32>} : memref<32768xf32, #tpu.memory_space<vmem>>, vector<16xf32>,
      %parallel_loop3A_311 = arith.subf %parallel_loop3A_310, %scan3A_119 : vector<16xf32>
      %parallel_loop3A_312 = arith.constant 0.000000e+00 : f32
      %parallel_loop3A_313 = vector.broadcast %parallel_loop3A_312 : f32 to vector<16xf32>
      %parallel_loop3A_314 = arith.maximumf %parallel_loop3A_311, %parallel_loop3A_313 : vector<16xf32>
      %parallel_loop3A_315 = arith.index_cast %parallel_loop3A_308 : i32 to index
      %parallel_loop3A_316 = tpu.vector_load %arg4[%parallel_loop3A_315] {strides = array<i32>} : memref<32768xf32, #tpu.memory_space<vmem>>, vector<16xf32>,
      tpu.vector_store %arg4[%parallel_loop3A_315], %parallel_loop3A_314 {strides = array<i32>} : memref<32768xf32, #tpu.memory_space<vmem>>, vector<16xf32>,
      %parallel_loop3A_317 = arith.constant 32 : i32
      %parallel_loop3A_318 = arith.addi %parallel_loop3A_296, %parallel_loop3A_317 : i32
      %parallel_loop3A_319 = arith.index_cast %parallel_loop3A_318 : i32 to index
      %parallel_loop3A_320 = tpu.vector_load %arg4[%parallel_loop3A_319] {strides = array<i32>} : memref<32768xf32, #tpu.memory_space<vmem>>, vector<16xf32>,
      %parallel_loop3A_321 = arith.subf %parallel_loop3A_320, %scan3A_119 : vector<16xf32>
      %parallel_loop3A_322 = arith.constant 0.000000e+00 : f32
      %parallel_loop3A_323 = vector.broadcast %parallel_loop3A_322 : f32 to vector<16xf32>
      %parallel_loop3A_324 = arith.maximumf %parallel_loop3A_321, %parallel_loop3A_323 : vector<16xf32>
      %parallel_loop3A_325 = arith.index_cast %parallel_loop3A_318 : i32 to index
      %parallel_loop3A_326 = tpu.vector_load %arg4[%parallel_loop3A_325] {strides = array<i32>} : memref<32768xf32, #tpu.memory_space<vmem>>, vector<16xf32>,
      tpu.vector_store %arg4[%parallel_loop3A_325], %parallel_loop3A_324 {strides = array<i32>} : memref<32768xf32, #tpu.memory_space<vmem>>, vector<16xf32>,
      %parallel_loop3A_327 = arith.constant 48 : i32
      %parallel_loop3A_328 = arith.addi %parallel_loop3A_296, %parallel_loop3A_327 : i32
      %parallel_loop3A_329 = arith.index_cast %parallel_loop3A_328 : i32 to index
      %parallel_loop3A_330 = tpu.vector_load %arg4[%parallel_loop3A_329] {strides = array<i32>} : memref<32768xf32, #tpu.memory_space<vmem>>, vector<16xf32>,
      %parallel_loop3A_331 = arith.subf %parallel_loop3A_330, %scan3A_119 : vector<16xf32>
      %parallel_loop3A_332 = arith.constant 0.000000e+00 : f32
      %parallel_loop3A_333 = vector.broadcast %parallel_loop3A_332 : f32 to vector<16xf32>
      %parallel_loop3A_334 = arith.maximumf %parallel_loop3A_331, %parallel_loop3A_333 : vector<16xf32>
      %parallel_loop3A_335 = arith.index_cast %parallel_loop3A_328 : i32 to index
      %parallel_loop3A_336 = tpu.vector_load %arg4[%parallel_loop3A_335] {strides = array<i32>} : memref<32768xf32, #tpu.memory_space<vmem>>, vector<16xf32>,
      tpu.vector_store %arg4[%parallel_loop3A_335], %parallel_loop3A_334 {strides = array<i32>} : memref<32768xf32, #tpu.memory_space<vmem>>, vector<16xf32>,
      %parallel_loop3A_337 = arith.constant 64 : i32
      %parallel_loop3A_338 = arith.addi %parallel_loop3A_296, %parallel_loop3A_337 : i32
      %parallel_loop3A_339 = arith.index_cast %parallel_loop3A_338 : i32 to index
      %parallel_loop3A_340 = tpu.vector_load %arg4[%parallel_loop3A_339] {strides = array<i32>} : memref<32768xf32, #tpu.memory_space<vmem>>, vector<16xf32>,
      %parallel_loop3A_341 = arith.subf %parallel_loop3A_340, %scan3A_119 : vector<16xf32>
      %parallel_loop3A_342 = arith.constant 0.000000e+00 : f32
      %parallel_loop3A_343 = vector.broadcast %parallel_loop3A_342 : f32 to vector<16xf32>
      %parallel_loop3A_344 = arith.maximumf %parallel_loop3A_341, %parallel_loop3A_343 : vector<16xf32>
      %parallel_loop3A_345 = arith.index_cast %parallel_loop3A_338 : i32 to index
      %parallel_loop3A_346 = tpu.vector_load %arg4[%parallel_loop3A_345] {strides = array<i32>} : memref<32768xf32, #tpu.memory_space<vmem>>, vector<16xf32>,
      tpu.vector_store %arg4[%parallel_loop3A_345], %parallel_loop3A_344 {strides = array<i32>} : memref<32768xf32, #tpu.memory_space<vmem>>, vector<16xf32>,
      %parallel_loop3A_347 = arith.constant 80 : i32
      %parallel_loop3A_348 = arith.addi %parallel_loop3A_296, %parallel_loop3A_347 : i32
      %parallel_loop3A_349 = arith.index_cast %parallel_loop3A_348 : i32 to index
      %parallel_loop3A_350 = tpu.vector_load %arg4[%parallel_loop3A_349] {strides = array<i32>} : memref<32768xf32, #tpu.memory_space<vmem>>, vector<16xf32>,
      %parallel_loop3A_351 = arith.subf %parallel_loop3A_350, %scan3A_119 : vector<16xf32>
      %parallel_loop3A_352 = arith.constant 0.000000e+00 : f32
      %parallel_loop3A_353 = vector.broadcast %parallel_loop3A_352 : f32 to vector<16xf32>
      %parallel_loop3A_354 = arith.maximumf %parallel_loop3A_351, %parallel_loop3A_353 : vector<16xf32>
      %parallel_loop3A_355 = arith.index_cast %parallel_loop3A_348 : i32 to index
      %parallel_loop3A_356 = tpu.vector_load %arg4[%parallel_loop3A_355] {strides = array<i32>} : memref<32768xf32, #tpu.memory_space<vmem>>, vector<16xf32>,
      tpu.vector_store %arg4[%parallel_loop3A_355], %parallel_loop3A_354 {strides = array<i32>} : memref<32768xf32, #tpu.memory_space<vmem>>, vector<16xf32>,
      %parallel_loop3A_357 = arith.constant 96 : i32
      %parallel_loop3A_358 = arith.addi %parallel_loop3A_296, %parallel_loop3A_357 : i32
      %parallel_loop3A_359 = arith.index_cast %parallel_loop3A_358 : i32 to index
      %parallel_loop3A_360 = tpu.vector_load %arg4[%parallel_loop3A_359] {strides = array<i32>} : memref<32768xf32, #tpu.memory_space<vmem>>, vector<16xf32>,
      %parallel_loop3A_361 = arith.subf %parallel_loop3A_360, %scan3A_119 : vector<16xf32>
      %parallel_loop3A_362 = arith.constant 0.000000e+00 : f32
      %parallel_loop3A_363 = vector.broadcast %parallel_loop3A_362 : f32 to vector<16xf32>
      %parallel_loop3A_364 = arith.maximumf %parallel_loop3A_361, %parallel_loop3A_363 : vector<16xf32>
      %parallel_loop3A_365 = arith.index_cast %parallel_loop3A_358 : i32 to index
      %parallel_loop3A_366 = tpu.vector_load %arg4[%parallel_loop3A_365] {strides = array<i32>} : memref<32768xf32, #tpu.memory_space<vmem>>, vector<16xf32>,
      tpu.vector_store %arg4[%parallel_loop3A_365], %parallel_loop3A_364 {strides = array<i32>} : memref<32768xf32, #tpu.memory_space<vmem>>, vector<16xf32>,
      %parallel_loop3A_367 = arith.constant 112 : i32
      %parallel_loop3A_368 = arith.addi %parallel_loop3A_296, %parallel_loop3A_367 : i32
      %parallel_loop3A_369 = arith.index_cast %parallel_loop3A_368 : i32 to index
      %parallel_loop3A_370 = tpu.vector_load %arg4[%parallel_loop3A_369] {strides = array<i32>} : memref<32768xf32, #tpu.memory_space<vmem>>, vector<16xf32>,
      %parallel_loop3A_371 = arith.subf %parallel_loop3A_370, %scan3A_119 : vector<16xf32>
      %parallel_loop3A_372 = arith.constant 0.000000e+00 : f32
      %parallel_loop3A_373 = vector.broadcast %parallel_loop3A_372 : f32 to vector<16xf32>
      %parallel_loop3A_374 = arith.maximumf %parallel_loop3A_371, %parallel_loop3A_373 : vector<16xf32>
      %parallel_loop3A_375 = arith.index_cast %parallel_loop3A_368 : i32 to index
      %parallel_loop3A_376 = tpu.vector_load %arg4[%parallel_loop3A_375] {strides = array<i32>} : memref<32768xf32, #tpu.memory_space<vmem>>, vector<16xf32>,
      tpu.vector_store %arg4[%parallel_loop3A_375], %parallel_loop3A_374 {strides = array<i32>} : memref<32768xf32, #tpu.memory_space<vmem>>, vector<16xf32>,
    } {sc.loop_unroll_factor = 2 : i64, sc.parallel_access}
    %dma_start3A_123 = arith.constant 0 : i32
    %dma_start3A_124 = tpu.memref_slice %arg4[%dma_start3A_123] : memref<32768xf32, #tpu.memory_space<vmem>> -> memref<16384xf32, #tpu.memory_space<vmem>>
    %dma_start3A_125 = arith.constant 0 : i32
    %dma_start3A_126 = tpu.memref_slice %arg3[%mul3A_2, %dma_start3A_125] : memref<64x32768xf32, #tpu.memory_space<hbm>> -> memref<1x16384xf32, #tpu.memory_space<hbm>>
    %dma_start3A_127 = tpu.memref_squeeze %dma_start3A_126 : memref<1x16384xf32, #tpu.memory_space<hbm>> -> memref<16384xf32, #tpu.memory_space<hbm>>
    %dma_start3A_128 = arith.constant 0 : i32
    %dma_start3A_129 = tpu.memref_slice %arg3[%mul3A_2, %dma_start3A_128] : memref<64x32768xf32, #tpu.memory_space<hbm>> -> memref<1x16384xf32, #tpu.memory_space<hbm>>
    %dma_start3A_130 = tpu.memref_squeeze %dma_start3A_129 : memref<1x16384xf32, #tpu.memory_space<hbm>> -> memref<16384xf32, #tpu.memory_space<hbm>>
    %dma_start3A_131 = arith.constant 0 : i32
    %dma_start3A_132 = tpu.memref_slice %arg4[%dma_start3A_131] : memref<32768xf32, #tpu.memory_space<vmem>> -> memref<16384xf32, #tpu.memory_space<vmem>>
    tpu.enqueue_dma source(%dma_start3A_132 : memref<16384xf32, #tpu.memory_space<vmem>>) target(%dma_start3A_130 : memref<16384xf32, #tpu.memory_space<hbm>>) target_semaphore(%arg8 : memref<!tpu.dma_semaphore, #tpu.memory_space<semaphore_mem>>)
    %parallel_loop3A_133 = arith.constant 128 : i32
    %parallel_loop3A_134 = arith.constant 256 : i32
    %parallel_loop3A_135 = arith.constant 1 : i32
    scf.for %parallel_loop3A_294 = %parallel_loop3A_133 to %parallel_loop3A_134 step %parallel_loop3A_135  : i32 {
      %parallel_loop3A_295 = arith.constant 128 : i32
      %parallel_loop3A_296 = arith.muli %parallel_loop3A_294, %parallel_loop3A_295 : i32
      %parallel_loop3A_297 = arith.constant 0 : i32
      %parallel_loop3A_298 = arith.addi %parallel_loop3A_296, %parallel_loop3A_297 : i32
      %parallel_loop3A_299 = arith.index_cast %parallel_loop3A_298 : i32 to index
      %parallel_loop3A_300 = tpu.vector_load %arg4[%parallel_loop3A_299] {strides = array<i32>} : memref<32768xf32, #tpu.memory_space<vmem>>, vector<16xf32>,
      %parallel_loop3A_301 = arith.subf %parallel_loop3A_300, %scan3A_119 : vector<16xf32>
      %parallel_loop3A_302 = arith.constant 0.000000e+00 : f32
      %parallel_loop3A_303 = vector.broadcast %parallel_loop3A_302 : f32 to vector<16xf32>
      %parallel_loop3A_304 = arith.maximumf %parallel_loop3A_301, %parallel_loop3A_303 : vector<16xf32>
      %parallel_loop3A_305 = arith.index_cast %parallel_loop3A_298 : i32 to index
      %parallel_loop3A_306 = tpu.vector_load %arg4[%parallel_loop3A_305] {strides = array<i32>} : memref<32768xf32, #tpu.memory_space<vmem>>, vector<16xf32>,
      tpu.vector_store %arg4[%parallel_loop3A_305], %parallel_loop3A_304 {strides = array<i32>} : memref<32768xf32, #tpu.memory_space<vmem>>, vector<16xf32>,
      %parallel_loop3A_307 = arith.constant 16 : i32
      %parallel_loop3A_308 = arith.addi %parallel_loop3A_296, %parallel_loop3A_307 : i32
      %parallel_loop3A_309 = arith.index_cast %parallel_loop3A_308 : i32 to index
      %parallel_loop3A_310 = tpu.vector_load %arg4[%parallel_loop3A_309] {strides = array<i32>} : memref<32768xf32, #tpu.memory_space<vmem>>, vector<16xf32>,
      %parallel_loop3A_311 = arith.subf %parallel_loop3A_310, %scan3A_119 : vector<16xf32>
      %parallel_loop3A_312 = arith.constant 0.000000e+00 : f32
      %parallel_loop3A_313 = vector.broadcast %parallel_loop3A_312 : f32 to vector<16xf32>
      %parallel_loop3A_314 = arith.maximumf %parallel_loop3A_311, %parallel_loop3A_313 : vector<16xf32>
      %parallel_loop3A_315 = arith.index_cast %parallel_loop3A_308 : i32 to index
      %parallel_loop3A_316 = tpu.vector_load %arg4[%parallel_loop3A_315] {strides = array<i32>} : memref<32768xf32, #tpu.memory_space<vmem>>, vector<16xf32>,
      tpu.vector_store %arg4[%parallel_loop3A_315], %parallel_loop3A_314 {strides = array<i32>} : memref<32768xf32, #tpu.memory_space<vmem>>, vector<16xf32>,
      %parallel_loop3A_317 = arith.constant 32 : i32
      %parallel_loop3A_318 = arith.addi %parallel_loop3A_296, %parallel_loop3A_317 : i32
      %parallel_loop3A_319 = arith.index_cast %parallel_loop3A_318 : i32 to index
      %parallel_loop3A_320 = tpu.vector_load %arg4[%parallel_loop3A_319] {strides = array<i32>} : memref<32768xf32, #tpu.memory_space<vmem>>, vector<16xf32>,
      %parallel_loop3A_321 = arith.subf %parallel_loop3A_320, %scan3A_119 : vector<16xf32>
      %parallel_loop3A_322 = arith.constant 0.000000e+00 : f32
      %parallel_loop3A_323 = vector.broadcast %parallel_loop3A_322 : f32 to vector<16xf32>
      %parallel_loop3A_324 = arith.maximumf %parallel_loop3A_321, %parallel_loop3A_323 : vector<16xf32>
      %parallel_loop3A_325 = arith.index_cast %parallel_loop3A_318 : i32 to index
      %parallel_loop3A_326 = tpu.vector_load %arg4[%parallel_loop3A_325] {strides = array<i32>} : memref<32768xf32, #tpu.memory_space<vmem>>, vector<16xf32>,
      tpu.vector_store %arg4[%parallel_loop3A_325], %parallel_loop3A_324 {strides = array<i32>} : memref<32768xf32, #tpu.memory_space<vmem>>, vector<16xf32>,
      %parallel_loop3A_327 = arith.constant 48 : i32
      %parallel_loop3A_328 = arith.addi %parallel_loop3A_296, %parallel_loop3A_327 : i32
      %parallel_loop3A_329 = arith.index_cast %parallel_loop3A_328 : i32 to index
      %parallel_loop3A_330 = tpu.vector_load %arg4[%parallel_loop3A_329] {strides = array<i32>} : memref<32768xf32, #tpu.memory_space<vmem>>, vector<16xf32>,
      %parallel_loop3A_331 = arith.subf %parallel_loop3A_330, %scan3A_119 : vector<16xf32>
      %parallel_loop3A_332 = arith.constant 0.000000e+00 : f32
      %parallel_loop3A_333 = vector.broadcast %parallel_loop3A_332 : f32 to vector<16xf32>
      %parallel_loop3A_334 = arith.maximumf %parallel_loop3A_331, %parallel_loop3A_333 : vector<16xf32>
      %parallel_loop3A_335 = arith.index_cast %parallel_loop3A_328 : i32 to index
      %parallel_loop3A_336 = tpu.vector_load %arg4[%parallel_loop3A_335] {strides = array<i32>} : memref<32768xf32, #tpu.memory_space<vmem>>, vector<16xf32>,
      tpu.vector_store %arg4[%parallel_loop3A_335], %parallel_loop3A_334 {strides = array<i32>} : memref<32768xf32, #tpu.memory_space<vmem>>, vector<16xf32>,
      %parallel_loop3A_337 = arith.constant 64 : i32
      %parallel_loop3A_338 = arith.addi %parallel_loop3A_296, %parallel_loop3A_337 : i32
      %parallel_loop3A_339 = arith.index_cast %parallel_loop3A_338 : i32 to index
      %parallel_loop3A_340 = tpu.vector_load %arg4[%parallel_loop3A_339] {strides = array<i32>} : memref<32768xf32, #tpu.memory_space<vmem>>, vector<16xf32>,
      %parallel_loop3A_341 = arith.subf %parallel_loop3A_340, %scan3A_119 : vector<16xf32>
      %parallel_loop3A_342 = arith.constant 0.000000e+00 : f32
      %parallel_loop3A_343 = vector.broadcast %parallel_loop3A_342 : f32 to vector<16xf32>
      %parallel_loop3A_344 = arith.maximumf %parallel_loop3A_341, %parallel_loop3A_343 : vector<16xf32>
      %parallel_loop3A_345 = arith.index_cast %parallel_loop3A_338 : i32 to index
      %parallel_loop3A_346 = tpu.vector_load %arg4[%parallel_loop3A_345] {strides = array<i32>} : memref<32768xf32, #tpu.memory_space<vmem>>, vector<16xf32>,
      tpu.vector_store %arg4[%parallel_loop3A_345], %parallel_loop3A_344 {strides = array<i32>} : memref<32768xf32, #tpu.memory_space<vmem>>, vector<16xf32>,
      %parallel_loop3A_347 = arith.constant 80 : i32
      %parallel_loop3A_348 = arith.addi %parallel_loop3A_296, %parallel_loop3A_347 : i32
      %parallel_loop3A_349 = arith.index_cast %parallel_loop3A_348 : i32 to index
      %parallel_loop3A_350 = tpu.vector_load %arg4[%parallel_loop3A_349] {strides = array<i32>} : memref<32768xf32, #tpu.memory_space<vmem>>, vector<16xf32>,
      %parallel_loop3A_351 = arith.subf %parallel_loop3A_350, %scan3A_119 : vector<16xf32>
      %parallel_loop3A_352 = arith.constant 0.000000e+00 : f32
      %parallel_loop3A_353 = vector.broadcast %parallel_loop3A_352 : f32 to vector<16xf32>
      %parallel_loop3A_354 = arith.maximumf %parallel_loop3A_351, %parallel_loop3A_353 : vector<16xf32>
      %parallel_loop3A_355 = arith.index_cast %parallel_loop3A_348 : i32 to index
      %parallel_loop3A_356 = tpu.vector_load %arg4[%parallel_loop3A_355] {strides = array<i32>} : memref<32768xf32, #tpu.memory_space<vmem>>, vector<16xf32>,
      tpu.vector_store %arg4[%parallel_loop3A_355], %parallel_loop3A_354 {strides = array<i32>} : memref<32768xf32, #tpu.memory_space<vmem>>, vector<16xf32>,
      %parallel_loop3A_357 = arith.constant 96 : i32
      %parallel_loop3A_358 = arith.addi %parallel_loop3A_296, %parallel_loop3A_357 : i32
      %parallel_loop3A_359 = arith.index_cast %parallel_loop3A_358 : i32 to index
      %parallel_loop3A_360 = tpu.vector_load %arg4[%parallel_loop3A_359] {strides = array<i32>} : memref<32768xf32, #tpu.memory_space<vmem>>, vector<16xf32>,
      %parallel_loop3A_361 = arith.subf %parallel_loop3A_360, %scan3A_119 : vector<16xf32>
      %parallel_loop3A_362 = arith.constant 0.000000e+00 : f32
      %parallel_loop3A_363 = vector.broadcast %parallel_loop3A_362 : f32 to vector<16xf32>
      %parallel_loop3A_364 = arith.maximumf %parallel_loop3A_361, %parallel_loop3A_363 : vector<16xf32>
      %parallel_loop3A_365 = arith.index_cast %parallel_loop3A_358 : i32 to index
      %parallel_loop3A_366 = tpu.vector_load %arg4[%parallel_loop3A_365] {strides = array<i32>} : memref<32768xf32, #tpu.memory_space<vmem>>, vector<16xf32>,
      tpu.vector_store %arg4[%parallel_loop3A_365], %parallel_loop3A_364 {strides = array<i32>} : memref<32768xf32, #tpu.memory_space<vmem>>, vector<16xf32>,
      %parallel_loop3A_367 = arith.constant 112 : i32
      %parallel_loop3A_368 = arith.addi %parallel_loop3A_296, %parallel_loop3A_367 : i32
      %parallel_loop3A_369 = arith.index_cast %parallel_loop3A_368 : i32 to index
      %parallel_loop3A_370 = tpu.vector_load %arg4[%parallel_loop3A_369] {strides = array<i32>} : memref<32768xf32, #tpu.memory_space<vmem>>, vector<16xf32>,
      %parallel_loop3A_371 = arith.subf %parallel_loop3A_370, %scan3A_119 : vector<16xf32>
      %parallel_loop3A_372 = arith.constant 0.000000e+00 : f32
      %parallel_loop3A_373 = vector.broadcast %parallel_loop3A_372 : f32 to vector<16xf32>
      %parallel_loop3A_374 = arith.maximumf %parallel_loop3A_371, %parallel_loop3A_373 : vector<16xf32>
      %parallel_loop3A_375 = arith.index_cast %parallel_loop3A_368 : i32 to index
      %parallel_loop3A_376 = tpu.vector_load %arg4[%parallel_loop3A_375] {strides = array<i32>} : memref<32768xf32, #tpu.memory_space<vmem>>, vector<16xf32>,
      tpu.vector_store %arg4[%parallel_loop3A_375], %parallel_loop3A_374 {strides = array<i32>} : memref<32768xf32, #tpu.memory_space<vmem>>, vector<16xf32>,
    } {sc.loop_unroll_factor = 2 : i64, sc.parallel_access}
    %dma_start3A_136 = arith.constant 16384 : i32
    %dma_start3A_137 = tpu.memref_slice %arg4[%dma_start3A_136] : memref<32768xf32, #tpu.memory_space<vmem>> -> memref<16384xf32, #tpu.memory_space<vmem>>
    %dma_start3A_138 = arith.constant 16384 : i32
    %dma_start3A_139 = tpu.memref_slice %arg3[%mul3A_2, %dma_start3A_138] : memref<64x32768xf32, #tpu.memory_space<hbm>> -> memref<1x16384xf32, #tpu.memory_space<hbm>>
    %dma_start3A_140 = tpu.memref_squeeze %dma_start3A_139 : memref<1x16384xf32, #tpu.memory_space<hbm>> -> memref<16384xf32, #tpu.memory_space<hbm>>
    %dma_start3A_141 = arith.constant 16384 : i32
    %dma_start3A_142 = tpu.memref_slice %arg3[%mul3A_2, %dma_start3A_141] : memref<64x32768xf32, #tpu.memory_space<hbm>> -> memref<1x16384xf32, #tpu.memory_space<hbm>>
    %dma_start3A_143 = tpu.memref_squeeze %dma_start3A_142 : memref<1x16384xf32, #tpu.memory_space<hbm>> -> memref<16384xf32, #tpu.memory_space<hbm>>
    %dma_start3A_144 = arith.constant 16384 : i32
    %dma_start3A_145 = tpu.memref_slice %arg4[%dma_start3A_144] : memref<32768xf32, #tpu.memory_space<vmem>> -> memref<16384xf32, #tpu.memory_space<vmem>>
    tpu.enqueue_dma source(%dma_start3A_145 : memref<16384xf32, #tpu.memory_space<vmem>>) target(%dma_start3A_143 : memref<16384xf32, #tpu.memory_space<hbm>>) target_semaphore(%arg9 : memref<!tpu.dma_semaphore, #tpu.memory_space<semaphore_mem>>)
    %dma_wait3A_146 = arith.constant 0 : i32
    %dma_wait3A_147 = tpu.memref_slice %arg2[%add3A_4, %dma_wait3A_146] : memref<64x32768xf32, #tpu.memory_space<hbm>> -> memref<1x32768xf32, #tpu.memory_space<hbm>>
    %dma_wait3A_148 = tpu.memref_squeeze %dma_wait3A_147 : memref<1x32768xf32, #tpu.memory_space<hbm>> -> memref<32768xf32, #tpu.memory_space<hbm>>
    %dma_wait3A_149 = arith.constant 0 : i32
    %dma_wait3A_150 = tpu.memref_slice %arg2[%add3A_4, %dma_wait3A_149] : memref<64x32768xf32, #tpu.memory_space<hbm>> -> memref<1x32768xf32, #tpu.memory_space<hbm>>
    %dma_wait3A_151 = tpu.memref_squeeze %dma_wait3A_150 : memref<1x32768xf32, #tpu.memory_space<hbm>> -> memref<32768xf32, #tpu.memory_space<hbm>>
    tpu.wait_dma2 semaphore(%arg10 : memref<!tpu.dma_semaphore, #tpu.memory_space<semaphore_mem>>) src(%dma_wait3A_151 : memref<32768xf32, #tpu.memory_space<hbm>>) dst(%arg5 : memref<32768xf32, #tpu.memory_space<vmem>>)
    %get3A_152 = arith.constant 0 : index
    %get3A_153 = tpu.vector_load %arg5[%get3A_152] {strides = array<i32>} : memref<32768xf32, #tpu.memory_space<vmem>>, vector<16xf32>,
    %get3A_154 = arith.constant 16 : index
    %get3A_155 = tpu.vector_load %arg5[%get3A_154] {strides = array<i32>} : memref<32768xf32, #tpu.memory_space<vmem>>, vector<16xf32>,
    %get3A_156 = arith.constant 32 : index
    %get3A_157 = tpu.vector_load %arg5[%get3A_156] {strides = array<i32>} : memref<32768xf32, #tpu.memory_space<vmem>>, vector<16xf32>,
    %get3A_158 = arith.constant 48 : index
    %get3A_159 = tpu.vector_load %arg5[%get3A_158] {strides = array<i32>} : memref<32768xf32, #tpu.memory_space<vmem>>, vector<16xf32>,
    %get3A_160 = arith.constant 64 : index
    %get3A_161 = tpu.vector_load %arg5[%get3A_160] {strides = array<i32>} : memref<32768xf32, #tpu.memory_space<vmem>>, vector<16xf32>,
    %get3A_162 = arith.constant 80 : index
    %get3A_163 = tpu.vector_load %arg5[%get3A_162] {strides = array<i32>} : memref<32768xf32, #tpu.memory_space<vmem>>, vector<16xf32>,
    %get3A_164 = arith.constant 96 : index
    %get3A_165 = tpu.vector_load %arg5[%get3A_164] {strides = array<i32>} : memref<32768xf32, #tpu.memory_space<vmem>>, vector<16xf32>,
    %get3A_166 = arith.constant 112 : index
    %get3A_167 = tpu.vector_load %arg5[%get3A_166] {strides = array<i32>} : memref<32768xf32, #tpu.memory_space<vmem>>, vector<16xf32>,
    %max3A_168 = arith.maximumf %get3A_153, %get3A_155 : vector<16xf32>
    %max3A_169 = arith.maximumf %get3A_157, %get3A_159 : vector<16xf32>
    %max3A_170 = arith.maximumf %get3A_161, %get3A_163 : vector<16xf32>
    %max3A_171 = arith.maximumf %get3A_165, %get3A_167 : vector<16xf32>
    %max3A_172 = arith.maximumf %max3A_168, %max3A_169 : vector<16xf32>
    %max3A_173 = arith.maximumf %max3A_170, %max3A_171 : vector<16xf32>
    %max3A_174 = arith.maximumf %max3A_172, %max3A_173 : vector<16xf32>
    %reduce_max3A_175 = arith.constant true
    %reduce_max3A_176 = vector.broadcast %reduce_max3A_175 : i1 to vector<16xi1>
    %reduce_max3A_177 = tpu.scan <max>, %max3A_174 masked %reduce_max3A_176 : vector<16xf32>, vector<16xi1> -> vector<16xf32>
    %reduce_max3A_178 = vector.extract %reduce_max3A_177[15] : f32 from vector<16xf32>
    %broadcast_in_dim3A_179 = vector.broadcast %reduce_max3A_178 : f32 to vector<16xf32>
    %sub3A_180 = arith.constant 1.000000e+00 : f32
    %sub3A_181 = vector.broadcast %sub3A_180 : f32 to vector<16xf32>
    %sub3A_182 = arith.subf %broadcast_in_dim3A_179, %sub3A_181 : vector<16xf32>
    %scan3A_183 = arith.constant 0 : i32
    %scan3A_184 = arith.constant 0 : i32
    %scan3A_185 = arith.constant 64 : i32
    %scan3A_186 = arith.addi %scan3A_184, %scan3A_185 : i32
    %scan3A_187 = arith.constant 1 : i32
    %scan3A_188:4 = scf.for %scan3A_294 = %scan3A_184 to %scan3A_186 step %scan3A_187 iter_args(%scan3A_295 = %max3A_174, %scan3A_296 = %sub3A_182, %scan3A_297 = %sub3A_182, %scan3A_298 = %scan3A_183) -> (vector<16xf32>, vector<16xf32>, vector<16xf32>, i32)  : i32 {
      %mul3A_299 = arith.constant 4 : i32
      %mul3A_300 = arith.muli %scan3A_294, %mul3A_299 : i32
      %add3A_301 = arith.constant 0 : i32
      %add3A_302 = arith.addi %mul3A_300, %add3A_301 : i32
      %mul3A_303 = arith.constant 128 : i32
      %mul3A_304 = arith.muli %add3A_302, %mul3A_303 : i32
      %add3A_305 = arith.constant 0 : i32
      %add3A_306 = arith.addi %mul3A_304, %add3A_305 : i32
      %get3A_307 = arith.index_cast %add3A_306 : i32 to index
      %get3A_308 = tpu.vector_load %arg5[%get3A_307] {strides = array<i32>} : memref<32768xf32, #tpu.memory_space<vmem>>, vector<16xf32>,
      %add3A_309 = arith.constant 16 : i32
      %add3A_310 = arith.addi %mul3A_304, %add3A_309 : i32
      %get3A_311 = arith.index_cast %add3A_310 : i32 to index
      %get3A_312 = tpu.vector_load %arg5[%get3A_311] {strides = array<i32>} : memref<32768xf32, #tpu.memory_space<vmem>>, vector<16xf32>,
      %add3A_313 = arith.constant 32 : i32
      %add3A_314 = arith.addi %mul3A_304, %add3A_313 : i32
      %get3A_315 = arith.index_cast %add3A_314 : i32 to index
      %get3A_316 = tpu.vector_load %arg5[%get3A_315] {strides = array<i32>} : memref<32768xf32, #tpu.memory_space<vmem>>, vector<16xf32>,
      %add3A_317 = arith.constant 48 : i32
      %add3A_318 = arith.addi %mul3A_304, %add3A_317 : i32
      %get3A_319 = arith.index_cast %add3A_318 : i32 to index
      %get3A_320 = tpu.vector_load %arg5[%get3A_319] {strides = array<i32>} : memref<32768xf32, #tpu.memory_space<vmem>>, vector<16xf32>,
      %add3A_321 = arith.constant 64 : i32
      %add3A_322 = arith.addi %mul3A_304, %add3A_321 : i32
      %get3A_323 = arith.index_cast %add3A_322 : i32 to index
      %get3A_324 = tpu.vector_load %arg5[%get3A_323] {strides = array<i32>} : memref<32768xf32, #tpu.memory_space<vmem>>, vector<16xf32>,
      %add3A_325 = arith.constant 80 : i32
      %add3A_326 = arith.addi %mul3A_304, %add3A_325 : i32
      %get3A_327 = arith.index_cast %add3A_326 : i32 to index
      %get3A_328 = tpu.vector_load %arg5[%get3A_327] {strides = array<i32>} : memref<32768xf32, #tpu.memory_space<vmem>>, vector<16xf32>,
      %add3A_329 = arith.constant 96 : i32
      %add3A_330 = arith.addi %mul3A_304, %add3A_329 : i32
      %get3A_331 = arith.index_cast %add3A_330 : i32 to index
      %get3A_332 = tpu.vector_load %arg5[%get3A_331] {strides = array<i32>} : memref<32768xf32, #tpu.memory_space<vmem>>, vector<16xf32>,
      %add3A_333 = arith.constant 112 : i32
      %add3A_334 = arith.addi %mul3A_304, %add3A_333 : i32
      %get3A_335 = arith.index_cast %add3A_334 : i32 to index
      %get3A_336 = tpu.vector_load %arg5[%get3A_335] {strides = array<i32>} : memref<32768xf32, #tpu.memory_space<vmem>>, vector<16xf32>,
      %gt3A = arith.cmpf ogt, %get3A_308, %scan3A_296 : vector<16xf32>
      %gt3A_337 = arith.cmpf ogt, %get3A_312, %scan3A_296 : vector<16xf32>
      %or3A = arith.ori %gt3A, %gt3A_337 : vector<16xi1>
      %all_reduce_population_count3A = tpu.all_reduce %or3A {dim = 0 : i64, kind = #tpu.reduction_kind<sum>} : vector<16xi1> -> vector<16xi32>
      %slice3A = vector.extract_strided_slice %all_reduce_population_count3A {offsets = [0], sizes = [1], strides = [1]} : vector<16xi32> to vector<1xi32>
      %squeeze3A = vector.extract %slice3A[0] : i32 from vector<1xi32>
      %swap3A_338 = arith.index_cast %scan3A_298 : i32 to index
      %swap3A_339 = tpu.vector_load %arg6[%swap3A_338] {strides = array<i32>} : memref<24576xf32, #tpu.memory_space<vmem>>, vector<16xf32>,
      tpu.vector_store %arg6[%swap3A_338], %get3A_308 {strides = array<i32>} : memref<24576xf32, #tpu.memory_space<vmem>>, vector<16xf32>,
      %add3A_340 = arith.constant 16 : i32
      %add3A_341 = arith.addi %scan3A_298, %add3A_340 : i32
      %swap3A_342 = arith.index_cast %add3A_341 : i32 to index
      %swap3A_343 = tpu.vector_load %arg6[%swap3A_342] {strides = array<i32>} : memref<24576xf32, #tpu.memory_space<vmem>>, vector<16xf32>,
      tpu.vector_store %arg6[%swap3A_342], %get3A_312 {strides = array<i32>} : memref<24576xf32, #tpu.memory_space<vmem>>, vector<16xf32>,
      %gt3A_344 = arith.constant 0 : i32
      %gt3A_345 = arith.cmpi sgt, %squeeze3A, %gt3A_344 : i32
      %lt3A = arith.constant 24512 : i32
      %lt3A_346 = arith.cmpi slt, %scan3A_298, %lt3A : i32
      %and3A = arith.andi %gt3A_345, %lt3A_346 : i1
      %jit3A = arith.constant 32 : i32
      %jit3A_347 = arith.constant 0 : i32
      %select_n3A = arith.select %and3A, %jit3A, %jit3A_347 : i32
      %add3A_348 = arith.addi %scan3A_298, %select_n3A : i32
      %gt3A_349 = arith.cmpf ogt, %get3A_316, %scan3A_296 : vector<16xf32>
      %gt3A_350 = arith.cmpf ogt, %get3A_320, %scan3A_296 : vector<16xf32>
      %or3A_351 = arith.ori %gt3A_349, %gt3A_350 : vector<16xi1>
      %all_reduce_population_count3A_352 = tpu.all_reduce %or3A_351 {dim = 0 : i64, kind = #tpu.reduction_kind<sum>} : vector<16xi1> -> vector<16xi32>
      %slice3A_353 = vector.extract_strided_slice %all_reduce_population_count3A_352 {offsets = [0], sizes = [1], strides = [1]} : vector<16xi32> to vector<1xi32>
      %squeeze3A_354 = vector.extract %slice3A_353[0] : i32 from vector<1xi32>
      %swap3A_355 = arith.index_cast %add3A_348 : i32 to index
      %swap3A_356 = tpu.vector_load %arg6[%swap3A_355] {strides = array<i32>} : memref<24576xf32, #tpu.memory_space<vmem>>, vector<16xf32>,
      tpu.vector_store %arg6[%swap3A_355], %get3A_316 {strides = array<i32>} : memref<24576xf32, #tpu.memory_space<vmem>>, vector<16xf32>,
      %add3A_357 = arith.constant 16 : i32
      %add3A_358 = arith.addi %add3A_348, %add3A_357 : i32
      %swap3A_359 = arith.index_cast %add3A_358 : i32 to index
      %swap3A_360 = tpu.vector_load %arg6[%swap3A_359] {strides = array<i32>} : memref<24576xf32, #tpu.memory_space<vmem>>, vector<16xf32>,
      tpu.vector_store %arg6[%swap3A_359], %get3A_320 {strides = array<i32>} : memref<24576xf32, #tpu.memory_space<vmem>>, vector<16xf32>,
      %gt3A_361 = arith.constant 0 : i32
      %gt3A_362 = arith.cmpi sgt, %squeeze3A_354, %gt3A_361 : i32
      %lt3A_363 = arith.constant 24512 : i32
      %lt3A_364 = arith.cmpi slt, %add3A_348, %lt3A_363 : i32
      %and3A_365 = arith.andi %gt3A_362, %lt3A_364 : i1
      %jit3A_366 = arith.constant 32 : i32
      %jit3A_367 = arith.constant 0 : i32
      %select_n3A_368 = arith.select %and3A_365, %jit3A_366, %jit3A_367 : i32
      %add3A_369 = arith.addi %add3A_348, %select_n3A_368 : i32
      %gt3A_370 = arith.cmpf ogt, %get3A_324, %scan3A_296 : vector<16xf32>
      %gt3A_371 = arith.cmpf ogt, %get3A_328, %scan3A_296 : vector<16xf32>
      %or3A_372 = arith.ori %gt3A_370, %gt3A_371 : vector<16xi1>
      %all_reduce_population_count3A_373 = tpu.all_reduce %or3A_372 {dim = 0 : i64, kind = #tpu.reduction_kind<sum>} : vector<16xi1> -> vector<16xi32>
      %slice3A_374 = vector.extract_strided_slice %all_reduce_population_count3A_373 {offsets = [0], sizes = [1], strides = [1]} : vector<16xi32> to vector<1xi32>
      %squeeze3A_375 = vector.extract %slice3A_374[0] : i32 from vector<1xi32>
      %swap3A_376 = arith.index_cast %add3A_369 : i32 to index
      %swap3A_377 = tpu.vector_load %arg6[%swap3A_376] {strides = array<i32>} : memref<24576xf32, #tpu.memory_space<vmem>>, vector<16xf32>,
      tpu.vector_store %arg6[%swap3A_376], %get3A_324 {strides = array<i32>} : memref<24576xf32, #tpu.memory_space<vmem>>, vector<16xf32>,
      %add3A_378 = arith.constant 16 : i32
      %add3A_379 = arith.addi %add3A_369, %add3A_378 : i32
      %swap3A_380 = arith.index_cast %add3A_379 : i32 to index
      %swap3A_381 = tpu.vector_load %arg6[%swap3A_380] {strides = array<i32>} : memref<24576xf32, #tpu.memory_space<vmem>>, vector<16xf32>,
      tpu.vector_store %arg6[%swap3A_380], %get3A_328 {strides = array<i32>} : memref<24576xf32, #tpu.memory_space<vmem>>, vector<16xf32>,
      %gt3A_382 = arith.constant 0 : i32
      %gt3A_383 = arith.cmpi sgt, %squeeze3A_375, %gt3A_382 : i32
      %lt3A_384 = arith.constant 24512 : i32
      %lt3A_385 = arith.cmpi slt, %add3A_369, %lt3A_384 : i32
      %and3A_386 = arith.andi %gt3A_383, %lt3A_385 : i1
      %jit3A_387 = arith.constant 32 : i32
      %jit3A_388 = arith.constant 0 : i32
      %select_n3A_389 = arith.select %and3A_386, %jit3A_387, %jit3A_388 : i32
      %add3A_390 = arith.addi %add3A_369, %select_n3A_389 : i32
      %gt3A_391 = arith.cmpf ogt, %get3A_332, %scan3A_296 : vector<16xf32>
      %gt3A_392 = arith.cmpf ogt, %get3A_336, %scan3A_296 : vector<16xf32>
      %or3A_393 = arith.ori %gt3A_391, %gt3A_392 : vector<16xi1>
      %all_reduce_population_count3A_394 = tpu.all_reduce %or3A_393 {dim = 0 : i64, kind = #tpu.reduction_kind<sum>} : vector<16xi1> -> vector<16xi32>
      %slice3A_395 = vector.extract_strided_slice %all_reduce_population_count3A_394 {offsets = [0], sizes = [1], strides = [1]} : vector<16xi32> to vector<1xi32>
      %squeeze3A_396 = vector.extract %slice3A_395[0] : i32 from vector<1xi32>
      %swap3A_397 = arith.index_cast %add3A_390 : i32 to index
      %swap3A_398 = tpu.vector_load %arg6[%swap3A_397] {strides = array<i32>} : memref<24576xf32, #tpu.memory_space<vmem>>, vector<16xf32>,
      tpu.vector_store %arg6[%swap3A_397], %get3A_332 {strides = array<i32>} : memref<24576xf32, #tpu.memory_space<vmem>>, vector<16xf32>,
      %add3A_399 = arith.constant 16 : i32
      %add3A_400 = arith.addi %add3A_390, %add3A_399 : i32
      %swap3A_401 = arith.index_cast %add3A_400 : i32 to index
      %swap3A_402 = tpu.vector_load %arg6[%swap3A_401] {strides = array<i32>} : memref<24576xf32, #tpu.memory_space<vmem>>, vector<16xf32>,
      tpu.vector_store %arg6[%swap3A_401], %get3A_336 {strides = array<i32>} : memref<24576xf32, #tpu.memory_space<vmem>>, vector<16xf32>,
      %gt3A_403 = arith.constant 0 : i32
      %gt3A_404 = arith.cmpi sgt, %squeeze3A_396, %gt3A_403 : i32
      %lt3A_405 = arith.constant 24512 : i32
      %lt3A_406 = arith.cmpi slt, %add3A_390, %lt3A_405 : i32
      %and3A_407 = arith.andi %gt3A_404, %lt3A_406 : i1
      %jit3A_408 = arith.constant 32 : i32
      %jit3A_409 = arith.constant 0 : i32
      %select_n3A_410 = arith.select %and3A_407, %jit3A_408, %jit3A_409 : i32
      %add3A_411 = arith.addi %add3A_390, %select_n3A_410 : i32
      %max3A_412 = arith.maximumf %get3A_308, %get3A_312 : vector<16xf32>
      %max3A_413 = arith.maximumf %get3A_316, %get3A_320 : vector<16xf32>
      %max3A_414 = arith.maximumf %get3A_324, %get3A_328 : vector<16xf32>
      %max3A_415 = arith.maximumf %get3A_332, %get3A_336 : vector<16xf32>
      %max3A_416 = arith.maximumf %max3A_412, %max3A_413 : vector<16xf32>
      %max3A_417 = arith.maximumf %max3A_414, %max3A_415 : vector<16xf32>
      %max3A_418 = arith.maximumf %max3A_416, %max3A_417 : vector<16xf32>
      %max3A_419 = arith.maximumf %scan3A_295, %max3A_418 : vector<16xf32>
      %mul3A_420 = arith.constant 4 : i32
      %mul3A_421 = arith.muli %scan3A_294, %mul3A_420 : i32
      %add3A_422 = arith.constant 1 : i32
      %add3A_423 = arith.addi %mul3A_421, %add3A_422 : i32
      %mul3A_424 = arith.constant 128 : i32
      %mul3A_425 = arith.muli %add3A_423, %mul3A_424 : i32
      %add3A_426 = arith.constant 0 : i32
      %add3A_427 = arith.addi %mul3A_425, %add3A_426 : i32
      %get3A_428 = arith.index_cast %add3A_427 : i32 to index
      %get3A_429 = tpu.vector_load %arg5[%get3A_428] {strides = array<i32>} : memref<32768xf32, #tpu.memory_space<vmem>>, vector<16xf32>,
      %add3A_430 = arith.constant 16 : i32
      %add3A_431 = arith.addi %mul3A_425, %add3A_430 : i32
      %get3A_432 = arith.index_cast %add3A_431 : i32 to index
      %get3A_433 = tpu.vector_load %arg5[%get3A_432] {strides = array<i32>} : memref<32768xf32, #tpu.memory_space<vmem>>, vector<16xf32>,
      %add3A_434 = arith.constant 32 : i32
      %add3A_435 = arith.addi %mul3A_425, %add3A_434 : i32
      %get3A_436 = arith.index_cast %add3A_435 : i32 to index
      %get3A_437 = tpu.vector_load %arg5[%get3A_436] {strides = array<i32>} : memref<32768xf32, #tpu.memory_space<vmem>>, vector<16xf32>,
      %add3A_438 = arith.constant 48 : i32
      %add3A_439 = arith.addi %mul3A_425, %add3A_438 : i32
      %get3A_440 = arith.index_cast %add3A_439 : i32 to index
      %get3A_441 = tpu.vector_load %arg5[%get3A_440] {strides = array<i32>} : memref<32768xf32, #tpu.memory_space<vmem>>, vector<16xf32>,
      %add3A_442 = arith.constant 64 : i32
      %add3A_443 = arith.addi %mul3A_425, %add3A_442 : i32
      %get3A_444 = arith.index_cast %add3A_443 : i32 to index
      %get3A_445 = tpu.vector_load %arg5[%get3A_444] {strides = array<i32>} : memref<32768xf32, #tpu.memory_space<vmem>>, vector<16xf32>,
      %add3A_446 = arith.constant 80 : i32
      %add3A_447 = arith.addi %mul3A_425, %add3A_446 : i32
      %get3A_448 = arith.index_cast %add3A_447 : i32 to index
      %get3A_449 = tpu.vector_load %arg5[%get3A_448] {strides = array<i32>} : memref<32768xf32, #tpu.memory_space<vmem>>, vector<16xf32>,
      %add3A_450 = arith.constant 96 : i32
      %add3A_451 = arith.addi %mul3A_425, %add3A_450 : i32
      %get3A_452 = arith.index_cast %add3A_451 : i32 to index
      %get3A_453 = tpu.vector_load %arg5[%get3A_452] {strides = array<i32>} : memref<32768xf32, #tpu.memory_space<vmem>>, vector<16xf32>,
      %add3A_454 = arith.constant 112 : i32
      %add3A_455 = arith.addi %mul3A_425, %add3A_454 : i32
      %get3A_456 = arith.index_cast %add3A_455 : i32 to index
      %get3A_457 = tpu.vector_load %arg5[%get3A_456] {strides = array<i32>} : memref<32768xf32, #tpu.memory_space<vmem>>, vector<16xf32>,
      %gt3A_458 = arith.cmpf ogt, %get3A_429, %scan3A_296 : vector<16xf32>
      %gt3A_459 = arith.cmpf ogt, %get3A_433, %scan3A_296 : vector<16xf32>
      %or3A_460 = arith.ori %gt3A_458, %gt3A_459 : vector<16xi1>
      %all_reduce_population_count3A_461 = tpu.all_reduce %or3A_460 {dim = 0 : i64, kind = #tpu.reduction_kind<sum>} : vector<16xi1> -> vector<16xi32>
      %slice3A_462 = vector.extract_strided_slice %all_reduce_population_count3A_461 {offsets = [0], sizes = [1], strides = [1]} : vector<16xi32> to vector<1xi32>
      %squeeze3A_463 = vector.extract %slice3A_462[0] : i32 from vector<1xi32>
      %swap3A_464 = arith.index_cast %add3A_411 : i32 to index
      %swap3A_465 = tpu.vector_load %arg6[%swap3A_464] {strides = array<i32>} : memref<24576xf32, #tpu.memory_space<vmem>>, vector<16xf32>,
      tpu.vector_store %arg6[%swap3A_464], %get3A_429 {strides = array<i32>} : memref<24576xf32, #tpu.memory_space<vmem>>, vector<16xf32>,
      %add3A_466 = arith.constant 16 : i32
      %add3A_467 = arith.addi %add3A_411, %add3A_466 : i32
      %swap3A_468 = arith.index_cast %add3A_467 : i32 to index
      %swap3A_469 = tpu.vector_load %arg6[%swap3A_468] {strides = array<i32>} : memref<24576xf32, #tpu.memory_space<vmem>>, vector<16xf32>,
      tpu.vector_store %arg6[%swap3A_468], %get3A_433 {strides = array<i32>} : memref<24576xf32, #tpu.memory_space<vmem>>, vector<16xf32>,
      %gt3A_470 = arith.constant 0 : i32
      %gt3A_471 = arith.cmpi sgt, %squeeze3A_463, %gt3A_470 : i32
      %lt3A_472 = arith.constant 24512 : i32
      %lt3A_473 = arith.cmpi slt, %add3A_411, %lt3A_472 : i32
      %and3A_474 = arith.andi %gt3A_471, %lt3A_473 : i1
      %jit3A_475 = arith.constant 32 : i32
      %jit3A_476 = arith.constant 0 : i32
      %select_n3A_477 = arith.select %and3A_474, %jit3A_475, %jit3A_476 : i32
      %add3A_478 = arith.addi %add3A_411, %select_n3A_477 : i32
      %gt3A_479 = arith.cmpf ogt, %get3A_437, %scan3A_296 : vector<16xf32>
      %gt3A_480 = arith.cmpf ogt, %get3A_441, %scan3A_296 : vector<16xf32>
      %or3A_481 = arith.ori %gt3A_479, %gt3A_480 : vector<16xi1>
      %all_reduce_population_count3A_482 = tpu.all_reduce %or3A_481 {dim = 0 : i64, kind = #tpu.reduction_kind<sum>} : vector<16xi1> -> vector<16xi32>
      %slice3A_483 = vector.extract_strided_slice %all_reduce_population_count3A_482 {offsets = [0], sizes = [1], strides = [1]} : vector<16xi32> to vector<1xi32>
      %squeeze3A_484 = vector.extract %slice3A_483[0] : i32 from vector<1xi32>
      %swap3A_485 = arith.index_cast %add3A_478 : i32 to index
      %swap3A_486 = tpu.vector_load %arg6[%swap3A_485] {strides = array<i32>} : memref<24576xf32, #tpu.memory_space<vmem>>, vector<16xf32>,
      tpu.vector_store %arg6[%swap3A_485], %get3A_437 {strides = array<i32>} : memref<24576xf32, #tpu.memory_space<vmem>>, vector<16xf32>,
      %add3A_487 = arith.constant 16 : i32
      %add3A_488 = arith.addi %add3A_478, %add3A_487 : i32
      %swap3A_489 = arith.index_cast %add3A_488 : i32 to index
      %swap3A_490 = tpu.vector_load %arg6[%swap3A_489] {strides = array<i32>} : memref<24576xf32, #tpu.memory_space<vmem>>, vector<16xf32>,
      tpu.vector_store %arg6[%swap3A_489], %get3A_441 {strides = array<i32>} : memref<24576xf32, #tpu.memory_space<vmem>>, vector<16xf32>,
      %gt3A_491 = arith.constant 0 : i32
      %gt3A_492 = arith.cmpi sgt, %squeeze3A_484, %gt3A_491 : i32
      %lt3A_493 = arith.constant 24512 : i32
      %lt3A_494 = arith.cmpi slt, %add3A_478, %lt3A_493 : i32
      %and3A_495 = arith.andi %gt3A_492, %lt3A_494 : i1
      %jit3A_496 = arith.constant 32 : i32
      %jit3A_497 = arith.constant 0 : i32
      %select_n3A_498 = arith.select %and3A_495, %jit3A_496, %jit3A_497 : i32
      %add3A_499 = arith.addi %add3A_478, %select_n3A_498 : i32
      %gt3A_500 = arith.cmpf ogt, %get3A_445, %scan3A_296 : vector<16xf32>
      %gt3A_501 = arith.cmpf ogt, %get3A_449, %scan3A_296 : vector<16xf32>
      %or3A_502 = arith.ori %gt3A_500, %gt3A_501 : vector<16xi1>
      %all_reduce_population_count3A_503 = tpu.all_reduce %or3A_502 {dim = 0 : i64, kind = #tpu.reduction_kind<sum>} : vector<16xi1> -> vector<16xi32>
      %slice3A_504 = vector.extract_strided_slice %all_reduce_population_count3A_503 {offsets = [0], sizes = [1], strides = [1]} : vector<16xi32> to vector<1xi32>
      %squeeze3A_505 = vector.extract %slice3A_504[0] : i32 from vector<1xi32>
      %swap3A_506 = arith.index_cast %add3A_499 : i32 to index
      %swap3A_507 = tpu.vector_load %arg6[%swap3A_506] {strides = array<i32>} : memref<24576xf32, #tpu.memory_space<vmem>>, vector<16xf32>,
      tpu.vector_store %arg6[%swap3A_506], %get3A_445 {strides = array<i32>} : memref<24576xf32, #tpu.memory_space<vmem>>, vector<16xf32>,
      %add3A_508 = arith.constant 16 : i32
      %add3A_509 = arith.addi %add3A_499, %add3A_508 : i32
      %swap3A_510 = arith.index_cast %add3A_509 : i32 to index
      %swap3A_511 = tpu.vector_load %arg6[%swap3A_510] {strides = array<i32>} : memref<24576xf32, #tpu.memory_space<vmem>>, vector<16xf32>,
      tpu.vector_store %arg6[%swap3A_510], %get3A_449 {strides = array<i32>} : memref<24576xf32, #tpu.memory_space<vmem>>, vector<16xf32>,
      %gt3A_512 = arith.constant 0 : i32
      %gt3A_513 = arith.cmpi sgt, %squeeze3A_505, %gt3A_512 : i32
      %lt3A_514 = arith.constant 24512 : i32
      %lt3A_515 = arith.cmpi slt, %add3A_499, %lt3A_514 : i32
      %and3A_516 = arith.andi %gt3A_513, %lt3A_515 : i1
      %jit3A_517 = arith.constant 32 : i32
      %jit3A_518 = arith.constant 0 : i32
      %select_n3A_519 = arith.select %and3A_516, %jit3A_517, %jit3A_518 : i32
      %add3A_520 = arith.addi %add3A_499, %select_n3A_519 : i32
      %gt3A_521 = arith.cmpf ogt, %get3A_453, %scan3A_296 : vector<16xf32>
      %gt3A_522 = arith.cmpf ogt, %get3A_457, %scan3A_296 : vector<16xf32>
      %or3A_523 = arith.ori %gt3A_521, %gt3A_522 : vector<16xi1>
      %all_reduce_population_count3A_524 = tpu.all_reduce %or3A_523 {dim = 0 : i64, kind = #tpu.reduction_kind<sum>} : vector<16xi1> -> vector<16xi32>
      %slice3A_525 = vector.extract_strided_slice %all_reduce_population_count3A_524 {offsets = [0], sizes = [1], strides = [1]} : vector<16xi32> to vector<1xi32>
      %squeeze3A_526 = vector.extract %slice3A_525[0] : i32 from vector<1xi32>
      %swap3A_527 = arith.index_cast %add3A_520 : i32 to index
      %swap3A_528 = tpu.vector_load %arg6[%swap3A_527] {strides = array<i32>} : memref<24576xf32, #tpu.memory_space<vmem>>, vector<16xf32>,
      tpu.vector_store %arg6[%swap3A_527], %get3A_453 {strides = array<i32>} : memref<24576xf32, #tpu.memory_space<vmem>>, vector<16xf32>,
      %add3A_529 = arith.constant 16 : i32
      %add3A_530 = arith.addi %add3A_520, %add3A_529 : i32
      %swap3A_531 = arith.index_cast %add3A_530 : i32 to index
      %swap3A_532 = tpu.vector_load %arg6[%swap3A_531] {strides = array<i32>} : memref<24576xf32, #tpu.memory_space<vmem>>, vector<16xf32>,
      tpu.vector_store %arg6[%swap3A_531], %get3A_457 {strides = array<i32>} : memref<24576xf32, #tpu.memory_space<vmem>>, vector<16xf32>,
      %gt3A_533 = arith.constant 0 : i32
      %gt3A_534 = arith.cmpi sgt, %squeeze3A_526, %gt3A_533 : i32
      %lt3A_535 = arith.constant 24512 : i32
      %lt3A_536 = arith.cmpi slt, %add3A_520, %lt3A_535 : i32
      %and3A_537 = arith.andi %gt3A_534, %lt3A_536 : i1
      %jit3A_538 = arith.constant 32 : i32
      %jit3A_539 = arith.constant 0 : i32
      %select_n3A_540 = arith.select %and3A_537, %jit3A_538, %jit3A_539 : i32
      %add3A_541 = arith.addi %add3A_520, %select_n3A_540 : i32
      %max3A_542 = arith.maximumf %get3A_429, %get3A_433 : vector<16xf32>
      %max3A_543 = arith.maximumf %get3A_437, %get3A_441 : vector<16xf32>
      %max3A_544 = arith.maximumf %get3A_445, %get3A_449 : vector<16xf32>
      %max3A_545 = arith.maximumf %get3A_453, %get3A_457 : vector<16xf32>
      %max3A_546 = arith.maximumf %max3A_542, %max3A_543 : vector<16xf32>
      %max3A_547 = arith.maximumf %max3A_544, %max3A_545 : vector<16xf32>
      %max3A_548 = arith.maximumf %max3A_546, %max3A_547 : vector<16xf32>
      %max3A_549 = arith.maximumf %max3A_419, %max3A_548 : vector<16xf32>
      %mul3A_550 = arith.constant 4 : i32
      %mul3A_551 = arith.muli %scan3A_294, %mul3A_550 : i32
      %add3A_552 = arith.constant 2 : i32
      %add3A_553 = arith.addi %mul3A_551, %add3A_552 : i32
      %mul3A_554 = arith.constant 128 : i32
      %mul3A_555 = arith.muli %add3A_553, %mul3A_554 : i32
      %add3A_556 = arith.constant 0 : i32
      %add3A_557 = arith.addi %mul3A_555, %add3A_556 : i32
      %get3A_558 = arith.index_cast %add3A_557 : i32 to index
      %get3A_559 = tpu.vector_load %arg5[%get3A_558] {strides = array<i32>} : memref<32768xf32, #tpu.memory_space<vmem>>, vector<16xf32>,
      %add3A_560 = arith.constant 16 : i32
      %add3A_561 = arith.addi %mul3A_555, %add3A_560 : i32
      %get3A_562 = arith.index_cast %add3A_561 : i32 to index
      %get3A_563 = tpu.vector_load %arg5[%get3A_562] {strides = array<i32>} : memref<32768xf32, #tpu.memory_space<vmem>>, vector<16xf32>,
      %add3A_564 = arith.constant 32 : i32
      %add3A_565 = arith.addi %mul3A_555, %add3A_564 : i32
      %get3A_566 = arith.index_cast %add3A_565 : i32 to index
      %get3A_567 = tpu.vector_load %arg5[%get3A_566] {strides = array<i32>} : memref<32768xf32, #tpu.memory_space<vmem>>, vector<16xf32>,
      %add3A_568 = arith.constant 48 : i32
      %add3A_569 = arith.addi %mul3A_555, %add3A_568 : i32
      %get3A_570 = arith.index_cast %add3A_569 : i32 to index
      %get3A_571 = tpu.vector_load %arg5[%get3A_570] {strides = array<i32>} : memref<32768xf32, #tpu.memory_space<vmem>>, vector<16xf32>,
      %add3A_572 = arith.constant 64 : i32
      %add3A_573 = arith.addi %mul3A_555, %add3A_572 : i32
      %get3A_574 = arith.index_cast %add3A_573 : i32 to index
      %get3A_575 = tpu.vector_load %arg5[%get3A_574] {strides = array<i32>} : memref<32768xf32, #tpu.memory_space<vmem>>, vector<16xf32>,
      %add3A_576 = arith.constant 80 : i32
      %add3A_577 = arith.addi %mul3A_555, %add3A_576 : i32
      %get3A_578 = arith.index_cast %add3A_577 : i32 to index
      %get3A_579 = tpu.vector_load %arg5[%get3A_578] {strides = array<i32>} : memref<32768xf32, #tpu.memory_space<vmem>>, vector<16xf32>,
      %add3A_580 = arith.constant 96 : i32
      %add3A_581 = arith.addi %mul3A_555, %add3A_580 : i32
      %get3A_582 = arith.index_cast %add3A_581 : i32 to index
      %get3A_583 = tpu.vector_load %arg5[%get3A_582] {strides = array<i32>} : memref<32768xf32, #tpu.memory_space<vmem>>, vector<16xf32>,
      %add3A_584 = arith.constant 112 : i32
      %add3A_585 = arith.addi %mul3A_555, %add3A_584 : i32
      %get3A_586 = arith.index_cast %add3A_585 : i32 to index
      %get3A_587 = tpu.vector_load %arg5[%get3A_586] {strides = array<i32>} : memref<32768xf32, #tpu.memory_space<vmem>>, vector<16xf32>,
      %gt3A_588 = arith.cmpf ogt, %get3A_559, %scan3A_296 : vector<16xf32>
      %gt3A_589 = arith.cmpf ogt, %get3A_563, %scan3A_296 : vector<16xf32>
      %or3A_590 = arith.ori %gt3A_588, %gt3A_589 : vector<16xi1>
      %all_reduce_population_count3A_591 = tpu.all_reduce %or3A_590 {dim = 0 : i64, kind = #tpu.reduction_kind<sum>} : vector<16xi1> -> vector<16xi32>
      %slice3A_592 = vector.extract_strided_slice %all_reduce_population_count3A_591 {offsets = [0], sizes = [1], strides = [1]} : vector<16xi32> to vector<1xi32>
      %squeeze3A_593 = vector.extract %slice3A_592[0] : i32 from vector<1xi32>
      %swap3A_594 = arith.index_cast %add3A_541 : i32 to index
      %swap3A_595 = tpu.vector_load %arg6[%swap3A_594] {strides = array<i32>} : memref<24576xf32, #tpu.memory_space<vmem>>, vector<16xf32>,
      tpu.vector_store %arg6[%swap3A_594], %get3A_559 {strides = array<i32>} : memref<24576xf32, #tpu.memory_space<vmem>>, vector<16xf32>,
      %add3A_596 = arith.constant 16 : i32
      %add3A_597 = arith.addi %add3A_541, %add3A_596 : i32
      %swap3A_598 = arith.index_cast %add3A_597 : i32 to index
      %swap3A_599 = tpu.vector_load %arg6[%swap3A_598] {strides = array<i32>} : memref<24576xf32, #tpu.memory_space<vmem>>, vector<16xf32>,
      tpu.vector_store %arg6[%swap3A_598], %get3A_563 {strides = array<i32>} : memref<24576xf32, #tpu.memory_space<vmem>>, vector<16xf32>,
      %gt3A_600 = arith.constant 0 : i32
      %gt3A_601 = arith.cmpi sgt, %squeeze3A_593, %gt3A_600 : i32
      %lt3A_602 = arith.constant 24512 : i32
      %lt3A_603 = arith.cmpi slt, %add3A_541, %lt3A_602 : i32
      %and3A_604 = arith.andi %gt3A_601, %lt3A_603 : i1
      %jit3A_605 = arith.constant 32 : i32
      %jit3A_606 = arith.constant 0 : i32
      %select_n3A_607 = arith.select %and3A_604, %jit3A_605, %jit3A_606 : i32
      %add3A_608 = arith.addi %add3A_541, %select_n3A_607 : i32
      %gt3A_609 = arith.cmpf ogt, %get3A_567, %scan3A_296 : vector<16xf32>
      %gt3A_610 = arith.cmpf ogt, %get3A_571, %scan3A_296 : vector<16xf32>
      %or3A_611 = arith.ori %gt3A_609, %gt3A_610 : vector<16xi1>
      %all_reduce_population_count3A_612 = tpu.all_reduce %or3A_611 {dim = 0 : i64, kind = #tpu.reduction_kind<sum>} : vector<16xi1> -> vector<16xi32>
      %slice3A_613 = vector.extract_strided_slice %all_reduce_population_count3A_612 {offsets = [0], sizes = [1], strides = [1]} : vector<16xi32> to vector<1xi32>
      %squeeze3A_614 = vector.extract %slice3A_613[0] : i32 from vector<1xi32>
      %swap3A_615 = arith.index_cast %add3A_608 : i32 to index
      %swap3A_616 = tpu.vector_load %arg6[%swap3A_615] {strides = array<i32>} : memref<24576xf32, #tpu.memory_space<vmem>>, vector<16xf32>,
      tpu.vector_store %arg6[%swap3A_615], %get3A_567 {strides = array<i32>} : memref<24576xf32, #tpu.memory_space<vmem>>, vector<16xf32>,
      %add3A_617 = arith.constant 16 : i32
      %add3A_618 = arith.addi %add3A_608, %add3A_617 : i32
      %swap3A_619 = arith.index_cast %add3A_618 : i32 to index
      %swap3A_620 = tpu.vector_load %arg6[%swap3A_619] {strides = array<i32>} : memref<24576xf32, #tpu.memory_space<vmem>>, vector<16xf32>,
      tpu.vector_store %arg6[%swap3A_619], %get3A_571 {strides = array<i32>} : memref<24576xf32, #tpu.memory_space<vmem>>, vector<16xf32>,
      %gt3A_621 = arith.constant 0 : i32
      %gt3A_622 = arith.cmpi sgt, %squeeze3A_614, %gt3A_621 : i32
      %lt3A_623 = arith.constant 24512 : i32
      %lt3A_624 = arith.cmpi slt, %add3A_608, %lt3A_623 : i32
      %and3A_625 = arith.andi %gt3A_622, %lt3A_624 : i1
      %jit3A_626 = arith.constant 32 : i32
      %jit3A_627 = arith.constant 0 : i32
      %select_n3A_628 = arith.select %and3A_625, %jit3A_626, %jit3A_627 : i32
      %add3A_629 = arith.addi %add3A_608, %select_n3A_628 : i32
      %gt3A_630 = arith.cmpf ogt, %get3A_575, %scan3A_296 : vector<16xf32>
      %gt3A_631 = arith.cmpf ogt, %get3A_579, %scan3A_296 : vector<16xf32>
      %or3A_632 = arith.ori %gt3A_630, %gt3A_631 : vector<16xi1>
      %all_reduce_population_count3A_633 = tpu.all_reduce %or3A_632 {dim = 0 : i64, kind = #tpu.reduction_kind<sum>} : vector<16xi1> -> vector<16xi32>
      %slice3A_634 = vector.extract_strided_slice %all_reduce_population_count3A_633 {offsets = [0], sizes = [1], strides = [1]} : vector<16xi32> to vector<1xi32>
      %squeeze3A_635 = vector.extract %slice3A_634[0] : i32 from vector<1xi32>
      %swap3A_636 = arith.index_cast %add3A_629 : i32 to index
      %swap3A_637 = tpu.vector_load %arg6[%swap3A_636] {strides = array<i32>} : memref<24576xf32, #tpu.memory_space<vmem>>, vector<16xf32>,
      tpu.vector_store %arg6[%swap3A_636], %get3A_575 {strides = array<i32>} : memref<24576xf32, #tpu.memory_space<vmem>>, vector<16xf32>,
      %add3A_638 = arith.constant 16 : i32
      %add3A_639 = arith.addi %add3A_629, %add3A_638 : i32
      %swap3A_640 = arith.index_cast %add3A_639 : i32 to index
      %swap3A_641 = tpu.vector_load %arg6[%swap3A_640] {strides = array<i32>} : memref<24576xf32, #tpu.memory_space<vmem>>, vector<16xf32>,
      tpu.vector_store %arg6[%swap3A_640], %get3A_579 {strides = array<i32>} : memref<24576xf32, #tpu.memory_space<vmem>>, vector<16xf32>,
      %gt3A_642 = arith.constant 0 : i32
      %gt3A_643 = arith.cmpi sgt, %squeeze3A_635, %gt3A_642 : i32
      %lt3A_644 = arith.constant 24512 : i32
      %lt3A_645 = arith.cmpi slt, %add3A_629, %lt3A_644 : i32
      %and3A_646 = arith.andi %gt3A_643, %lt3A_645 : i1
      %jit3A_647 = arith.constant 32 : i32
      %jit3A_648 = arith.constant 0 : i32
      %select_n3A_649 = arith.select %and3A_646, %jit3A_647, %jit3A_648 : i32
      %add3A_650 = arith.addi %add3A_629, %select_n3A_649 : i32
      %gt3A_651 = arith.cmpf ogt, %get3A_583, %scan3A_296 : vector<16xf32>
      %gt3A_652 = arith.cmpf ogt, %get3A_587, %scan3A_296 : vector<16xf32>
      %or3A_653 = arith.ori %gt3A_651, %gt3A_652 : vector<16xi1>
      %all_reduce_population_count3A_654 = tpu.all_reduce %or3A_653 {dim = 0 : i64, kind = #tpu.reduction_kind<sum>} : vector<16xi1> -> vector<16xi32>
      %slice3A_655 = vector.extract_strided_slice %all_reduce_population_count3A_654 {offsets = [0], sizes = [1], strides = [1]} : vector<16xi32> to vector<1xi32>
      %squeeze3A_656 = vector.extract %slice3A_655[0] : i32 from vector<1xi32>
      %swap3A_657 = arith.index_cast %add3A_650 : i32 to index
      %swap3A_658 = tpu.vector_load %arg6[%swap3A_657] {strides = array<i32>} : memref<24576xf32, #tpu.memory_space<vmem>>, vector<16xf32>,
      tpu.vector_store %arg6[%swap3A_657], %get3A_583 {strides = array<i32>} : memref<24576xf32, #tpu.memory_space<vmem>>, vector<16xf32>,
      %add3A_659 = arith.constant 16 : i32
      %add3A_660 = arith.addi %add3A_650, %add3A_659 : i32
      %swap3A_661 = arith.index_cast %add3A_660 : i32 to index
      %swap3A_662 = tpu.vector_load %arg6[%swap3A_661] {strides = array<i32>} : memref<24576xf32, #tpu.memory_space<vmem>>, vector<16xf32>,
      tpu.vector_store %arg6[%swap3A_661], %get3A_587 {strides = array<i32>} : memref<24576xf32, #tpu.memory_space<vmem>>, vector<16xf32>,
      %gt3A_663 = arith.constant 0 : i32
      %gt3A_664 = arith.cmpi sgt, %squeeze3A_656, %gt3A_663 : i32
      %lt3A_665 = arith.constant 24512 : i32
      %lt3A_666 = arith.cmpi slt, %add3A_650, %lt3A_665 : i32
      %and3A_667 = arith.andi %gt3A_664, %lt3A_666 : i1
      %jit3A_668 = arith.constant 32 : i32
      %jit3A_669 = arith.constant 0 : i32
      %select_n3A_670 = arith.select %and3A_667, %jit3A_668, %jit3A_669 : i32
      %add3A_671 = arith.addi %add3A_650, %select_n3A_670 : i32
      %max3A_672 = arith.maximumf %get3A_559, %get3A_563 : vector<16xf32>
      %max3A_673 = arith.maximumf %get3A_567, %get3A_571 : vector<16xf32>
      %max3A_674 = arith.maximumf %get3A_575, %get3A_579 : vector<16xf32>
      %max3A_675 = arith.maximumf %get3A_583, %get3A_587 : vector<16xf32>
      %max3A_676 = arith.maximumf %max3A_672, %max3A_673 : vector<16xf32>
      %max3A_677 = arith.maximumf %max3A_674, %max3A_675 : vector<16xf32>
      %max3A_678 = arith.maximumf %max3A_676, %max3A_677 : vector<16xf32>
      %max3A_679 = arith.maximumf %max3A_549, %max3A_678 : vector<16xf32>
      %mul3A_680 = arith.constant 4 : i32
      %mul3A_681 = arith.muli %scan3A_294, %mul3A_680 : i32
      %add3A_682 = arith.constant 3 : i32
      %add3A_683 = arith.addi %mul3A_681, %add3A_682 : i32
      %mul3A_684 = arith.constant 128 : i32
      %mul3A_685 = arith.muli %add3A_683, %mul3A_684 : i32
      %add3A_686 = arith.constant 0 : i32
      %add3A_687 = arith.addi %mul3A_685, %add3A_686 : i32
      %get3A_688 = arith.index_cast %add3A_687 : i32 to index
      %get3A_689 = tpu.vector_load %arg5[%get3A_688] {strides = array<i32>} : memref<32768xf32, #tpu.memory_space<vmem>>, vector<16xf32>,
      %add3A_690 = arith.constant 16 : i32
      %add3A_691 = arith.addi %mul3A_685, %add3A_690 : i32
      %get3A_692 = arith.index_cast %add3A_691 : i32 to index
      %get3A_693 = tpu.vector_load %arg5[%get3A_692] {strides = array<i32>} : memref<32768xf32, #tpu.memory_space<vmem>>, vector<16xf32>,
      %add3A_694 = arith.constant 32 : i32
      %add3A_695 = arith.addi %mul3A_685, %add3A_694 : i32
      %get3A_696 = arith.index_cast %add3A_695 : i32 to index
      %get3A_697 = tpu.vector_load %arg5[%get3A_696] {strides = array<i32>} : memref<32768xf32, #tpu.memory_space<vmem>>, vector<16xf32>,
      %add3A_698 = arith.constant 48 : i32
      %add3A_699 = arith.addi %mul3A_685, %add3A_698 : i32
      %get3A_700 = arith.index_cast %add3A_699 : i32 to index
      %get3A_701 = tpu.vector_load %arg5[%get3A_700] {strides = array<i32>} : memref<32768xf32, #tpu.memory_space<vmem>>, vector<16xf32>,
      %add3A_702 = arith.constant 64 : i32
      %add3A_703 = arith.addi %mul3A_685, %add3A_702 : i32
      %get3A_704 = arith.index_cast %add3A_703 : i32 to index
      %get3A_705 = tpu.vector_load %arg5[%get3A_704] {strides = array<i32>} : memref<32768xf32, #tpu.memory_space<vmem>>, vector<16xf32>,
      %add3A_706 = arith.constant 80 : i32
      %add3A_707 = arith.addi %mul3A_685, %add3A_706 : i32
      %get3A_708 = arith.index_cast %add3A_707 : i32 to index
      %get3A_709 = tpu.vector_load %arg5[%get3A_708] {strides = array<i32>} : memref<32768xf32, #tpu.memory_space<vmem>>, vector<16xf32>,
      %add3A_710 = arith.constant 96 : i32
      %add3A_711 = arith.addi %mul3A_685, %add3A_710 : i32
      %get3A_712 = arith.index_cast %add3A_711 : i32 to index
      %get3A_713 = tpu.vector_load %arg5[%get3A_712] {strides = array<i32>} : memref<32768xf32, #tpu.memory_space<vmem>>, vector<16xf32>,
      %add3A_714 = arith.constant 112 : i32
      %add3A_715 = arith.addi %mul3A_685, %add3A_714 : i32
      %get3A_716 = arith.index_cast %add3A_715 : i32 to index
      %get3A_717 = tpu.vector_load %arg5[%get3A_716] {strides = array<i32>} : memref<32768xf32, #tpu.memory_space<vmem>>, vector<16xf32>,
      %gt3A_718 = arith.cmpf ogt, %get3A_689, %scan3A_296 : vector<16xf32>
      %gt3A_719 = arith.cmpf ogt, %get3A_693, %scan3A_296 : vector<16xf32>
      %or3A_720 = arith.ori %gt3A_718, %gt3A_719 : vector<16xi1>
      %all_reduce_population_count3A_721 = tpu.all_reduce %or3A_720 {dim = 0 : i64, kind = #tpu.reduction_kind<sum>} : vector<16xi1> -> vector<16xi32>
      %slice3A_722 = vector.extract_strided_slice %all_reduce_population_count3A_721 {offsets = [0], sizes = [1], strides = [1]} : vector<16xi32> to vector<1xi32>
      %squeeze3A_723 = vector.extract %slice3A_722[0] : i32 from vector<1xi32>
      %swap3A_724 = arith.index_cast %add3A_671 : i32 to index
      %swap3A_725 = tpu.vector_load %arg6[%swap3A_724] {strides = array<i32>} : memref<24576xf32, #tpu.memory_space<vmem>>, vector<16xf32>,
      tpu.vector_store %arg6[%swap3A_724], %get3A_689 {strides = array<i32>} : memref<24576xf32, #tpu.memory_space<vmem>>, vector<16xf32>,
      %add3A_726 = arith.constant 16 : i32
      %add3A_727 = arith.addi %add3A_671, %add3A_726 : i32
      %swap3A_728 = arith.index_cast %add3A_727 : i32 to index
      %swap3A_729 = tpu.vector_load %arg6[%swap3A_728] {strides = array<i32>} : memref<24576xf32, #tpu.memory_space<vmem>>, vector<16xf32>,
      tpu.vector_store %arg6[%swap3A_728], %get3A_693 {strides = array<i32>} : memref<24576xf32, #tpu.memory_space<vmem>>, vector<16xf32>,
      %gt3A_730 = arith.constant 0 : i32
      %gt3A_731 = arith.cmpi sgt, %squeeze3A_723, %gt3A_730 : i32
      %lt3A_732 = arith.constant 24512 : i32
      %lt3A_733 = arith.cmpi slt, %add3A_671, %lt3A_732 : i32
      %and3A_734 = arith.andi %gt3A_731, %lt3A_733 : i1
      %jit3A_735 = arith.constant 32 : i32
      %jit3A_736 = arith.constant 0 : i32
      %select_n3A_737 = arith.select %and3A_734, %jit3A_735, %jit3A_736 : i32
      %add3A_738 = arith.addi %add3A_671, %select_n3A_737 : i32
      %gt3A_739 = arith.cmpf ogt, %get3A_697, %scan3A_296 : vector<16xf32>
      %gt3A_740 = arith.cmpf ogt, %get3A_701, %scan3A_296 : vector<16xf32>
      %or3A_741 = arith.ori %gt3A_739, %gt3A_740 : vector<16xi1>
      %all_reduce_population_count3A_742 = tpu.all_reduce %or3A_741 {dim = 0 : i64, kind = #tpu.reduction_kind<sum>} : vector<16xi1> -> vector<16xi32>
      %slice3A_743 = vector.extract_strided_slice %all_reduce_population_count3A_742 {offsets = [0], sizes = [1], strides = [1]} : vector<16xi32> to vector<1xi32>
      %squeeze3A_744 = vector.extract %slice3A_743[0] : i32 from vector<1xi32>
      %swap3A_745 = arith.index_cast %add3A_738 : i32 to index
      %swap3A_746 = tpu.vector_load %arg6[%swap3A_745] {strides = array<i32>} : memref<24576xf32, #tpu.memory_space<vmem>>, vector<16xf32>,
      tpu.vector_store %arg6[%swap3A_745], %get3A_697 {strides = array<i32>} : memref<24576xf32, #tpu.memory_space<vmem>>, vector<16xf32>,
      %add3A_747 = arith.constant 16 : i32
      %add3A_748 = arith.addi %add3A_738, %add3A_747 : i32
      %swap3A_749 = arith.index_cast %add3A_748 : i32 to index
      %swap3A_750 = tpu.vector_load %arg6[%swap3A_749] {strides = array<i32>} : memref<24576xf32, #tpu.memory_space<vmem>>, vector<16xf32>,
      tpu.vector_store %arg6[%swap3A_749], %get3A_701 {strides = array<i32>} : memref<24576xf32, #tpu.memory_space<vmem>>, vector<16xf32>,
      %gt3A_751 = arith.constant 0 : i32
      %gt3A_752 = arith.cmpi sgt, %squeeze3A_744, %gt3A_751 : i32
      %lt3A_753 = arith.constant 24512 : i32
      %lt3A_754 = arith.cmpi slt, %add3A_738, %lt3A_753 : i32
      %and3A_755 = arith.andi %gt3A_752, %lt3A_754 : i1
      %jit3A_756 = arith.constant 32 : i32
      %jit3A_757 = arith.constant 0 : i32
      %select_n3A_758 = arith.select %and3A_755, %jit3A_756, %jit3A_757 : i32
      %add3A_759 = arith.addi %add3A_738, %select_n3A_758 : i32
      %gt3A_760 = arith.cmpf ogt, %get3A_705, %scan3A_296 : vector<16xf32>
      %gt3A_761 = arith.cmpf ogt, %get3A_709, %scan3A_296 : vector<16xf32>
      %or3A_762 = arith.ori %gt3A_760, %gt3A_761 : vector<16xi1>
      %all_reduce_population_count3A_763 = tpu.all_reduce %or3A_762 {dim = 0 : i64, kind = #tpu.reduction_kind<sum>} : vector<16xi1> -> vector<16xi32>
      %slice3A_764 = vector.extract_strided_slice %all_reduce_population_count3A_763 {offsets = [0], sizes = [1], strides = [1]} : vector<16xi32> to vector<1xi32>
      %squeeze3A_765 = vector.extract %slice3A_764[0] : i32 from vector<1xi32>
      %swap3A_766 = arith.index_cast %add3A_759 : i32 to index
      %swap3A_767 = tpu.vector_load %arg6[%swap3A_766] {strides = array<i32>} : memref<24576xf32, #tpu.memory_space<vmem>>, vector<16xf32>,
      tpu.vector_store %arg6[%swap3A_766], %get3A_705 {strides = array<i32>} : memref<24576xf32, #tpu.memory_space<vmem>>, vector<16xf32>,
      %add3A_768 = arith.constant 16 : i32
      %add3A_769 = arith.addi %add3A_759, %add3A_768 : i32
      %swap3A_770 = arith.index_cast %add3A_769 : i32 to index
      %swap3A_771 = tpu.vector_load %arg6[%swap3A_770] {strides = array<i32>} : memref<24576xf32, #tpu.memory_space<vmem>>, vector<16xf32>,
      tpu.vector_store %arg6[%swap3A_770], %get3A_709 {strides = array<i32>} : memref<24576xf32, #tpu.memory_space<vmem>>, vector<16xf32>,
      %gt3A_772 = arith.constant 0 : i32
      %gt3A_773 = arith.cmpi sgt, %squeeze3A_765, %gt3A_772 : i32
      %lt3A_774 = arith.constant 24512 : i32
      %lt3A_775 = arith.cmpi slt, %add3A_759, %lt3A_774 : i32
      %and3A_776 = arith.andi %gt3A_773, %lt3A_775 : i1
      %jit3A_777 = arith.constant 32 : i32
      %jit3A_778 = arith.constant 0 : i32
      %select_n3A_779 = arith.select %and3A_776, %jit3A_777, %jit3A_778 : i32
      %add3A_780 = arith.addi %add3A_759, %select_n3A_779 : i32
      %gt3A_781 = arith.cmpf ogt, %get3A_713, %scan3A_296 : vector<16xf32>
      %gt3A_782 = arith.cmpf ogt, %get3A_717, %scan3A_296 : vector<16xf32>
      %or3A_783 = arith.ori %gt3A_781, %gt3A_782 : vector<16xi1>
      %all_reduce_population_count3A_784 = tpu.all_reduce %or3A_783 {dim = 0 : i64, kind = #tpu.reduction_kind<sum>} : vector<16xi1> -> vector<16xi32>
      %slice3A_785 = vector.extract_strided_slice %all_reduce_population_count3A_784 {offsets = [0], sizes = [1], strides = [1]} : vector<16xi32> to vector<1xi32>
      %squeeze3A_786 = vector.extract %slice3A_785[0] : i32 from vector<1xi32>
      %swap3A_787 = arith.index_cast %add3A_780 : i32 to index
      %swap3A_788 = tpu.vector_load %arg6[%swap3A_787] {strides = array<i32>} : memref<24576xf32, #tpu.memory_space<vmem>>, vector<16xf32>,
      tpu.vector_store %arg6[%swap3A_787], %get3A_713 {strides = array<i32>} : memref<24576xf32, #tpu.memory_space<vmem>>, vector<16xf32>,
      %add3A_789 = arith.constant 16 : i32
      %add3A_790 = arith.addi %add3A_780, %add3A_789 : i32
      %swap3A_791 = arith.index_cast %add3A_790 : i32 to index
      %swap3A_792 = tpu.vector_load %arg6[%swap3A_791] {strides = array<i32>} : memref<24576xf32, #tpu.memory_space<vmem>>, vector<16xf32>,
      tpu.vector_store %arg6[%swap3A_791], %get3A_717 {strides = array<i32>} : memref<24576xf32, #tpu.memory_space<vmem>>, vector<16xf32>,
      %gt3A_793 = arith.constant 0 : i32
      %gt3A_794 = arith.cmpi sgt, %squeeze3A_786, %gt3A_793 : i32
      %lt3A_795 = arith.constant 24512 : i32
      %lt3A_796 = arith.cmpi slt, %add3A_780, %lt3A_795 : i32
      %and3A_797 = arith.andi %gt3A_794, %lt3A_796 : i1
      %jit3A_798 = arith.constant 32 : i32
      %jit3A_799 = arith.constant 0 : i32
      %select_n3A_800 = arith.select %and3A_797, %jit3A_798, %jit3A_799 : i32
      %add3A_801 = arith.addi %add3A_780, %select_n3A_800 : i32
      %max3A_802 = arith.maximumf %get3A_689, %get3A_693 : vector<16xf32>
      %max3A_803 = arith.maximumf %get3A_697, %get3A_701 : vector<16xf32>
      %max3A_804 = arith.maximumf %get3A_705, %get3A_709 : vector<16xf32>
      %max3A_805 = arith.maximumf %get3A_713, %get3A_717 : vector<16xf32>
      %max3A_806 = arith.maximumf %max3A_802, %max3A_803 : vector<16xf32>
      %max3A_807 = arith.maximumf %max3A_804, %max3A_805 : vector<16xf32>
      %max3A_808 = arith.maximumf %max3A_806, %max3A_807 : vector<16xf32>
      %max3A_809 = arith.maximumf %max3A_679, %max3A_808 : vector<16xf32>
      %reduce_max3A_810 = arith.constant true
      %reduce_max3A_811 = vector.broadcast %reduce_max3A_810 : i1 to vector<16xi1>
      %reduce_max3A_812 = tpu.scan <max>, %max3A_809 masked %reduce_max3A_811 : vector<16xf32>, vector<16xi1> -> vector<16xf32>
      %reduce_max3A_813 = vector.extract %reduce_max3A_812[15] : f32 from vector<16xf32>
      %broadcast_in_dim3A_814 = vector.broadcast %reduce_max3A_813 : f32 to vector<16xf32>
      %sub3A_815 = arith.constant 1.000000e+00 : f32
      %sub3A_816 = vector.broadcast %sub3A_815 : f32 to vector<16xf32>
      %sub3A_817 = arith.subf %broadcast_in_dim3A_814, %sub3A_816 : vector<16xf32>
      scf.yield %max3A_809, %scan3A_297, %sub3A_817, %add3A_801 : vector<16xf32>, vector<16xf32>, vector<16xf32>, i32
    }
    %scan3A_189 = arith.constant 64 : i32
    %reduce_max3A_190 = arith.constant true
    %reduce_max3A_191 = vector.broadcast %reduce_max3A_190 : i1 to vector<16xi1>
    %reduce_max3A_192 = tpu.scan <max>, %scan3A_188#0 masked %reduce_max3A_191 : vector<16xf32>, vector<16xi1> -> vector<16xf32>
    %reduce_max3A_193 = vector.extract %reduce_max3A_192[15] : f32 from vector<16xf32>
    %broadcast_in_dim3A_194 = vector.broadcast %reduce_max3A_193 : f32 to vector<16xf32>
    %sub3A_195 = arith.constant 1.000000e+00 : f32
    %sub3A_196 = vector.broadcast %sub3A_195 : f32 to vector<16xf32>
    %sub3A_197 = arith.subf %broadcast_in_dim3A_194, %sub3A_196 : vector<16xf32>
    %ge3A_198 = arith.constant 24544 : i32
    %ge3A_199 = arith.cmpi sge, %scan3A_188#3, %ge3A_198 : i32
    %shift_right_arithmetic3A_200 = arith.constant 4 : i32
    %shift_right_arithmetic3A_201 = arith.shrsi %scan3A_188#3, %shift_right_arithmetic3A_200 : i32
    %while3A_202 = arith.constant 0 : i32
    %while3A_203 = arith.constant 0 : i32
    %while3A_204 = arith.subi %shift_right_arithmetic3A_201, %while3A_202 : i32
    %while3A_205 = arith.addi %while3A_202, %while3A_204 : i32
    %while3A_206 = arith.constant 1 : i32
    %while3A_207 = arith.divsi %while3A_204, %while3A_206 : i32
    %while3A_208 = arith.muli %while3A_207, %while3A_206 : i32
    %while3A_209 = arith.addi %while3A_202, %while3A_208 : i32
    %while3A_210 = arith.constant 1 : i32
    %while3A_211 = scf.for %while3A_294 = %while3A_202 to %while3A_209 step %while3A_210 iter_args(%while3A_295 = %while3A_203) -> (i32)  : i32 {
      %mul3A_296 = arith.constant 16 : i32
      %mul3A_297 = arith.muli %while3A_294, %mul3A_296 : i32
      %get3A_298 = arith.index_cast %mul3A_297 : i32 to index
      %get3A_299 = tpu.vector_load %arg6[%get3A_298] {strides = array<i32>} : memref<24576xf32, #tpu.memory_space<vmem>>, vector<16xf32>,
      %gt3A = arith.cmpf ogt, %get3A_299, %sub3A_197 : vector<16xf32>
      %all_reduce_population_count3A = tpu.all_reduce %gt3A {dim = 0 : i64, kind = #tpu.reduction_kind<sum>} : vector<16xi1> -> vector<16xi32>
      %slice3A = vector.extract_strided_slice %all_reduce_population_count3A {offsets = [0], sizes = [1], strides = [1]} : vector<16xi32> to vector<1xi32>
      %squeeze3A = vector.extract %slice3A[0] : i32 from vector<1xi32>
      %swap3A_300 = arith.index_cast %while3A_295 : i32 to index
      %swap3A_301 = tpu.vector_load %arg7[%swap3A_300] masked %gt3A {strides = array<i32>} : memref<24576xf32, #tpu.memory_space<vmem>>, vector<16xf32>, vector<16xi1>
      tpu.vector_store %arg7[%swap3A_300], %get3A_299 masked %gt3A {strides = array<i32>} : memref<24576xf32, #tpu.memory_space<vmem>>, vector<16xf32>, vector<16xi1>
      %add3A_302 = arith.addi %while3A_295, %squeeze3A : i32
      scf.yield %add3A_302 : i32
    }
    %while3A_212 = arith.constant 1 : i32
    %while3A_213 = scf.for %while3A_294 = %while3A_209 to %while3A_205 step %while3A_212 iter_args(%while3A_295 = %while3A_211) -> (i32)  : i32 {
      %mul3A_296 = arith.constant 16 : i32
      %mul3A_297 = arith.muli %while3A_294, %mul3A_296 : i32
      %get3A_298 = arith.index_cast %mul3A_297 : i32 to index
      %get3A_299 = tpu.vector_load %arg6[%get3A_298] {strides = array<i32>} : memref<24576xf32, #tpu.memory_space<vmem>>, vector<16xf32>,
      %gt3A = arith.cmpf ogt, %get3A_299, %sub3A_197 : vector<16xf32>
      %all_reduce_population_count3A = tpu.all_reduce %gt3A {dim = 0 : i64, kind = #tpu.reduction_kind<sum>} : vector<16xi1> -> vector<16xi32>
      %slice3A = vector.extract_strided_slice %all_reduce_population_count3A {offsets = [0], sizes = [1], strides = [1]} : vector<16xi32> to vector<1xi32>
      %squeeze3A = vector.extract %slice3A[0] : i32 from vector<1xi32>
      %swap3A_300 = arith.index_cast %while3A_295 : i32 to index
      %swap3A_301 = tpu.vector_load %arg7[%swap3A_300] masked %gt3A {strides = array<i32>} : memref<24576xf32, #tpu.memory_space<vmem>>, vector<16xf32>, vector<16xi1>
      tpu.vector_store %arg7[%swap3A_300], %get3A_299 masked %gt3A {strides = array<i32>} : memref<24576xf32, #tpu.memory_space<vmem>>, vector<16xf32>, vector<16xi1>
      %add3A_302 = arith.addi %while3A_295, %squeeze3A : i32
      scf.yield %add3A_302 : i32
    }
    %broadcast_in_dim3A_214 = arith.constant -3.000000e+38 : f32
    %broadcast_in_dim3A_215 = vector.broadcast %broadcast_in_dim3A_214 : f32 to vector<16xf32>
    %swap3A_216 = arith.index_cast %while3A_213 : i32 to index
    %swap3A_217 = tpu.vector_load %arg7[%swap3A_216] {strides = array<i32>} : memref<24576xf32, #tpu.memory_space<vmem>>, vector<16xf32>,
    tpu.vector_store %arg7[%swap3A_216], %broadcast_in_dim3A_215 {strides = array<i32>} : memref<24576xf32, #tpu.memory_space<vmem>>, vector<16xf32>,
    %add3A_218 = arith.constant 15 : i32
    %add3A_219 = arith.addi %while3A_213, %add3A_218 : i32
    %shift_right_arithmetic3A_220 = arith.constant 4 : i32
    %shift_right_arithmetic3A_221 = arith.shrsi %add3A_219, %shift_right_arithmetic3A_220 : i32
    %scan3A_222 = arith.constant 0 : i32
    %scan3A_223 = arith.constant 10 : i32
    %scan3A_224 = arith.addi %scan3A_222, %scan3A_223 : i32
    %scan3A_225 = arith.constant 1 : i32
    %scan3A_226 = scf.for %scan3A_294 = %scan3A_222 to %scan3A_224 step %scan3A_225 iter_args(%scan3A_295 = %sub3A_197) -> (vector<16xf32>)  : i32 {
      %convert_element_type3A = arith.extui %ge3A_199 : i1 to i32
      %cond3A = arith.constant 0 : i32
      %cond3A_296 = arith.cmpi ne, %convert_element_type3A, %cond3A : i32
      %cond3A_297:2 = scf.if %cond3A_296 -> (vector<16xf32>, vector<16xi32>) {
        %broadcast_in_dim3A_315 = arith.constant 0.000000e+00 : f32
        %broadcast_in_dim3A_316 = vector.broadcast %broadcast_in_dim3A_315 : f32 to vector<16xf32>
        %broadcast_in_dim3A_317 = arith.constant 0 : i32
        %broadcast_in_dim3A_318 = vector.broadcast %broadcast_in_dim3A_317 : i32 to vector<16xi32>
        %scan3A_319 = arith.constant 0 : i32
        %scan3A_320 = arith.constant 2048 : i32
        %scan3A_321 = arith.addi %scan3A_319, %scan3A_320 : i32
        %scan3A_322 = arith.constant 1 : i32
        %scan3A_323:2 = scf.for %scan3A_325 = %scan3A_319 to %scan3A_321 step %scan3A_322 iter_args(%scan3A_326 = %broadcast_in_dim3A_316, %scan3A_327 = %broadcast_in_dim3A_318) -> (vector<16xf32>, vector<16xi32>)  : i32 {
          %mul3A_328 = arith.constant 16 : i32
          %mul3A_329 = arith.muli %scan3A_325, %mul3A_328 : i32
          %get3A_330 = arith.index_cast %mul3A_329 : i32 to index
          %get3A_331 = tpu.vector_load %arg5[%get3A_330] {strides = array<i32>} : memref<32768xf32, #tpu.memory_space<vmem>>, vector<16xf32>,
          %gt3A = arith.cmpf ogt, %get3A_331, %scan3A_295 : vector<16xf32>
          %jit3A = arith.constant 0.000000e+00 : f32
          %broadcast_in_dim3A_332 = vector.broadcast %jit3A : f32 to vector<16xf32>
          %select_n3A = arith.select %gt3A, %get3A_331, %broadcast_in_dim3A_332 : vector<16xi1>, vector<16xf32>
          %add3A_333 = arith.addf %scan3A_326, %select_n3A : vector<16xf32>
          %convert_element_type3A_334 = arith.extui %gt3A : vector<16xi1> to vector<16xi32>
          %add3A_335 = arith.addi %scan3A_327, %convert_element_type3A_334 : vector<16xi32>
          scf.yield %add3A_333, %add3A_335 : vector<16xf32>, vector<16xi32>
        }
        %scan3A_324 = arith.constant 2048 : i32
        scf.yield %scan3A_323#0, %scan3A_323#1 : vector<16xf32>, vector<16xi32>
      } else {
        %broadcast_in_dim3A_315 = arith.constant 0.000000e+00 : f32
        %broadcast_in_dim3A_316 = vector.broadcast %broadcast_in_dim3A_315 : f32 to vector<16xf32>
        %broadcast_in_dim3A_317 = arith.constant 0 : i32
        %broadcast_in_dim3A_318 = vector.broadcast %broadcast_in_dim3A_317 : i32 to vector<16xi32>
        %while3A_319 = arith.constant 0 : i32
        %while3A_320 = arith.subi %shift_right_arithmetic3A_221, %while3A_319 : i32
        %while3A_321 = arith.addi %while3A_319, %while3A_320 : i32
        %while3A_322 = arith.constant 1 : i32
        %while3A_323 = arith.divsi %while3A_320, %while3A_322 : i32
        %while3A_324 = arith.muli %while3A_323, %while3A_322 : i32
        %while3A_325 = arith.addi %while3A_319, %while3A_324 : i32
        %while3A_326 = arith.constant 1 : i32
        %while3A_327:2 = scf.for %while3A_330 = %while3A_319 to %while3A_325 step %while3A_326 iter_args(%while3A_331 = %broadcast_in_dim3A_316, %while3A_332 = %broadcast_in_dim3A_318) -> (vector<16xf32>, vector<16xi32>)  : i32 {
          %mul3A_333 = arith.constant 16 : i32
          %mul3A_334 = arith.muli %while3A_330, %mul3A_333 : i32
          %get3A_335 = arith.index_cast %mul3A_334 : i32 to index
          %get3A_336 = tpu.vector_load %arg7[%get3A_335] {strides = array<i32>} : memref<24576xf32, #tpu.memory_space<vmem>>, vector<16xf32>,
          %gt3A = arith.cmpf ogt, %get3A_336, %scan3A_295 : vector<16xf32>
          %jit3A = arith.constant 0.000000e+00 : f32
          %broadcast_in_dim3A_337 = vector.broadcast %jit3A : f32 to vector<16xf32>
          %select_n3A = arith.select %gt3A, %get3A_336, %broadcast_in_dim3A_337 : vector<16xi1>, vector<16xf32>
          %add3A_338 = arith.addf %while3A_331, %select_n3A : vector<16xf32>
          %convert_element_type3A_339 = arith.extui %gt3A : vector<16xi1> to vector<16xi32>
          %add3A_340 = arith.addi %while3A_332, %convert_element_type3A_339 : vector<16xi32>
          scf.yield %add3A_338, %add3A_340 : vector<16xf32>, vector<16xi32>
        }
        %while3A_328 = arith.constant 1 : i32
        %while3A_329:2 = scf.for %while3A_330 = %while3A_325 to %while3A_321 step %while3A_328 iter_args(%while3A_331 = %while3A_327#0, %while3A_332 = %while3A_327#1) -> (vector<16xf32>, vector<16xi32>)  : i32 {
          %mul3A_333 = arith.constant 16 : i32
          %mul3A_334 = arith.muli %while3A_330, %mul3A_333 : i32
          %get3A_335 = arith.index_cast %mul3A_334 : i32 to index
          %get3A_336 = tpu.vector_load %arg7[%get3A_335] {strides = array<i32>} : memref<24576xf32, #tpu.memory_space<vmem>>, vector<16xf32>,
          %gt3A = arith.cmpf ogt, %get3A_336, %scan3A_295 : vector<16xf32>
          %jit3A = arith.constant 0.000000e+00 : f32
          %broadcast_in_dim3A_337 = vector.broadcast %jit3A : f32 to vector<16xf32>
          %select_n3A = arith.select %gt3A, %get3A_336, %broadcast_in_dim3A_337 : vector<16xi1>, vector<16xf32>
          %add3A_338 = arith.addf %while3A_331, %select_n3A : vector<16xf32>
          %convert_element_type3A_339 = arith.extui %gt3A : vector<16xi1> to vector<16xi32>
          %add3A_340 = arith.addi %while3A_332, %convert_element_type3A_339 : vector<16xi32>
          scf.yield %add3A_338, %add3A_340 : vector<16xf32>, vector<16xi32>
        }
        scf.yield %while3A_329#0, %while3A_329#1 : vector<16xf32>, vector<16xi32>
      }
      %reduce_sum3A = arith.constant true
      %reduce_sum3A_298 = vector.broadcast %reduce_sum3A : i1 to vector<16xi1>
      %reduce_sum3A_299 = tpu.scan <sum>, %cond3A_297#0 masked %reduce_sum3A_298 : vector<16xf32>, vector<16xi1> -> vector<16xf32>
      %reduce_sum3A_300 = vector.extract %reduce_sum3A_299[15] : f32 from vector<16xf32>
      %convert_element_type3A_301 = arith.sitofp %cond3A_297#1 : vector<16xi32> to vector<16xf32>
      %reduce_sum3A_302 = arith.constant true
      %reduce_sum3A_303 = vector.broadcast %reduce_sum3A_302 : i1 to vector<16xi1>
      %reduce_sum3A_304 = tpu.scan <sum>, %convert_element_type3A_301 masked %reduce_sum3A_303 : vector<16xf32>, vector<16xi1> -> vector<16xf32>
      %reduce_sum3A_305 = vector.extract %reduce_sum3A_304[15] : f32 from vector<16xf32>
      %broadcast_in_dim3A_306 = vector.broadcast %reduce_sum3A_305 : f32 to vector<16xf32>
      %max3A_307 = arith.constant 1.000000e+00 : f32
      %max3A_308 = vector.broadcast %max3A_307 : f32 to vector<16xf32>
      %max3A_309 = arith.maximumf %broadcast_in_dim3A_306, %max3A_308 : vector<16xf32>
      %broadcast_in_dim3A_310 = vector.broadcast %reduce_sum3A_300 : f32 to vector<16xf32>
      %sub3A_311 = arith.constant 1.000000e+00 : f32
      %sub3A_312 = vector.broadcast %sub3A_311 : f32 to vector<16xf32>
      %sub3A_313 = arith.subf %broadcast_in_dim3A_310, %sub3A_312 : vector<16xf32>
      %div3A = arith.divf %sub3A_313, %max3A_309 : vector<16xf32>
      %max3A_314 = arith.maximumf %scan3A_295, %div3A : vector<16xf32>
      scf.yield %max3A_314 : vector<16xf32>
    }
    %scan3A_227 = arith.constant 10 : i32
    %parallel_loop3A_228 = arith.constant 0 : i32
    %parallel_loop3A_229 = arith.constant 128 : i32
    %parallel_loop3A_230 = arith.constant 1 : i32
    scf.for %parallel_loop3A_294 = %parallel_loop3A_228 to %parallel_loop3A_229 step %parallel_loop3A_230  : i32 {
      %parallel_loop3A_295 = arith.constant 128 : i32
      %parallel_loop3A_296 = arith.muli %parallel_loop3A_294, %parallel_loop3A_295 : i32
      %parallel_loop3A_297 = arith.constant 0 : i32
      %parallel_loop3A_298 = arith.addi %parallel_loop3A_296, %parallel_loop3A_297 : i32
      %parallel_loop3A_299 = arith.index_cast %parallel_loop3A_298 : i32 to index
      %parallel_loop3A_300 = tpu.vector_load %arg5[%parallel_loop3A_299] {strides = array<i32>} : memref<32768xf32, #tpu.memory_space<vmem>>, vector<16xf32>,
      %parallel_loop3A_301 = arith.subf %parallel_loop3A_300, %scan3A_226 : vector<16xf32>
      %parallel_loop3A_302 = arith.constant 0.000000e+00 : f32
      %parallel_loop3A_303 = vector.broadcast %parallel_loop3A_302 : f32 to vector<16xf32>
      %parallel_loop3A_304 = arith.maximumf %parallel_loop3A_301, %parallel_loop3A_303 : vector<16xf32>
      %parallel_loop3A_305 = arith.index_cast %parallel_loop3A_298 : i32 to index
      %parallel_loop3A_306 = tpu.vector_load %arg5[%parallel_loop3A_305] {strides = array<i32>} : memref<32768xf32, #tpu.memory_space<vmem>>, vector<16xf32>,
      tpu.vector_store %arg5[%parallel_loop3A_305], %parallel_loop3A_304 {strides = array<i32>} : memref<32768xf32, #tpu.memory_space<vmem>>, vector<16xf32>,
      %parallel_loop3A_307 = arith.constant 16 : i32
      %parallel_loop3A_308 = arith.addi %parallel_loop3A_296, %parallel_loop3A_307 : i32
      %parallel_loop3A_309 = arith.index_cast %parallel_loop3A_308 : i32 to index
      %parallel_loop3A_310 = tpu.vector_load %arg5[%parallel_loop3A_309] {strides = array<i32>} : memref<32768xf32, #tpu.memory_space<vmem>>, vector<16xf32>,
      %parallel_loop3A_311 = arith.subf %parallel_loop3A_310, %scan3A_226 : vector<16xf32>
      %parallel_loop3A_312 = arith.constant 0.000000e+00 : f32
      %parallel_loop3A_313 = vector.broadcast %parallel_loop3A_312 : f32 to vector<16xf32>
      %parallel_loop3A_314 = arith.maximumf %parallel_loop3A_311, %parallel_loop3A_313 : vector<16xf32>
      %parallel_loop3A_315 = arith.index_cast %parallel_loop3A_308 : i32 to index
      %parallel_loop3A_316 = tpu.vector_load %arg5[%parallel_loop3A_315] {strides = array<i32>} : memref<32768xf32, #tpu.memory_space<vmem>>, vector<16xf32>,
      tpu.vector_store %arg5[%parallel_loop3A_315], %parallel_loop3A_314 {strides = array<i32>} : memref<32768xf32, #tpu.memory_space<vmem>>, vector<16xf32>,
      %parallel_loop3A_317 = arith.constant 32 : i32
      %parallel_loop3A_318 = arith.addi %parallel_loop3A_296, %parallel_loop3A_317 : i32
      %parallel_loop3A_319 = arith.index_cast %parallel_loop3A_318 : i32 to index
      %parallel_loop3A_320 = tpu.vector_load %arg5[%parallel_loop3A_319] {strides = array<i32>} : memref<32768xf32, #tpu.memory_space<vmem>>, vector<16xf32>,
      %parallel_loop3A_321 = arith.subf %parallel_loop3A_320, %scan3A_226 : vector<16xf32>
      %parallel_loop3A_322 = arith.constant 0.000000e+00 : f32
      %parallel_loop3A_323 = vector.broadcast %parallel_loop3A_322 : f32 to vector<16xf32>
      %parallel_loop3A_324 = arith.maximumf %parallel_loop3A_321, %parallel_loop3A_323 : vector<16xf32>
      %parallel_loop3A_325 = arith.index_cast %parallel_loop3A_318 : i32 to index
      %parallel_loop3A_326 = tpu.vector_load %arg5[%parallel_loop3A_325] {strides = array<i32>} : memref<32768xf32, #tpu.memory_space<vmem>>, vector<16xf32>,
      tpu.vector_store %arg5[%parallel_loop3A_325], %parallel_loop3A_324 {strides = array<i32>} : memref<32768xf32, #tpu.memory_space<vmem>>, vector<16xf32>,
      %parallel_loop3A_327 = arith.constant 48 : i32
      %parallel_loop3A_328 = arith.addi %parallel_loop3A_296, %parallel_loop3A_327 : i32
      %parallel_loop3A_329 = arith.index_cast %parallel_loop3A_328 : i32 to index
      %parallel_loop3A_330 = tpu.vector_load %arg5[%parallel_loop3A_329] {strides = array<i32>} : memref<32768xf32, #tpu.memory_space<vmem>>, vector<16xf32>,
      %parallel_loop3A_331 = arith.subf %parallel_loop3A_330, %scan3A_226 : vector<16xf32>
      %parallel_loop3A_332 = arith.constant 0.000000e+00 : f32
      %parallel_loop3A_333 = vector.broadcast %parallel_loop3A_332 : f32 to vector<16xf32>
      %parallel_loop3A_334 = arith.maximumf %parallel_loop3A_331, %parallel_loop3A_333 : vector<16xf32>
      %parallel_loop3A_335 = arith.index_cast %parallel_loop3A_328 : i32 to index
      %parallel_loop3A_336 = tpu.vector_load %arg5[%parallel_loop3A_335] {strides = array<i32>} : memref<32768xf32, #tpu.memory_space<vmem>>, vector<16xf32>,
      tpu.vector_store %arg5[%parallel_loop3A_335], %parallel_loop3A_334 {strides = array<i32>} : memref<32768xf32, #tpu.memory_space<vmem>>, vector<16xf32>,
      %parallel_loop3A_337 = arith.constant 64 : i32
      %parallel_loop3A_338 = arith.addi %parallel_loop3A_296, %parallel_loop3A_337 : i32
      %parallel_loop3A_339 = arith.index_cast %parallel_loop3A_338 : i32 to index
      %parallel_loop3A_340 = tpu.vector_load %arg5[%parallel_loop3A_339] {strides = array<i32>} : memref<32768xf32, #tpu.memory_space<vmem>>, vector<16xf32>,
      %parallel_loop3A_341 = arith.subf %parallel_loop3A_340, %scan3A_226 : vector<16xf32>
      %parallel_loop3A_342 = arith.constant 0.000000e+00 : f32
      %parallel_loop3A_343 = vector.broadcast %parallel_loop3A_342 : f32 to vector<16xf32>
      %parallel_loop3A_344 = arith.maximumf %parallel_loop3A_341, %parallel_loop3A_343 : vector<16xf32>
      %parallel_loop3A_345 = arith.index_cast %parallel_loop3A_338 : i32 to index
      %parallel_loop3A_346 = tpu.vector_load %arg5[%parallel_loop3A_345] {strides = array<i32>} : memref<32768xf32, #tpu.memory_space<vmem>>, vector<16xf32>,
      tpu.vector_store %arg5[%parallel_loop3A_345], %parallel_loop3A_344 {strides = array<i32>} : memref<32768xf32, #tpu.memory_space<vmem>>, vector<16xf32>,
      %parallel_loop3A_347 = arith.constant 80 : i32
      %parallel_loop3A_348 = arith.addi %parallel_loop3A_296, %parallel_loop3A_347 : i32
      %parallel_loop3A_349 = arith.index_cast %parallel_loop3A_348 : i32 to index
      %parallel_loop3A_350 = tpu.vector_load %arg5[%parallel_loop3A_349] {strides = array<i32>} : memref<32768xf32, #tpu.memory_space<vmem>>, vector<16xf32>,
      %parallel_loop3A_351 = arith.subf %parallel_loop3A_350, %scan3A_226 : vector<16xf32>
      %parallel_loop3A_352 = arith.constant 0.000000e+00 : f32
      %parallel_loop3A_353 = vector.broadcast %parallel_loop3A_352 : f32 to vector<16xf32>
      %parallel_loop3A_354 = arith.maximumf %parallel_loop3A_351, %parallel_loop3A_353 : vector<16xf32>
      %parallel_loop3A_355 = arith.index_cast %parallel_loop3A_348 : i32 to index
      %parallel_loop3A_356 = tpu.vector_load %arg5[%parallel_loop3A_355] {strides = array<i32>} : memref<32768xf32, #tpu.memory_space<vmem>>, vector<16xf32>,
      tpu.vector_store %arg5[%parallel_loop3A_355], %parallel_loop3A_354 {strides = array<i32>} : memref<32768xf32, #tpu.memory_space<vmem>>, vector<16xf32>,
      %parallel_loop3A_357 = arith.constant 96 : i32
      %parallel_loop3A_358 = arith.addi %parallel_loop3A_296, %parallel_loop3A_357 : i32
      %parallel_loop3A_359 = arith.index_cast %parallel_loop3A_358 : i32 to index
      %parallel_loop3A_360 = tpu.vector_load %arg5[%parallel_loop3A_359] {strides = array<i32>} : memref<32768xf32, #tpu.memory_space<vmem>>, vector<16xf32>,
      %parallel_loop3A_361 = arith.subf %parallel_loop3A_360, %scan3A_226 : vector<16xf32>
      %parallel_loop3A_362 = arith.constant 0.000000e+00 : f32
      %parallel_loop3A_363 = vector.broadcast %parallel_loop3A_362 : f32 to vector<16xf32>
      %parallel_loop3A_364 = arith.maximumf %parallel_loop3A_361, %parallel_loop3A_363 : vector<16xf32>
      %parallel_loop3A_365 = arith.index_cast %parallel_loop3A_358 : i32 to index
      %parallel_loop3A_366 = tpu.vector_load %arg5[%parallel_loop3A_365] {strides = array<i32>} : memref<32768xf32, #tpu.memory_space<vmem>>, vector<16xf32>,
      tpu.vector_store %arg5[%parallel_loop3A_365], %parallel_loop3A_364 {strides = array<i32>} : memref<32768xf32, #tpu.memory_space<vmem>>, vector<16xf32>,
      %parallel_loop3A_367 = arith.constant 112 : i32
      %parallel_loop3A_368 = arith.addi %parallel_loop3A_296, %parallel_loop3A_367 : i32
      %parallel_loop3A_369 = arith.index_cast %parallel_loop3A_368 : i32 to index
      %parallel_loop3A_370 = tpu.vector_load %arg5[%parallel_loop3A_369] {strides = array<i32>} : memref<32768xf32, #tpu.memory_space<vmem>>, vector<16xf32>,
      %parallel_loop3A_371 = arith.subf %parallel_loop3A_370, %scan3A_226 : vector<16xf32>
      %parallel_loop3A_372 = arith.constant 0.000000e+00 : f32
      %parallel_loop3A_373 = vector.broadcast %parallel_loop3A_372 : f32 to vector<16xf32>
      %parallel_loop3A_374 = arith.maximumf %parallel_loop3A_371, %parallel_loop3A_373 : vector<16xf32>
      %parallel_loop3A_375 = arith.index_cast %parallel_loop3A_368 : i32 to index
      %parallel_loop3A_376 = tpu.vector_load %arg5[%parallel_loop3A_375] {strides = array<i32>} : memref<32768xf32, #tpu.memory_space<vmem>>, vector<16xf32>,
      tpu.vector_store %arg5[%parallel_loop3A_375], %parallel_loop3A_374 {strides = array<i32>} : memref<32768xf32, #tpu.memory_space<vmem>>, vector<16xf32>,
    } {sc.loop_unroll_factor = 2 : i64, sc.parallel_access}
    %dma_start3A_231 = arith.constant 0 : i32
    %dma_start3A_232 = tpu.memref_slice %arg5[%dma_start3A_231] : memref<32768xf32, #tpu.memory_space<vmem>> -> memref<16384xf32, #tpu.memory_space<vmem>>
    %dma_start3A_233 = arith.constant 0 : i32
    %dma_start3A_234 = tpu.memref_slice %arg3[%add3A_4, %dma_start3A_233] : memref<64x32768xf32, #tpu.memory_space<hbm>> -> memref<1x16384xf32, #tpu.memory_space<hbm>>
    %dma_start3A_235 = tpu.memref_squeeze %dma_start3A_234 : memref<1x16384xf32, #tpu.memory_space<hbm>> -> memref<16384xf32, #tpu.memory_space<hbm>>
    %dma_start3A_236 = arith.constant 0 : i32
    %dma_start3A_237 = tpu.memref_slice %arg3[%add3A_4, %dma_start3A_236] : memref<64x32768xf32, #tpu.memory_space<hbm>> -> memref<1x16384xf32, #tpu.memory_space<hbm>>
    %dma_start3A_238 = tpu.memref_squeeze %dma_start3A_237 : memref<1x16384xf32, #tpu.memory_space<hbm>> -> memref<16384xf32, #tpu.memory_space<hbm>>
    %dma_start3A_239 = arith.constant 0 : i32
    %dma_start3A_240 = tpu.memref_slice %arg5[%dma_start3A_239] : memref<32768xf32, #tpu.memory_space<vmem>> -> memref<16384xf32, #tpu.memory_space<vmem>>
    tpu.enqueue_dma source(%dma_start3A_240 : memref<16384xf32, #tpu.memory_space<vmem>>) target(%dma_start3A_238 : memref<16384xf32, #tpu.memory_space<hbm>>) target_semaphore(%arg10 : memref<!tpu.dma_semaphore, #tpu.memory_space<semaphore_mem>>)
    %parallel_loop3A_241 = arith.constant 128 : i32
    %parallel_loop3A_242 = arith.constant 256 : i32
    %parallel_loop3A_243 = arith.constant 1 : i32
    scf.for %parallel_loop3A_294 = %parallel_loop3A_241 to %parallel_loop3A_242 step %parallel_loop3A_243  : i32 {
      %parallel_loop3A_295 = arith.constant 128 : i32
      %parallel_loop3A_296 = arith.muli %parallel_loop3A_294, %parallel_loop3A_295 : i32
      %parallel_loop3A_297 = arith.constant 0 : i32
      %parallel_loop3A_298 = arith.addi %parallel_loop3A_296, %parallel_loop3A_297 : i32
      %parallel_loop3A_299 = arith.index_cast %parallel_loop3A_298 : i32 to index
      %parallel_loop3A_300 = tpu.vector_load %arg5[%parallel_loop3A_299] {strides = array<i32>} : memref<32768xf32, #tpu.memory_space<vmem>>, vector<16xf32>,
      %parallel_loop3A_301 = arith.subf %parallel_loop3A_300, %scan3A_226 : vector<16xf32>
      %parallel_loop3A_302 = arith.constant 0.000000e+00 : f32
      %parallel_loop3A_303 = vector.broadcast %parallel_loop3A_302 : f32 to vector<16xf32>
      %parallel_loop3A_304 = arith.maximumf %parallel_loop3A_301, %parallel_loop3A_303 : vector<16xf32>
      %parallel_loop3A_305 = arith.index_cast %parallel_loop3A_298 : i32 to index
      %parallel_loop3A_306 = tpu.vector_load %arg5[%parallel_loop3A_305] {strides = array<i32>} : memref<32768xf32, #tpu.memory_space<vmem>>, vector<16xf32>,
      tpu.vector_store %arg5[%parallel_loop3A_305], %parallel_loop3A_304 {strides = array<i32>} : memref<32768xf32, #tpu.memory_space<vmem>>, vector<16xf32>,
      %parallel_loop3A_307 = arith.constant 16 : i32
      %parallel_loop3A_308 = arith.addi %parallel_loop3A_296, %parallel_loop3A_307 : i32
      %parallel_loop3A_309 = arith.index_cast %parallel_loop3A_308 : i32 to index
      %parallel_loop3A_310 = tpu.vector_load %arg5[%parallel_loop3A_309] {strides = array<i32>} : memref<32768xf32, #tpu.memory_space<vmem>>, vector<16xf32>,
      %parallel_loop3A_311 = arith.subf %parallel_loop3A_310, %scan3A_226 : vector<16xf32>
      %parallel_loop3A_312 = arith.constant 0.000000e+00 : f32
      %parallel_loop3A_313 = vector.broadcast %parallel_loop3A_312 : f32 to vector<16xf32>
      %parallel_loop3A_314 = arith.maximumf %parallel_loop3A_311, %parallel_loop3A_313 : vector<16xf32>
      %parallel_loop3A_315 = arith.index_cast %parallel_loop3A_308 : i32 to index
      %parallel_loop3A_316 = tpu.vector_load %arg5[%parallel_loop3A_315] {strides = array<i32>} : memref<32768xf32, #tpu.memory_space<vmem>>, vector<16xf32>,
      tpu.vector_store %arg5[%parallel_loop3A_315], %parallel_loop3A_314 {strides = array<i32>} : memref<32768xf32, #tpu.memory_space<vmem>>, vector<16xf32>,
      %parallel_loop3A_317 = arith.constant 32 : i32
      %parallel_loop3A_318 = arith.addi %parallel_loop3A_296, %parallel_loop3A_317 : i32
      %parallel_loop3A_319 = arith.index_cast %parallel_loop3A_318 : i32 to index
      %parallel_loop3A_320 = tpu.vector_load %arg5[%parallel_loop3A_319] {strides = array<i32>} : memref<32768xf32, #tpu.memory_space<vmem>>, vector<16xf32>,
      %parallel_loop3A_321 = arith.subf %parallel_loop3A_320, %scan3A_226 : vector<16xf32>
      %parallel_loop3A_322 = arith.constant 0.000000e+00 : f32
      %parallel_loop3A_323 = vector.broadcast %parallel_loop3A_322 : f32 to vector<16xf32>
      %parallel_loop3A_324 = arith.maximumf %parallel_loop3A_321, %parallel_loop3A_323 : vector<16xf32>
      %parallel_loop3A_325 = arith.index_cast %parallel_loop3A_318 : i32 to index
      %parallel_loop3A_326 = tpu.vector_load %arg5[%parallel_loop3A_325] {strides = array<i32>} : memref<32768xf32, #tpu.memory_space<vmem>>, vector<16xf32>,
      tpu.vector_store %arg5[%parallel_loop3A_325], %parallel_loop3A_324 {strides = array<i32>} : memref<32768xf32, #tpu.memory_space<vmem>>, vector<16xf32>,
      %parallel_loop3A_327 = arith.constant 48 : i32
      %parallel_loop3A_328 = arith.addi %parallel_loop3A_296, %parallel_loop3A_327 : i32
      %parallel_loop3A_329 = arith.index_cast %parallel_loop3A_328 : i32 to index
      %parallel_loop3A_330 = tpu.vector_load %arg5[%parallel_loop3A_329] {strides = array<i32>} : memref<32768xf32, #tpu.memory_space<vmem>>, vector<16xf32>,
      %parallel_loop3A_331 = arith.subf %parallel_loop3A_330, %scan3A_226 : vector<16xf32>
      %parallel_loop3A_332 = arith.constant 0.000000e+00 : f32
      %parallel_loop3A_333 = vector.broadcast %parallel_loop3A_332 : f32 to vector<16xf32>
      %parallel_loop3A_334 = arith.maximumf %parallel_loop3A_331, %parallel_loop3A_333 : vector<16xf32>
      %parallel_loop3A_335 = arith.index_cast %parallel_loop3A_328 : i32 to index
      %parallel_loop3A_336 = tpu.vector_load %arg5[%parallel_loop3A_335] {strides = array<i32>} : memref<32768xf32, #tpu.memory_space<vmem>>, vector<16xf32>,
      tpu.vector_store %arg5[%parallel_loop3A_335], %parallel_loop3A_334 {strides = array<i32>} : memref<32768xf32, #tpu.memory_space<vmem>>, vector<16xf32>,
      %parallel_loop3A_337 = arith.constant 64 : i32
      %parallel_loop3A_338 = arith.addi %parallel_loop3A_296, %parallel_loop3A_337 : i32
      %parallel_loop3A_339 = arith.index_cast %parallel_loop3A_338 : i32 to index
      %parallel_loop3A_340 = tpu.vector_load %arg5[%parallel_loop3A_339] {strides = array<i32>} : memref<32768xf32, #tpu.memory_space<vmem>>, vector<16xf32>,
      %parallel_loop3A_341 = arith.subf %parallel_loop3A_340, %scan3A_226 : vector<16xf32>
      %parallel_loop3A_342 = arith.constant 0.000000e+00 : f32
      %parallel_loop3A_343 = vector.broadcast %parallel_loop3A_342 : f32 to vector<16xf32>
      %parallel_loop3A_344 = arith.maximumf %parallel_loop3A_341, %parallel_loop3A_343 : vector<16xf32>
      %parallel_loop3A_345 = arith.index_cast %parallel_loop3A_338 : i32 to index
      %parallel_loop3A_346 = tpu.vector_load %arg5[%parallel_loop3A_345] {strides = array<i32>} : memref<32768xf32, #tpu.memory_space<vmem>>, vector<16xf32>,
      tpu.vector_store %arg5[%parallel_loop3A_345], %parallel_loop3A_344 {strides = array<i32>} : memref<32768xf32, #tpu.memory_space<vmem>>, vector<16xf32>,
      %parallel_loop3A_347 = arith.constant 80 : i32
      %parallel_loop3A_348 = arith.addi %parallel_loop3A_296, %parallel_loop3A_347 : i32
      %parallel_loop3A_349 = arith.index_cast %parallel_loop3A_348 : i32 to index
      %parallel_loop3A_350 = tpu.vector_load %arg5[%parallel_loop3A_349] {strides = array<i32>} : memref<32768xf32, #tpu.memory_space<vmem>>, vector<16xf32>,
      %parallel_loop3A_351 = arith.subf %parallel_loop3A_350, %scan3A_226 : vector<16xf32>
      %parallel_loop3A_352 = arith.constant 0.000000e+00 : f32
      %parallel_loop3A_353 = vector.broadcast %parallel_loop3A_352 : f32 to vector<16xf32>
      %parallel_loop3A_354 = arith.maximumf %parallel_loop3A_351, %parallel_loop3A_353 : vector<16xf32>
      %parallel_loop3A_355 = arith.index_cast %parallel_loop3A_348 : i32 to index
      %parallel_loop3A_356 = tpu.vector_load %arg5[%parallel_loop3A_355] {strides = array<i32>} : memref<32768xf32, #tpu.memory_space<vmem>>, vector<16xf32>,
      tpu.vector_store %arg5[%parallel_loop3A_355], %parallel_loop3A_354 {strides = array<i32>} : memref<32768xf32, #tpu.memory_space<vmem>>, vector<16xf32>,
      %parallel_loop3A_357 = arith.constant 96 : i32
      %parallel_loop3A_358 = arith.addi %parallel_loop3A_296, %parallel_loop3A_357 : i32
      %parallel_loop3A_359 = arith.index_cast %parallel_loop3A_358 : i32 to index
      %parallel_loop3A_360 = tpu.vector_load %arg5[%parallel_loop3A_359] {strides = array<i32>} : memref<32768xf32, #tpu.memory_space<vmem>>, vector<16xf32>,
      %parallel_loop3A_361 = arith.subf %parallel_loop3A_360, %scan3A_226 : vector<16xf32>
      %parallel_loop3A_362 = arith.constant 0.000000e+00 : f32
      %parallel_loop3A_363 = vector.broadcast %parallel_loop3A_362 : f32 to vector<16xf32>
      %parallel_loop3A_364 = arith.maximumf %parallel_loop3A_361, %parallel_loop3A_363 : vector<16xf32>
      %parallel_loop3A_365 = arith.index_cast %parallel_loop3A_358 : i32 to index
      %parallel_loop3A_366 = tpu.vector_load %arg5[%parallel_loop3A_365] {strides = array<i32>} : memref<32768xf32, #tpu.memory_space<vmem>>, vector<16xf32>,
      tpu.vector_store %arg5[%parallel_loop3A_365], %parallel_loop3A_364 {strides = array<i32>} : memref<32768xf32, #tpu.memory_space<vmem>>, vector<16xf32>,
      %parallel_loop3A_367 = arith.constant 112 : i32
      %parallel_loop3A_368 = arith.addi %parallel_loop3A_296, %parallel_loop3A_367 : i32
      %parallel_loop3A_369 = arith.index_cast %parallel_loop3A_368 : i32 to index
      %parallel_loop3A_370 = tpu.vector_load %arg5[%parallel_loop3A_369] {strides = array<i32>} : memref<32768xf32, #tpu.memory_space<vmem>>, vector<16xf32>,
      %parallel_loop3A_371 = arith.subf %parallel_loop3A_370, %scan3A_226 : vector<16xf32>
      %parallel_loop3A_372 = arith.constant 0.000000e+00 : f32
      %parallel_loop3A_373 = vector.broadcast %parallel_loop3A_372 : f32 to vector<16xf32>
      %parallel_loop3A_374 = arith.maximumf %parallel_loop3A_371, %parallel_loop3A_373 : vector<16xf32>
      %parallel_loop3A_375 = arith.index_cast %parallel_loop3A_368 : i32 to index
      %parallel_loop3A_376 = tpu.vector_load %arg5[%parallel_loop3A_375] {strides = array<i32>} : memref<32768xf32, #tpu.memory_space<vmem>>, vector<16xf32>,
      tpu.vector_store %arg5[%parallel_loop3A_375], %parallel_loop3A_374 {strides = array<i32>} : memref<32768xf32, #tpu.memory_space<vmem>>, vector<16xf32>,
    } {sc.loop_unroll_factor = 2 : i64, sc.parallel_access}
    %dma_start3A_244 = arith.constant 16384 : i32
    %dma_start3A_245 = tpu.memref_slice %arg5[%dma_start3A_244] : memref<32768xf32, #tpu.memory_space<vmem>> -> memref<16384xf32, #tpu.memory_space<vmem>>
    %dma_start3A_246 = arith.constant 16384 : i32
    %dma_start3A_247 = tpu.memref_slice %arg3[%add3A_4, %dma_start3A_246] : memref<64x32768xf32, #tpu.memory_space<hbm>> -> memref<1x16384xf32, #tpu.memory_space<hbm>>
    %dma_start3A_248 = tpu.memref_squeeze %dma_start3A_247 : memref<1x16384xf32, #tpu.memory_space<hbm>> -> memref<16384xf32, #tpu.memory_space<hbm>>
    %dma_start3A_249 = arith.constant 16384 : i32
    %dma_start3A_250 = tpu.memref_slice %arg3[%add3A_4, %dma_start3A_249] : memref<64x32768xf32, #tpu.memory_space<hbm>> -> memref<1x16384xf32, #tpu.memory_space<hbm>>
    %dma_start3A_251 = tpu.memref_squeeze %dma_start3A_250 : memref<1x16384xf32, #tpu.memory_space<hbm>> -> memref<16384xf32, #tpu.memory_space<hbm>>
    %dma_start3A_252 = arith.constant 16384 : i32
    %dma_start3A_253 = tpu.memref_slice %arg5[%dma_start3A_252] : memref<32768xf32, #tpu.memory_space<vmem>> -> memref<16384xf32, #tpu.memory_space<vmem>>
    tpu.enqueue_dma source(%dma_start3A_253 : memref<16384xf32, #tpu.memory_space<vmem>>) target(%dma_start3A_251 : memref<16384xf32, #tpu.memory_space<hbm>>) target_semaphore(%arg11 : memref<!tpu.dma_semaphore, #tpu.memory_space<semaphore_mem>>)
    %dma_wait3A_254 = arith.constant 0 : i32
    %dma_wait3A_255 = tpu.memref_slice %arg4[%dma_wait3A_254] : memref<32768xf32, #tpu.memory_space<vmem>> -> memref<16384xf32, #tpu.memory_space<vmem>>
    %dma_wait3A_256 = arith.constant 0 : i32
    %dma_wait3A_257 = tpu.memref_slice %arg3[%mul3A_2, %dma_wait3A_256] : memref<64x32768xf32, #tpu.memory_space<hbm>> -> memref<1x16384xf32, #tpu.memory_space<hbm>>
    %dma_wait3A_258 = tpu.memref_squeeze %dma_wait3A_257 : memref<1x16384xf32, #tpu.memory_space<hbm>> -> memref<16384xf32, #tpu.memory_space<hbm>>
    %dma_wait3A_259 = arith.constant 0 : i32
    %dma_wait3A_260 = tpu.memref_slice %arg3[%mul3A_2, %dma_wait3A_259] : memref<64x32768xf32, #tpu.memory_space<hbm>> -> memref<1x16384xf32, #tpu.memory_space<hbm>>
    %dma_wait3A_261 = tpu.memref_squeeze %dma_wait3A_260 : memref<1x16384xf32, #tpu.memory_space<hbm>> -> memref<16384xf32, #tpu.memory_space<hbm>>
    %dma_wait3A_262 = arith.constant 0 : i32
    %dma_wait3A_263 = tpu.memref_slice %arg4[%dma_wait3A_262] : memref<32768xf32, #tpu.memory_space<vmem>> -> memref<16384xf32, #tpu.memory_space<vmem>>
    tpu.wait_dma2 semaphore(%arg8 : memref<!tpu.dma_semaphore, #tpu.memory_space<semaphore_mem>>) src(%dma_wait3A_263 : memref<16384xf32, #tpu.memory_space<vmem>>) dst(%dma_wait3A_261 : memref<16384xf32, #tpu.memory_space<hbm>>)
    %dma_wait3A_264 = arith.constant 16384 : i32
    %dma_wait3A_265 = tpu.memref_slice %arg4[%dma_wait3A_264] : memref<32768xf32, #tpu.memory_space<vmem>> -> memref<16384xf32, #tpu.memory_space<vmem>>
    %dma_wait3A_266 = arith.constant 16384 : i32
    %dma_wait3A_267 = tpu.memref_slice %arg3[%mul3A_2, %dma_wait3A_266] : memref<64x32768xf32, #tpu.memory_space<hbm>> -> memref<1x16384xf32, #tpu.memory_space<hbm>>
    %dma_wait3A_268 = tpu.memref_squeeze %dma_wait3A_267 : memref<1x16384xf32, #tpu.memory_space<hbm>> -> memref<16384xf32, #tpu.memory_space<hbm>>
    %dma_wait3A_269 = arith.constant 16384 : i32
    %dma_wait3A_270 = tpu.memref_slice %arg3[%mul3A_2, %dma_wait3A_269] : memref<64x32768xf32, #tpu.memory_space<hbm>> -> memref<1x16384xf32, #tpu.memory_space<hbm>>
    %dma_wait3A_271 = tpu.memref_squeeze %dma_wait3A_270 : memref<1x16384xf32, #tpu.memory_space<hbm>> -> memref<16384xf32, #tpu.memory_space<hbm>>
    %dma_wait3A_272 = arith.constant 16384 : i32
    %dma_wait3A_273 = tpu.memref_slice %arg4[%dma_wait3A_272] : memref<32768xf32, #tpu.memory_space<vmem>> -> memref<16384xf32, #tpu.memory_space<vmem>>
    tpu.wait_dma2 semaphore(%arg9 : memref<!tpu.dma_semaphore, #tpu.memory_space<semaphore_mem>>) src(%dma_wait3A_273 : memref<16384xf32, #tpu.memory_space<vmem>>) dst(%dma_wait3A_271 : memref<16384xf32, #tpu.memory_space<hbm>>)
    %dma_wait3A_274 = arith.constant 0 : i32
    %dma_wait3A_275 = tpu.memref_slice %arg5[%dma_wait3A_274] : memref<32768xf32, #tpu.memory_space<vmem>> -> memref<16384xf32, #tpu.memory_space<vmem>>
    %dma_wait3A_276 = arith.constant 0 : i32
    %dma_wait3A_277 = tpu.memref_slice %arg3[%add3A_4, %dma_wait3A_276] : memref<64x32768xf32, #tpu.memory_space<hbm>> -> memref<1x16384xf32, #tpu.memory_space<hbm>>
    %dma_wait3A_278 = tpu.memref_squeeze %dma_wait3A_277 : memref<1x16384xf32, #tpu.memory_space<hbm>> -> memref<16384xf32, #tpu.memory_space<hbm>>
    %dma_wait3A_279 = arith.constant 0 : i32
    %dma_wait3A_280 = tpu.memref_slice %arg3[%add3A_4, %dma_wait3A_279] : memref<64x32768xf32, #tpu.memory_space<hbm>> -> memref<1x16384xf32, #tpu.memory_space<hbm>>
    %dma_wait3A_281 = tpu.memref_squeeze %dma_wait3A_280 : memref<1x16384xf32, #tpu.memory_space<hbm>> -> memref<16384xf32, #tpu.memory_space<hbm>>
    %dma_wait3A_282 = arith.constant 0 : i32
    %dma_wait3A_283 = tpu.memref_slice %arg5[%dma_wait3A_282] : memref<32768xf32, #tpu.memory_space<vmem>> -> memref<16384xf32, #tpu.memory_space<vmem>>
    tpu.wait_dma2 semaphore(%arg10 : memref<!tpu.dma_semaphore, #tpu.memory_space<semaphore_mem>>) src(%dma_wait3A_283 : memref<16384xf32, #tpu.memory_space<vmem>>) dst(%dma_wait3A_281 : memref<16384xf32, #tpu.memory_space<hbm>>)
    %dma_wait3A_284 = arith.constant 16384 : i32
    %dma_wait3A_285 = tpu.memref_slice %arg5[%dma_wait3A_284] : memref<32768xf32, #tpu.memory_space<vmem>> -> memref<16384xf32, #tpu.memory_space<vmem>>
    %dma_wait3A_286 = arith.constant 16384 : i32
    %dma_wait3A_287 = tpu.memref_slice %arg3[%add3A_4, %dma_wait3A_286] : memref<64x32768xf32, #tpu.memory_space<hbm>> -> memref<1x16384xf32, #tpu.memory_space<hbm>>
    %dma_wait3A_288 = tpu.memref_squeeze %dma_wait3A_287 : memref<1x16384xf32, #tpu.memory_space<hbm>> -> memref<16384xf32, #tpu.memory_space<hbm>>
    %dma_wait3A_289 = arith.constant 16384 : i32
    %dma_wait3A_290 = tpu.memref_slice %arg3[%add3A_4, %dma_wait3A_289] : memref<64x32768xf32, #tpu.memory_space<hbm>> -> memref<1x16384xf32, #tpu.memory_space<hbm>>
    %dma_wait3A_291 = tpu.memref_squeeze %dma_wait3A_290 : memref<1x16384xf32, #tpu.memory_space<hbm>> -> memref<16384xf32, #tpu.memory_space<hbm>>
    %dma_wait3A_292 = arith.constant 16384 : i32
    %dma_wait3A_293 = tpu.memref_slice %arg5[%dma_wait3A_292] : memref<32768xf32, #tpu.memory_space<vmem>> -> memref<16384xf32, #tpu.memory_space<vmem>>
    tpu.wait_dma2 semaphore(%arg11 : memref<!tpu.dma_semaphore, #tpu.memory_space<semaphore_mem>>) src(%dma_wait3A_293 : memref<16384xf32, #tpu.memory_space<vmem>>) dst(%dma_wait3A_291 : memref<16384xf32, #tpu.memory_space<hbm>>)
    return
  }
}

</mosaic_0001>

<sc_bundles>
// kernel: kernel.3.cloned.1.call-start
scs
__scs_entry_jumppad:
0x0: {  	(pc) =	sbr.rel $0x88, $3  }
0x1: {  	(tag) =	ssettag $0x0;
	lr =	simm.s32 $0x1  }
0x2: {  	[smem:$0x3FA0] =	sst lr;
	_ =	strace $0xD0000000  }
0x3: {  	_ = 	snop  }
0x4: {  	_ = 	snop  }
0x5: {  	_ = 	snop  }
0x6: {  	_ = 	snop  }
0x7: {  	_ = 	snop  }
__scs_overlays_trampoline_lowered:
0x8: {  	[smem:$0x3FAF] =	sst s0  }
0x9: {  	[smem:$0x3FB0] =	sst s1  }
0xa: {  	[smem:$0x3FB1] =	sst s2  }
0xb: {  	[smem:$0x3FB2] =	sst s3  }
0xc: {  	[smem:$0x3FB3] =	sst s4  }
0xd: {  	[smem:$0x3FB4] =	sst s5  }
0xe: {  	[smem:$0x3FB5] =	sst s6  }
0xf: {  	[smem:$0x3FB6] =	sst s7  }
0x10: {  	[smem:$0x3FB7] =	sst s8  }
0x11: {  	[smem:$0x3FB8] =	sst s9;
	s0 =	simm.s32 @!p0 $0x0  }
0x12: {  	s1 =	sld [smem:$0x3F9E];
	s0 =	simm.s32 @p0 $0x1  }
0x13: {  	[smem:$0x3FB9] =	sst s0;
	s0 =	simm.s32 @!p1 $0x0  }
0x14: {  	s2 =	sld [smem:$0x3F9D];
	s0 =	simm.s32 @p1 $0x1  }
0x15: {  	[smem:$0x3FBA] =	sst s0;
	s0 =	simm.s32 @!p2 $0x0  }
0x16: {  	s3 =	sld [smem:$0x3FDB];
	s0 =	simm.s32 @p2 $0x1  }
0x17: {  	s4 =	simm.s32 $0x1BF5;
	[smem:$0x3FBC] =	sst s0  }
0x18: {  	s0 =	sld [smem:$0x3F9F];
	_ =	swait.ge [sflag:s4], $0x0  }
0x19: {  	s7 =	sld [smem:$0x3FA0]  }
0x1a: {  	s8 =	sadd.s32 $0xFFFFE003, lr  }
0x1b: {  	s9 =	sadd.s32 $0xFFFFFEF7, lr;
	s5 =	simm.s32 $0xFFFFFFFF;
	p2 =	slt.u32 s8, $0xFFFFF086  }
0x1c: {  	p1 =	slt.u32 s9, $0xF7A;
	s5 =	simm.s32 @!p2 $0x0  }
0x1d: {  	s5 =	simm.s32 @p1 $0x1;
	p0 =	seq.s32 s7, s2  }
0x1e: {  	s7 =	smul.u32 @!p0 $0xF7A, s2;
	p2 =	seq.s32 @!p0 s5, $0x0  }
0x1f: {  	s9 =	smul.u32 $0xF7A, s1;
	s8 =	simm.s32 @!p0 $0x1BF5;
	p2 =	por !p2, p0  }
0x20: {  	[sflag:s8] =	ssyncset.s32 @!p0 $0xFFFFF086;
	s6 =	sadd.s32 @!p0 s3, s7;
	s7 =	simm.s32 @!p0 $0x108  }
0x21: {  	s3 =	sadd.s32 s3, s9;
	s6 =	sadd.s32 @!p0 $0x88, s6;
	s7 =	simm.s32 @p2 $0x1082  }
0x22: {  	[simem:s7], [sflag:s8] =	dma.local @!p0 [hbm:s6], $0xF7A  }
0x23: {  	s9 =	sor.u32 $0xD0000000, s2;
	s6 =	simm.s32 $0x108;
	_ =	swait.ge @!p0 [sflag:s8], $0x0  }
0x24: {  	s3 =	sadd.s32 $0x88, s3;
	s6 =	simm.s32 @!p1 $0x1082;
	[sflag:s4] =	ssyncset.s32 $0xFFFFF086  }
0x25: {  	[simem:s6], [sflag:s4] =	dma.local [hbm:s3], $0xF7A  }
0x26: {  	[smem:$0x3FA0] =	sst s1;
	(tag) =	ssettag s2;
	_ =	strace s9  }
0x27: {  	s1 =	sld [smem:$0x3FB0]  }
0x28: {  	s2 =	sld [smem:$0x3FB1]  }
0x29: {  	s4 =	sld [smem:$0x3FB3]  }
0x2a: {  	p0 =	seq.s32 s5, $0x0;
	s5 =	sld [smem:$0x3FB4]  }
0x2b: {  	s6 =	sld [smem:$0x3FB5]  }
0x2c: {  	s7 =	sld [smem:$0x3FB6]  }
0x2d: {  	s3 =	simm.s32 $0x108;
	s8 =	sld [smem:$0x3FB7]  }
0x2e: {  	s3 =	simm.s32 @!p0 $0x1082;
	s9 =	sld [smem:$0x3FB8]  }
0x2f: {  	lr =	sadd.s32 s0, s3;
	s0 =	sld [smem:$0x3FAF]  }
0x30: {  	s3 =	sld [smem:$0x3FB2]  }
0x31: {  	[smem:$0x3FBB] =	sst s10  }
0x32: {  	s10 =	sld [smem:$0x3FB9];
	_ =	sdelay $0x3  }
0x33: {  	p0 =	seq.s32 s10, $0x1;
	s10 =	sld [smem:$0x3FBB];
	_ =	sdelay $0x3  }
0x34: {  	[smem:$0x3FBB] =	sst s10  }
0x35: {  	s10 =	sld [smem:$0x3FBA];
	_ =	sdelay $0x3  }
0x36: {  	p1 =	seq.s32 s10, $0x1;
	s10 =	sld [smem:$0x3FBB];
	_ =	sdelay $0x3  }
0x37: {  	[smem:$0x3FBB] =	sst s10  }
0x38: {  	s10 =	sld [smem:$0x3FBC]  }
0x39: {  	_ = 	snop;
	(pc) =	sbr.ind lr, $3  }
0x3a: {  	_ = 	snop  }
0x3b: {  	_ = 	snop  }
0x3c: {  	p2 =	seq.s32 s10, $0x1;
	s10 =	sld [smem:$0x3FBB]  }
0x3d: {  	_ =	shalt  }
0x3e: {  	_ =	shalt  }
0x3f: {  	_ =	shalt  }
0x40: {  	_ =	shalt  }
0x41: {  	_ =	shalt  }
0x42: {  	_ =	shalt  }
0x43: {  	_ =	shalt  }
0x44: {  	_ =	shalt  }
0x45: {  	_ =	shalt  }
0x46: {  	_ =	shalt  }
0x47: {  	_ =	shalt  }
0x48: {  	_ =	shalt  }
0x49: {  	_ =	shalt  }
0x4a: {  	_ =	shalt  }
0x4b: {  	_ =	shalt  }
0x4c: {  	_ =	shalt  }
0x4d: {  	_ =	shalt  }
0x4e: {  	_ =	shalt  }
0x4f: {  	_ =	shalt  }
0x50: {  	_ =	shalt  }
0x51: {  	_ =	shalt  }
0x52: {  	_ =	shalt  }
0x53: {  	_ =	shalt  }
0x54: {  	_ =	shalt  }
0x55: {  	_ =	shalt  }
0x56: {  	_ =	shalt  }
0x57: {  	_ =	shalt  }
0x58: {  	_ =	shalt  }
0x59: {  	_ =	shalt  }
0x5a: {  	_ =	shalt  }
0x5b: {  	_ =	shalt  }
0x5c: {  	_ =	shalt  }
0x5d: {  	_ =	shalt  }
0x5e: {  	_ =	shalt  }
0x5f: {  	_ =	shalt  }
0x60: {  	_ =	shalt  }
0x61: {  	_ =	shalt  }
0x62: {  	_ =	shalt  }
0x63: {  	_ =	shalt  }
0x64: {  	_ =	shalt  }
0x65: {  	_ =	shalt  }
0x66: {  	_ =	shalt  }
0x67: {  	_ =	shalt  }
0x68: {  	_ =	shalt  }
0x69: {  	_ =	shalt  }
0x6a: {  	_ =	shalt  }
0x6b: {  	_ =	shalt  }
0x6c: {  	_ =	shalt  }
0x6d: {  	_ =	shalt  }
0x6e: {  	_ =	shalt  }
0x6f: {  	_ =	shalt  }
0x70: {  	_ =	shalt  }
0x71: {  	_ =	shalt  }
0x72: {  	_ =	shalt  }
0x73: {  	_ =	shalt  }
0x74: {  	_ =	shalt  }
0x75: {  	_ =	shalt  }
0x76: {  	_ =	shalt  }
0x77: {  	_ =	shalt  }
0x78: {  	_ =	shalt  }
0x79: {  	_ =	shalt  }
0x7a: {  	_ =	shalt  }
0x7b: {  	_ =	shalt  }
0x7c: {  	_ =	shalt  }
0x7d: {  	_ =	shalt  }
0x7e: {  	_ =	shalt  }
0x7f: {  	_ =	shalt  }
0x80: {  	_ =	shalt  }
0x81: {  	_ =	shalt  }
0x82: {  	_ =	shalt  }
0x83: {  	_ =	shalt  }
0x84: {  	_ =	shalt  }
0x85: {  	_ =	shalt  }
0x86: {  	_ =	shalt  }
0x87: {  	_ =	shalt  }
.Lfunc_end0:
.L_simem_size_0:
called_computation_lowered:
.L_overlay_start_0:
0x88: {  	s2 =	sld [smem:$0x3FD9]  }
0x89: {  	s3 =	sld [smem:$0x3FFE];
	_ =	sdelay $0x1  }
0x8a: {  	s1 =	srdreg.scid  }
0x8b: {  	s0 =	sand.u32 $0x1, s1  }
0x8c: {  	s18 =	sshll.u32 s0, $0xA;
	s2 =	sadd.s32 s3, s2  }
0x8d: {  	s2 =	sadd.s32 s2, s18  }
0x8e: {  	[smem:$0x3FC7] =	sst s2  }
0x8f: {  	_ = 	snop  }
0x90: {  	s2 =	sld [smem:$0x3FC9]  }
0x91: {  	s19 =	sld [smem:$0x3FD0];
	(tm) =	ssettm $0x1  }
0x92: {  	s4 =	sld [smem:$0x3FFB];
	_ =	sdelay $0x3  }
0x93: {  	_ =	strace s4  }
0x94: {  	s4 =	sld [smem:$0x3FFC];
	_ =	sdelay $0x3  }
0x95: {  	_ =	strace s4  }
0x96: {  	s4 =	sld [smem:$0x3FFD];
	_ =	sdelay $0x3  }
0x97: {  	_ =	strace s4  }
0x98: {  	_ =	strace $0x8FFFFFFF  }
0x99: {  	s20 =	sld [smem:$0x3FDB];
	_ =	sdelay $0x1  }
0x9a: {  	s5 =	simm.s32 $_scs_section_size  }
0x9b: {  	s6 =	simm.s32 $_size__tile_overlayer_lowered;
	s7 =	simm.s32 $_tile_overlayer_lowered  }
0x9c: {  	s23 =	simm.s32 $0x1BFF;
	s22 =	sshll.u32 s7, $0x1;
	s4 =	sadd.s32 s5, s20  }
0x9d: {  	s8 =	simm.s32 $0x0;
	s21 =	sshll.u32 s6, $0x1;
	s6 =	sadd.s32 s22, s4  }
0x9e: {  	[timem:s8], [sflag:s23] =	dma.local [hbm:s6], s21  }
0x9f: {  	_ =	swait.ge [sflag:s23], s21  }
0xa0: {  	s5 =	ssub.s32 $0x0, s21;
	[sflag:s23] =	ssyncset.done $0x0  }
0xa1: {  	[sflag:s23] =	ssyncadd.s32 s5;
	_ =	sdelay $0x1  }
0xa2: {  	s24 =	simm.s32 $0x1B8B  }
0xa3: {  	_ =	swait.ge [sflag:s24], $0x1  }
0xa4: {  	[sflag:s24] =	ssyncset.done $0x0  }
0xa5: {  	s25 =	simm.s32 $0x1B8E;
	[sflag:s24] =	ssyncadd.s32 $0xFFFFFFFF  }
0xa6: {  	s26 =	simm.s32 $execute0_lowered;
	[smem:$0x3FD2] =	sst s25  }
0xa7: {  	s5 =	sshll.u32 s26, $0x1;
	_ =	strace $0x80000046;
	[dreg:$0x1] =	wrdreg $0xFFFFFFFF  }
0xa8: {  	s28 =	simm.s32 $_size_execute0_lowered;
	s4 =	sadd.s32 s4, s5;
	[dreg:$0x0] =	wrdreg $0x0  }
0xa9: {  	s5 =	sshll.u32 s28, $0x1;
	[dreg:$0x2] =	wrdreg s4  }
0xaa: {  	[dreg:$0x3] =	wrdreg s5  }
0xab: {  	[dreg:$0x4] =	wrdreg $0xC0  }
0xac: {  	_ =	task [dreg:s8], $0x5FFFF  }
0xad: {  	[dreg:$0x1] =	wrdreg $0xFFFFFFFF  }
0xae: {  	[dreg:$0x0] =	wrdreg $0x60  }
0xaf: {  	[dreg:$0x2] =	wrdreg s2  }
0xb0: {  	[dreg:$0x3] =	wrdreg s19  }
0xb1: {  	[dreg:$0x4] =	wrdreg $0x9  }
0xb2: {  	_ =	task.clear_ibuf [dreg:s8], $0x5FFFF;
	_ =	strace $0x90000046  }
0xb3: {  	s29 =	simm.s32 $0x9;
	_ =	strace $0x80000048  }
0xb4: {  	_ =	swait.ge [sflag:s29], $0x1  }
0xb5: {  	[sflag:s29] =	ssyncadd.s32 $0xFFFFFFFF  }
0xb6: {  	_ =	strace $0x90000048  }
0xb7: {  	_ =	sfence  }
0xb8: {  	s30 =	sld [smem:$0x0];
	_ =	sdelay $0x2  }
0xb9: {  	s31 =	sshll.u32 s1, $0xD;
	s1 =	sshrl.u32 s1, $0x2  }
0xba: {  	s3 =	sand.u32 $0x4000, s31;
	s1 =	sadd.s32 s1, s30  }
0xbb: {  	s0 =	sor.u32 s3, s0;
	s1 =	sshll.u32 s1, $0x11  }
0xbc: {  	s0 =	sor.u32 s1, s0  }
0xbd: {  	s0 =	sadd.s32 $0x8F2B, s0  }
0xbe: {  	[sflag:s0] =	ssyncadd.remote.s32 $0x1  }
0xbf: {  	_ =	sfence.sel $0xFFFF  }
0xc0: {  	[dreg:$0x0] =	wrdreg $0xFFFFFFFF;
	(pc) =	sbr.abs _section_cstart, $3  }
0xc1: {  	[dreg:$0x1] =	wrdreg $0xFFFFFFFF  }
0xc2: {  	_ =	task.clear_ibuf [dreg:s8], $0x2FFFF;
	_ =	strace $0x9FFFFFFF  }
0xc3: {  	(tm) =	ssettm $0x7FFFFFFF  }
tec
execute0_lowered:
.L_overlay_start_1:
0x0: {  	(tag) =	ssettag $0x1  }
0x1: {  	s5 =	rddreg [dreg:$0x0]  }
0x2: {  	s8 =	rddreg [dreg:$0x1]  }
0x3: {  	s0 =	rddreg [dreg:$0x2]  }
0x4: {  	s2 =	simm.s32 $0x0;
	s3 =	srdreg.scid;
	s1 =	stileid.u32  }
0x5: {  	s12 =	simm.s32 $0x400;
	s13 =	simm.s32 $0x4000;
	s14 =	simm.s32 $0x8000  }
0x6: {  	s15 =	simm.s32 $0x1;
	s16 =	simm.s32 $0x2;
	s17 =	simm.s32 $0x3  }
0x7: {  	s18 =	simm.s32 $0xC000;
	s19 =	simm.s32 $0x4;
	s20 =	simm.s32 $0x0  }
0x8: {  	[smem:$0x7FF] =	sst s2;
	s3 =	sand.u32 $0x1, s3;
	s4 =	sshll.u32 s1, $0x6  }
0x9: {  	s7 =	sshll.u32 s1, $0xE;
	s6 =	sshll.u32 s3, $0x5;
	s4 =	sand.u32 $0x40, s4  }
0xa: {  	s3 =	ssub.s32 $0x2, s3;
	s7 =	sand.u32 $0x38000, s7;
	s4 =	sor.u32 s6, s4  }
0xb: {  	_ =	strace $0x80000047;
	s31 =	sshrl.u32 s3, $0x1;
	s7 =	sor.u32 s7, s4  }
0xc: {  	s10 =	ssub.s32 s3, s31;
	s9 =	sor.u32 $0x4000, s7;
	s11 =	sor.u32 $0x10, s7  }
0xd: {  	s3 =	sadd.s32 s5, s7;
	s6 =	sadd.s32 s8, s7;
	s10 =	smax.u32 s10, $0x1  }
0xe: {  	s4 =	sadd.s32 s5, s9;
	s7 =	sadd.s32 s8, s9;
	s8 =	sadd.s32 s8, s11  }
0xf: {  	v0 =	vimm.f32 $-3.000000010e+38;
	v1 =	vimm.s32 $0x0;
	s5 =	sadd.s32 s5, s11;
	s11 =	simm.s32 $0x80;
	s9 =	sadd.s32 $0x4000, s8  }
.LBB2_1:
0x10: {  	[tilespmem:s2], [sflag:$0x1] =	stream.strided.gather [hbm4b:s3+s11], $0x4000, s12, s11, $0x38;
	[tilespmem:$0x1C000] =	vst v63  }
0x11: {  	_ = 	snop  }
0x12: {  	[tilespmem:s13], [sflag:$0x2] =	stream.strided.gather [hbm4b:s4+s11], $0x4000, s12, s11, $0x38;
	[tilespmem:$0x1C000] =	vst v63  }
0x13: {  	_ = 	snop  }
0x14: {  	[tilespmem:s14], [sflag:$0x3] =	stream.strided.gather [hbm4b:s5+s11], $0x8000, s12, s11, $0x38;
	[tilespmem:$0x1C000] =	vst v63  }
0x15: {  	_ =	swait.ge [sflag:s15], $0x4000  }
0x16: {  	[sflag:s15] =	ssyncset.done $0x0  }
0x17: {  	[sflag:s15] =	ssyncadd.s32 $0xFFFFC000  }
0x18: {  	v2 =	vld [tilespmem:$0x0]  }
0x19: {  	v3 =	vld [tilespmem:$0x10]  }
0x1a: {  	v4 =	vld [tilespmem:$0x20]  }
0x1b: {  	v5 =	vld [tilespmem:$0x30]  }
0x1c: {  	v6 =	vld [tilespmem:$0x40]  }
0x1d: {  	v7 =	vld [tilespmem:$0x50]  }
0x1e: {  	v8 =	vld [tilespmem:$0x60]  }
0x1f: {  	v9 =	vld [tilespmem:$0x70];
	_ =	sdelay $0x3  }
0x20: {  	v2 =	vmax.f32 v2, v3  }
0x21: {  	v3 =	vmax.f32 v4, v5;
	v4 =	vmax.f32 v6, v7;
	v5 =	vmax.f32 v8, v9  }
0x22: {  	v2 =	vmax.f32 v2, v3;
	v3 =	vmax.f32 v4, v5  }
0x23: {  	v3 =	vmax.f32 v2, v3  }
0x24: {  	(xrf0) =	vmax.scan.msk.f32 $0xffff, v3;
	_ =	sdelay $0x5  }
0x25: {  	v2, _, _ =	vpop (xrf0)  }
0x26: {  	v2 =	vadd.f32 $-1.000000000e+00, v2;
	_ =	sdelay $0x1  }
0x27: {  	v2 =	vbroadcast v2, $0xF;
	_ =	sdelay $0x1  }
0x28: {  	s21 =	simm.s32 $0x0;
	s23 =	simm.s32 $0x0;
	v4 =	vmov v2  }
.LBB2_2:
0x29: {  	s22 =	sshra.s32 s21, $0x2  }
0x2a: {  	v5 =	vld [tilespmem:s22+$0x0]  }
0x2b: {  	v6 =	vld [tilespmem:s22+$0x10];
	_ =	sdelay $0x3  }
0x2c: {  	v7 =	vld [tilespmem:s22+$0x20]  }
0x2d: {  	v8 =	vld [tilespmem:s22+$0x30];
	vm0 =	vgt.f32 v5, v4;
	vm1 =	vgt.f32 v6, v4  }
0x2e: {  	vm0 =	vmor vm0, vm1  }
0x2f: {  	v11 =	vmpcnt.ones.xlane vm0  }
0x30: {  	v9 =	vld [tilespmem:s22+$0x40]  }
0x31: {  	v10 =	vld [tilespmem:s22+$0x50];
	(v2sf) =	vpush v11, $0x0  }
0x32: {  	vm10 =	vgt.f32 v7, v4;
	vm11 =	vgt.f32 v8, v4  }
0x33: {  	vm0 =	vmor vm10, vm11  }
0x34: {  	v45 =	vmpcnt.ones.xlane vm0;
	_ =	sdelay $0x1  }
0x35: {  	vm12 =	vgt.f32 v9, v4;
	vm13 =	vgt.f32 v10, v4;
	(v2sf) =	vpush v45, $0x0  }
0x36: {  	vm0 =	vmor vm12, vm13  }
0x37: {  	v46 =	vmpcnt.ones.xlane vm0;
	_ =	sdelay $0x1  }
0x38: {  	(v2sf) =	vpush v46, $0x0;
	_ =	sdelay $0x5  }
0x39: {  	s24 =	spop (v2sf)  }
0x3a: {  	p0 =	sgt.s32 s24, $0x0;
	s24 =	simm.s32 $0x20  }
0x3b: {  	p1 =	slt.s32 s23, $0x5FC0;
	s24 =	simm.s32 @!p0 $0x0  }
0x3c: {  	s24 =	simm.s32 @!p1 $0x0  }
0x3d: {  	s24 =	sadd.s32 s23, s24  }
0x3e: {  	s26 =	simm.s32 $0x20;
	s25 =	spop (v2sf);
	p0 =	slt.s32 s24, $0x5FC0  }
0x3f: {  	v47 =	vld [tilespmem:s22+$0x60];
	p1 =	sgt.s32 s25, $0x0;
	s26 =	simm.s32 @!p0 $0x0  }
0x40: {  	v12 =	vld [tilespmem:s22+$0x70];
	[tilespmem:s23+$0x10000] =	vst v5;
	s26 =	simm.s32 @!p1 $0x0  }
0x41: {  	[tilespmem:s23+$0x10010] =	vst v6;
	s29 =	sadd.s32 s24, s26  }
0x42: {  	s30 =	spop (v2sf);
	[tilespmem:s24+$0x10000] =	vst v7;
	s26 =	simm.s32 $0x20;
	p0 =	slt.s32 s29, $0x5FC0  }
0x43: {  	[tilespmem:s24+$0x10010] =	vst v8;
	p1 =	sgt.s32 s30, $0x0;
	s26 =	simm.s32 @!p0 $0x0  }
0x44: {  	[tilespmem:s29+$0x10000] =	vst v9;
	s26 =	simm.s32 @!p1 $0x0  }
0x45: {  	[tilespmem:s29+$0x10010] =	vst v10;
	s23 =	sadd.s32 s29, s26  }
0x46: {  	[tilespmem:s23+$0x10000] =	vst v47  }
0x47: {  	[tilespmem:s23+$0x10010] =	vst v12  }
0x48: {  	v13 =	vld [tilespmem:s22+$0x80]  }
0x49: {  	v14 =	vld [tilespmem:s22+$0x90];
	_ =	sdelay $0x2  }
0x4a: {  	vm14 =	vgt.f32 v47, v4;
	vm15 =	vgt.f32 v12, v4  }
0x4b: {  	vm0 =	vmor vm14, vm15;
	v15 =	vld [tilespmem:s22+$0xA0]  }
0x4c: {  	v17 =	vmpcnt.ones.xlane vm0;
	v16 =	vld [tilespmem:s22+$0xB0];
	vm4 =	vgt.f32 v13, v4;
	vm5 =	vgt.f32 v14, v4  }
0x4d: {  	vm0 =	vmor vm4, vm5  }
0x4e: {  	(v2sf) =	vpush v17, $0x0;
	v19 =	vmpcnt.ones.xlane vm0  }
0x4f: {  	v48 =	vld [tilespmem:s22+$0xC0]  }
0x50: {  	v18 =	vld [tilespmem:s22+$0xD0];
	(v2sf) =	vpush v19, $0x0  }
0x51: {  	vm6 =	vgt.f32 v15, v4;
	vm7 =	vgt.f32 v16, v4  }
0x52: {  	vm0 =	vmor vm6, vm7  }
0x53: {  	v49 =	vmpcnt.ones.xlane vm0;
	_ =	sdelay $0x1  }
0x54: {  	vm8 =	vgt.f32 v48, v4;
	vm9 =	vgt.f32 v18, v4;
	(v2sf) =	vpush v49, $0x0  }
0x55: {  	vm0 =	vmor vm8, vm9  }
0x56: {  	v50 =	vmpcnt.ones.xlane vm0;
	_ =	sdelay $0x1  }
0x57: {  	(v2sf) =	vpush v50, $0x0;
	_ =	sdelay $0x3  }
0x58: {  	s25 =	simm.s32 $0x20;
	p0 =	slt.s32 s23, $0x5FC0;
	s31 =	spop (v2sf)  }
0x59: {  	s25 =	simm.s32 @!p0 $0x0;
	p1 =	sgt.s32 s31, $0x0  }
0x5a: {  	s25 =	simm.s32 @!p1 $0x0;
	s26 =	spop (v2sf)  }
0x5b: {  	s24 =	simm.s32 $0x20;
	s23 =	sadd.s32 s23, s25;
	p0 =	sgt.s32 s26, $0x0  }
0x5c: {  	p1 =	slt.s32 s23, $0x5FC0;
	s24 =	simm.s32 @!p0 $0x0  }
0x5d: {  	s24 =	simm.s32 @!p1 $0x0  }
0x5e: {  	s24 =	sadd.s32 s23, s24  }
0x5f: {  	s28 =	spop (v2sf);
	s26 =	simm.s32 $0x20;
	p0 =	slt.s32 s24, $0x5FC0  }
0x60: {  	v51 =	vld [tilespmem:s22+$0xE0];
	p1 =	sgt.s32 s28, $0x0;
	s26 =	simm.s32 @!p0 $0x0  }
0x61: {  	v20 =	vld [tilespmem:s22+$0xF0];
	[tilespmem:s23+$0x10000] =	vst v13;
	s26 =	simm.s32 @!p1 $0x0  }
0x62: {  	[tilespmem:s23+$0x10010] =	vst v14;
	s29 =	sadd.s32 s24, s26  }
0x63: {  	s30 =	spop (v2sf);
	[tilespmem:s24+$0x10000] =	vst v15;
	s26 =	simm.s32 $0x20;
	p0 =	slt.s32 s29, $0x5FC0  }
0x64: {  	[tilespmem:s24+$0x10010] =	vst v16;
	p1 =	sgt.s32 s30, $0x0;
	s26 =	simm.s32 @!p0 $0x0  }
0x65: {  	[tilespmem:s29+$0x10000] =	vst v48;
	s26 =	simm.s32 @!p1 $0x0  }
0x66: {  	[tilespmem:s29+$0x10010] =	vst v18;
	s23 =	sadd.s32 s29, s26  }
0x67: {  	[tilespmem:s23+$0x10000] =	vst v51  }
0x68: {  	[tilespmem:s23+$0x10010] =	vst v20  }
0x69: {  	v21 =	vld [tilespmem:s22+$0x100]  }
0x6a: {  	v22 =	vld [tilespmem:s22+$0x110];
	_ =	sdelay $0x2  }
0x6b: {  	vm10 =	vgt.f32 v51, v4;
	vm11 =	vgt.f32 v20, v4  }
0x6c: {  	vm0 =	vmor vm10, vm11;
	v23 =	vld [tilespmem:s22+$0x120]  }
0x6d: {  	v24 =	vmpcnt.ones.xlane vm0;
	v25 =	vld [tilespmem:s22+$0x130];
	vm12 =	vgt.f32 v21, v4;
	vm13 =	vgt.f32 v22, v4  }
0x6e: {  	vm0 =	vmor vm12, vm13  }
0x6f: {  	(v2sf) =	vpush v24, $0x0;
	v52 =	vmpcnt.ones.xlane vm0  }
0x70: {  	v26 =	vld [tilespmem:s22+$0x140]  }
0x71: {  	v27 =	vld [tilespmem:s22+$0x150];
	(v2sf) =	vpush v52, $0x0  }
0x72: {  	vm14 =	vgt.f32 v23, v4;
	vm15 =	vgt.f32 v25, v4  }
0x73: {  	vm0 =	vmor vm14, vm15  }
0x74: {  	v53 =	vmpcnt.ones.xlane vm0;
	_ =	sdelay $0x1  }
0x75: {  	vm4 =	vgt.f32 v26, v4;
	vm5 =	vgt.f32 v27, v4;
	(v2sf) =	vpush v53, $0x0  }
0x76: {  	vm0 =	vmor vm4, vm5  }
0x77: {  	v54 =	vmpcnt.ones.xlane vm0;
	_ =	sdelay $0x1  }
0x78: {  	(v2sf) =	vpush v54, $0x0;
	_ =	sdelay $0x3  }
0x79: {  	s25 =	simm.s32 $0x20;
	s31 =	spop (v2sf);
	p0 =	slt.s32 s23, $0x5FC0  }
0x7a: {  	p1 =	sgt.s32 s31, $0x0;
	s25 =	simm.s32 @!p0 $0x0  }
0x7b: {  	s25 =	simm.s32 @!p1 $0x0;
	s26 =	spop (v2sf)  }
0x7c: {  	s24 =	simm.s32 $0x20;
	s23 =	sadd.s32 s23, s25;
	p0 =	sgt.s32 s26, $0x0  }
0x7d: {  	p1 =	slt.s32 s23, $0x5FC0;
	s24 =	simm.s32 @!p0 $0x0  }
0x7e: {  	s24 =	simm.s32 @!p1 $0x0  }
0x7f: {  	s24 =	sadd.s32 s23, s24  }
0x80: {  	s28 =	spop (v2sf);
	s26 =	simm.s32 $0x20;
	p0 =	slt.s32 s24, $0x5FC0  }
0x81: {  	v55 =	vld [tilespmem:s22+$0x160];
	p1 =	sgt.s32 s28, $0x0;
	s26 =	simm.s32 @!p0 $0x0  }
0x82: {  	v28 =	vld [tilespmem:s22+$0x170];
	[tilespmem:s23+$0x10000] =	vst v21;
	s26 =	simm.s32 @!p1 $0x0  }
0x83: {  	[tilespmem:s23+$0x10010] =	vst v22;
	s29 =	sadd.s32 s24, s26  }
0x84: {  	s30 =	spop (v2sf);
	[tilespmem:s24+$0x10000] =	vst v23;
	s26 =	simm.s32 $0x20;
	p0 =	slt.s32 s29, $0x5FC0  }
0x85: {  	[tilespmem:s24+$0x10010] =	vst v25;
	p1 =	sgt.s32 s30, $0x0;
	s26 =	simm.s32 @!p0 $0x0  }
0x86: {  	[tilespmem:s29+$0x10000] =	vst v26;
	s26 =	simm.s32 @!p1 $0x0  }
0x87: {  	[tilespmem:s29+$0x10010] =	vst v27;
	s23 =	sadd.s32 s29, s26  }
0x88: {  	[tilespmem:s23+$0x10000] =	vst v55  }
0x89: {  	[tilespmem:s23+$0x10010] =	vst v28  }
0x8a: {  	v29 =	vld [tilespmem:s22+$0x180]  }
0x8b: {  	v30 =	vld [tilespmem:s22+$0x190];
	_ =	sdelay $0x2  }
0x8c: {  	vm6 =	vgt.f32 v55, v4;
	vm7 =	vgt.f32 v28, v4  }
0x8d: {  	vm0 =	vmor vm6, vm7;
	v31 =	vld [tilespmem:s22+$0x1A0]  }
0x8e: {  	v32 =	vmpcnt.ones.xlane vm0;
	v33 =	vld [tilespmem:s22+$0x1B0];
	vm8 =	vgt.f32 v29, v4;
	vm9 =	vgt.f32 v30, v4  }
0x8f: {  	vm0 =	vmor vm8, vm9  }
0x90: {  	(v2sf) =	vpush v32, $0x0;
	v56 =	vmpcnt.ones.xlane vm0  }
0x91: {  	v34 =	vld [tilespmem:s22+$0x1C0]  }
0x92: {  	v35 =	vld [tilespmem:s22+$0x1D0];
	(v2sf) =	vpush v56, $0x0  }
0x93: {  	vm10 =	vgt.f32 v31, v4;
	vm11 =	vgt.f32 v33, v4  }
0x94: {  	vm0 =	vmor vm10, vm11  }
0x95: {  	v36 =	vmpcnt.ones.xlane vm0;
	_ =	sdelay $0x1  }
0x96: {  	vm12 =	vgt.f32 v34, v4;
	vm13 =	vgt.f32 v35, v4;
	(v2sf) =	vpush v36, $0x0  }
0x97: {  	v57 =	vld [tilespmem:s22+$0x1E0];
	vm0 =	vmor vm12, vm13  }
0x98: {  	v5 =	vmax.f32 v5, v6;
	v37 =	vld [tilespmem:s22+$0x1F0];
	v6 =	vmpcnt.ones.xlane vm0;
	_ =	sdelay $0x1  }
0x99: {  	(v2sf) =	vpush v6, $0x0;
	_ =	sdelay $0x2  }
0x9a: {  	v58 =	vmax.f32 v9, v10;
	vm14 =	vgt.f32 v57, v4;
	vm15 =	vgt.f32 v37, v4  }
0x9b: {  	v59 =	vmax.f32 v47, v12;
	v7 =	vmax.f32 v7, v8;
	s31 =	spop (v2sf);
	s24 =	simm.s32 $0x20;
	p0 =	slt.s32 s23, $0x5FC0;
	vm0 =	vmor vm14, vm15  }
0x9c: {  	v60 =	vmax.f32 v48, v18;
	v61 =	vmax.f32 v51, v20;
	p1 =	sgt.s32 s31, $0x0;
	s24 =	simm.s32 @!p0 $0x0;
	v6 =	vmpcnt.ones.xlane vm0  }
0x9d: {  	s24 =	simm.s32 @!p1 $0x0;
	v4 =	vmax.f32 v5, v7;
	v5 =	vmax.f32 v58, v59;
	v7 =	vmax.f32 v15, v16;
	s25 =	spop (v2sf)  }
0x9e: {  	s22 =	simm.s32 $0x20;
	s23 =	sadd.s32 s23, s24;
	v4 =	vmax.f32 v4, v5;
	v5 =	vmax.f32 v13, v14;
	(v2sf) =	vpush v6, $0x0;
	p0 =	sgt.s32 s25, $0x0  }
0x9f: {  	p1 =	slt.s32 s23, $0x5FC0;
	v62 =	vmax.f32 v34, v35;
	v5 =	vmax.f32 v5, v7;
	v7 =	vmax.f32 v60, v61;
	s22 =	simm.s32 @!p0 $0x0  }
0xa0: {  	v63 =	vmax.f32 v57, v37;
	v3 =	vmax.f32 v3, v4;
	v4 =	vmax.f32 v5, v7;
	s22 =	simm.s32 @!p1 $0x0  }
0xa1: {  	v5 =	vmax.f32 v23, v25;
	v3 =	vmax.f32 v3, v4;
	v4 =	vmax.f32 v21, v22;
	s22 =	sadd.s32 s23, s22  }
0xa2: {  	v7 =	vmax.f32 v55, v28;
	v4 =	vmax.f32 v4, v5;
	v6 =	vmax.f32 v26, v27;
	s26 =	spop (v2sf);
	s25 =	simm.s32 $0x20;
	p0 =	slt.s32 s22, $0x5FC0  }
0xa3: {  	v5 =	vmax.f32 v6, v7;
	v6 =	vmax.f32 v29, v30;
	v7 =	vmax.f32 v31, v33;
	p1 =	sgt.s32 s26, $0x0;
	s25 =	simm.s32 @!p0 $0x0  }
0xa4: {  	v4 =	vmax.f32 v4, v5;
	v5 =	vmax.f32 v6, v7;
	v6 =	vmax.f32 v62, v63;
	s25 =	simm.s32 @!p1 $0x0  }
0xa5: {  	v3 =	vmax.f32 v3, v4;
	v4 =	vmax.f32 v5, v6;
	s28 =	sadd.s32 s22, s25  }
0xa6: {  	v3 =	vmax.f32 v3, v4;
	s29 =	spop (v2sf);
	s26 =	simm.s32 $0x20;
	p0 =	slt.s32 s28, $0x5FC0  }
0xa7: {  	(xrf0) =	vmax.scan.msk.f32 $0xffff, v3;
	p1 =	sgt.s32 s29, $0x0;
	s26 =	simm.s32 @!p0 $0x0  }
0xa8: {  	s26 =	simm.s32 @!p1 $0x0  }
0xa9: {  	[tilespmem:s23+$0x10000] =	vst v29;
	s30 =	sadd.s32 s28, s26  }
0xaa: {  	[tilespmem:s23+$0x10010] =	vst v30;
	s25 =	simm.s32 $0x20;
	p0 =	slt.s32 s30, $0x5FC0  }
0xab: {  	[tilespmem:s22+$0x10000] =	vst v31;
	s25 =	simm.s32 @!p0 $0x0;
	p0 =	sne.s32 s21, $0xF800  }
.Ltmp0:
0xac: {  	[tilespmem:s22+$0x10010] =	vst v33;
	(pc) =	sbr.rel @p0 .LBB2_2-.Ltmp0, $4  }
0xad: {  	v4, _, _ =	vpop (xrf0);
	s31 =	spop (v2sf);
	[tilespmem:s28+$0x10000] =	vst v34  }
0xae: {  	v5 =	vadd.f32 $-1.000000000e+00, v4;
	[tilespmem:s28+$0x10010] =	vst v35;
	p1 =	sgt.s32 s31, $0x0  }
0xaf: {  	[tilespmem:s30+$0x10000] =	vst v57;
	s25 =	simm.s32 @!p1 $0x0  }
0xb0: {  	v4 =	vmov v2;
	v2 =	vbroadcast v5, $0xF;
	[tilespmem:s30+$0x10010] =	vst v37;
	s21 =	sadd.s32 $0x800, s21;
	s23 =	sadd.s32 s30, s25  }
0xb1: {  	_ =	swait.ge [sflag:s16], $0x4000  }
0xb2: {  	[sflag:s16] =	ssyncset.done $0x0  }
0xb3: {  	s21 =	simm.s32 $0x0;
	[sflag:s16] =	ssyncadd.s32 $0xFFFFC000  }
.LBB2_4:
0xb4: {  	s22 =	sshra.s32 s21, $0x2  }
0xb5: {  	v5 =	vld [tilespmem:s22+$0x4000]  }
0xb6: {  	v6 =	vld [tilespmem:s22+$0x4010];
	_ =	sdelay $0x3  }
0xb7: {  	v7 =	vld [tilespmem:s22+$0x4020]  }
0xb8: {  	v8 =	vld [tilespmem:s22+$0x4030];
	vm0 =	vgt.f32 v5, v4;
	vm1 =	vgt.f32 v6, v4  }
0xb9: {  	vm0 =	vmor vm0, vm1  }
0xba: {  	v11 =	vmpcnt.ones.xlane vm0  }
0xbb: {  	v9 =	vld [tilespmem:s22+$0x4040]  }
0xbc: {  	v10 =	vld [tilespmem:s22+$0x4050];
	(v2sf) =	vpush v11, $0x0  }
0xbd: {  	vm10 =	vgt.f32 v7, v4;
	vm11 =	vgt.f32 v8, v4  }
0xbe: {  	vm0 =	vmor vm10, vm11  }
0xbf: {  	v45 =	vmpcnt.ones.xlane vm0;
	_ =	sdelay $0x1  }
0xc0: {  	vm12 =	vgt.f32 v9, v4;
	vm13 =	vgt.f32 v10, v4;
	(v2sf) =	vpush v45, $0x0  }
0xc1: {  	vm0 =	vmor vm12, vm13  }
0xc2: {  	v46 =	vmpcnt.ones.xlane vm0;
	_ =	sdelay $0x1  }
0xc3: {  	(v2sf) =	vpush v46, $0x0;
	_ =	sdelay $0x5  }
0xc4: {  	s24 =	spop (v2sf)  }
0xc5: {  	p0 =	sgt.s32 s24, $0x0;
	s24 =	simm.s32 $0x20  }
0xc6: {  	p1 =	slt.s32 s23, $0x5FC0;
	s24 =	simm.s32 @!p0 $0x0  }
0xc7: {  	s24 =	simm.s32 @!p1 $0x0  }
0xc8: {  	s24 =	sadd.s32 s23, s24  }
0xc9: {  	s26 =	simm.s32 $0x20;
	s25 =	spop (v2sf);
	p0 =	slt.s32 s24, $0x5FC0  }
0xca: {  	v47 =	vld [tilespmem:s22+$0x4060];
	p1 =	sgt.s32 s25, $0x0;
	s26 =	simm.s32 @!p0 $0x0  }
0xcb: {  	v12 =	vld [tilespmem:s22+$0x4070];
	[tilespmem:s23+$0x10000] =	vst v5;
	s26 =	simm.s32 @!p1 $0x0  }
0xcc: {  	[tilespmem:s23+$0x10010] =	vst v6;
	s29 =	sadd.s32 s24, s26  }
0xcd: {  	s30 =	spop (v2sf);
	[tilespmem:s24+$0x10000] =	vst v7;
	s26 =	simm.s32 $0x20;
	p0 =	slt.s32 s29, $0x5FC0  }
0xce: {  	[tilespmem:s24+$0x10010] =	vst v8;
	p1 =	sgt.s32 s30, $0x0;
	s26 =	simm.s32 @!p0 $0x0  }
0xcf: {  	[tilespmem:s29+$0x10000] =	vst v9;
	s26 =	simm.s32 @!p1 $0x0  }
0xd0: {  	[tilespmem:s29+$0x10010] =	vst v10;
	s23 =	sadd.s32 s29, s26  }
0xd1: {  	[tilespmem:s23+$0x10000] =	vst v47  }
0xd2: {  	[tilespmem:s23+$0x10010] =	vst v12  }
0xd3: {  	v13 =	vld [tilespmem:s22+$0x4080]  }
0xd4: {  	v14 =	vld [tilespmem:s22+$0x4090];
	_ =	sdelay $0x2  }
0xd5: {  	vm14 =	vgt.f32 v47, v4;
	vm15 =	vgt.f32 v12, v4  }
0xd6: {  	vm0 =	vmor vm14, vm15;
	v15 =	vld [tilespmem:s22+$0x40A0]  }
0xd7: {  	v17 =	vmpcnt.ones.xlane vm0;
	v16 =	vld [tilespmem:s22+$0x40B0];
	vm4 =	vgt.f32 v13, v4;
	vm5 =	vgt.f32 v14, v4  }
0xd8: {  	vm0 =	vmor vm4, vm5  }
0xd9: {  	(v2sf) =	vpush v17, $0x0;
	v19 =	vmpcnt.ones.xlane vm0  }
0xda: {  	v48 =	vld [tilespmem:s22+$0x40C0]  }
0xdb: {  	v18 =	vld [tilespmem:s22+$0x40D0];
	(v2sf) =	vpush v19, $0x0  }
0xdc: {  	vm6 =	vgt.f32 v15, v4;
	vm7 =	vgt.f32 v16, v4  }
0xdd: {  	vm0 =	vmor vm6, vm7  }
0xde: {  	v49 =	vmpcnt.ones.xlane vm0;
	_ =	sdelay $0x1  }
0xdf: {  	vm8 =	vgt.f32 v48, v4;
	vm9 =	vgt.f32 v18, v4;
	(v2sf) =	vpush v49, $0x0  }
0xe0: {  	vm0 =	vmor vm8, vm9  }
0xe1: {  	v50 =	vmpcnt.ones.xlane vm0;
	_ =	sdelay $0x1  }
0xe2: {  	(v2sf) =	vpush v50, $0x0;
	_ =	sdelay $0x3  }
0xe3: {  	s25 =	simm.s32 $0x20;
	p0 =	slt.s32 s23, $0x5FC0;
	s31 =	spop (v2sf)  }
0xe4: {  	s25 =	simm.s32 @!p0 $0x0;
	p1 =	sgt.s32 s31, $0x0  }
0xe5: {  	s25 =	simm.s32 @!p1 $0x0;
	s26 =	spop (v2sf)  }
0xe6: {  	s24 =	simm.s32 $0x20;
	s23 =	sadd.s32 s23, s25;
	p0 =	sgt.s32 s26, $0x0  }
0xe7: {  	p1 =	slt.s32 s23, $0x5FC0;
	s24 =	simm.s32 @!p0 $0x0  }
0xe8: {  	s24 =	simm.s32 @!p1 $0x0  }
0xe9: {  	s24 =	sadd.s32 s23, s24  }
0xea: {  	s28 =	spop (v2sf);
	s26 =	simm.s32 $0x20;
	p0 =	slt.s32 s24, $0x5FC0  }
0xeb: {  	v51 =	vld [tilespmem:s22+$0x40E0];
	p1 =	sgt.s32 s28, $0x0;
	s26 =	simm.s32 @!p0 $0x0  }
0xec: {  	v20 =	vld [tilespmem:s22+$0x40F0];
	[tilespmem:s23+$0x10000] =	vst v13;
	s26 =	simm.s32 @!p1 $0x0  }
0xed: {  	[tilespmem:s23+$0x10010] =	vst v14;
	s29 =	sadd.s32 s24, s26  }
0xee: {  	s30 =	spop (v2sf);
	[tilespmem:s24+$0x10000] =	vst v15;
	s26 =	simm.s32 $0x20;
	p0 =	slt.s32 s29, $0x5FC0  }
0xef: {  	[tilespmem:s24+$0x10010] =	vst v16;
	p1 =	sgt.s32 s30, $0x0;
	s26 =	simm.s32 @!p0 $0x0  }
0xf0: {  	[tilespmem:s29+$0x10000] =	vst v48;
	s26 =	simm.s32 @!p1 $0x0  }
0xf1: {  	[tilespmem:s29+$0x10010] =	vst v18;
	s23 =	sadd.s32 s29, s26  }
0xf2: {  	[tilespmem:s23+$0x10000] =	vst v51  }
0xf3: {  	[tilespmem:s23+$0x10010] =	vst v20  }
0xf4: {  	v21 =	vld [tilespmem:s22+$0x4100]  }
0xf5: {  	v22 =	vld [tilespmem:s22+$0x4110];
	_ =	sdelay $0x2  }
0xf6: {  	vm10 =	vgt.f32 v51, v4;
	vm11 =	vgt.f32 v20, v4  }
0xf7: {  	vm0 =	vmor vm10, vm11;
	v23 =	vld [tilespmem:s22+$0x4120]  }
0xf8: {  	v24 =	vmpcnt.ones.xlane vm0;
	v25 =	vld [tilespmem:s22+$0x4130];
	vm12 =	vgt.f32 v21, v4;
	vm13 =	vgt.f32 v22, v4  }
0xf9: {  	vm0 =	vmor vm12, vm13  }
0xfa: {  	(v2sf) =	vpush v24, $0x0;
	v52 =	vmpcnt.ones.xlane vm0  }
0xfb: {  	v26 =	vld [tilespmem:s22+$0x4140]  }
0xfc: {  	v27 =	vld [tilespmem:s22+$0x4150];
	(v2sf) =	vpush v52, $0x0  }
0xfd: {  	vm14 =	vgt.f32 v23, v4;
	vm15 =	vgt.f32 v25, v4  }
0xfe: {  	vm0 =	vmor vm14, vm15  }
0xff: {  	v53 =	vmpcnt.ones.xlane vm0;
	_ =	sdelay $0x1  }
0x100: {  	vm4 =	vgt.f32 v26, v4;
	vm5 =	vgt.f32 v27, v4;
	(v2sf) =	vpush v53, $0x0  }
0x101: {  	vm0 =	vmor vm4, vm5  }
0x102: {  	v54 =	vmpcnt.ones.xlane vm0;
	_ =	sdelay $0x1  }
0x103: {  	(v2sf) =	vpush v54, $0x0;
	_ =	sdelay $0x3  }
0x104: {  	s25 =	simm.s32 $0x20;
	s31 =	spop (v2sf);
	p0 =	slt.s32 s23, $0x5FC0  }
0x105: {  	p1 =	sgt.s32 s31, $0x0;
	s25 =	simm.s32 @!p0 $0x0  }
0x106: {  	s25 =	simm.s32 @!p1 $0x0;
	s26 =	spop (v2sf)  }
0x107: {  	s24 =	simm.s32 $0x20;
	s23 =	sadd.s32 s23, s25;
	p0 =	sgt.s32 s26, $0x0  }
0x108: {  	p1 =	slt.s32 s23, $0x5FC0;
	s24 =	simm.s32 @!p0 $0x0  }
0x109: {  	s24 =	simm.s32 @!p1 $0x0  }
0x10a: {  	s24 =	sadd.s32 s23, s24  }
0x10b: {  	s28 =	spop (v2sf);
	s26 =	simm.s32 $0x20;
	p0 =	slt.s32 s24, $0x5FC0  }
0x10c: {  	v55 =	vld [tilespmem:s22+$0x4160];
	p1 =	sgt.s32 s28, $0x0;
	s26 =	simm.s32 @!p0 $0x0  }
0x10d: {  	v28 =	vld [tilespmem:s22+$0x4170];
	[tilespmem:s23+$0x10000] =	vst v21;
	s26 =	simm.s32 @!p1 $0x0  }
0x10e: {  	[tilespmem:s23+$0x10010] =	vst v22;
	s29 =	sadd.s32 s24, s26  }
0x10f: {  	s30 =	spop (v2sf);
	[tilespmem:s24+$0x10000] =	vst v23;
	s26 =	simm.s32 $0x20;
	p0 =	slt.s32 s29, $0x5FC0  }
0x110: {  	[tilespmem:s24+$0x10010] =	vst v25;
	p1 =	sgt.s32 s30, $0x0;
	s26 =	simm.s32 @!p0 $0x0  }
0x111: {  	[tilespmem:s29+$0x10000] =	vst v26;
	s26 =	simm.s32 @!p1 $0x0  }
0x112: {  	[tilespmem:s29+$0x10010] =	vst v27;
	s23 =	sadd.s32 s29, s26  }
0x113: {  	[tilespmem:s23+$0x10000] =	vst v55  }
0x114: {  	[tilespmem:s23+$0x10010] =	vst v28  }
0x115: {  	v29 =	vld [tilespmem:s22+$0x4180]  }
0x116: {  	v30 =	vld [tilespmem:s22+$0x4190];
	_ =	sdelay $0x2  }
0x117: {  	vm6 =	vgt.f32 v55, v4;
	vm7 =	vgt.f32 v28, v4  }
0x118: {  	vm0 =	vmor vm6, vm7;
	v31 =	vld [tilespmem:s22+$0x41A0]  }
0x119: {  	v32 =	vmpcnt.ones.xlane vm0;
	v33 =	vld [tilespmem:s22+$0x41B0];
	vm8 =	vgt.f32 v29, v4;
	vm9 =	vgt.f32 v30, v4  }
0x11a: {  	vm0 =	vmor vm8, vm9  }
0x11b: {  	(v2sf) =	vpush v32, $0x0;
	v56 =	vmpcnt.ones.xlane vm0  }
0x11c: {  	v34 =	vld [tilespmem:s22+$0x41C0]  }
0x11d: {  	v35 =	vld [tilespmem:s22+$0x41D0];
	(v2sf) =	vpush v56, $0x0  }
0x11e: {  	vm10 =	vgt.f32 v31, v4;
	vm11 =	vgt.f32 v33, v4  }
0x11f: {  	vm0 =	vmor vm10, vm11  }
0x120: {  	v36 =	vmpcnt.ones.xlane vm0;
	_ =	sdelay $0x1  }
0x121: {  	vm12 =	vgt.f32 v34, v4;
	vm13 =	vgt.f32 v35, v4;
	(v2sf) =	vpush v36, $0x0  }
0x122: {  	v57 =	vld [tilespmem:s22+$0x41E0];
	vm0 =	vmor vm12, vm13  }
0x123: {  	v5 =	vmax.f32 v5, v6;
	v37 =	vld [tilespmem:s22+$0x41F0];
	v6 =	vmpcnt.ones.xlane vm0;
	_ =	sdelay $0x1  }
0x124: {  	(v2sf) =	vpush v6, $0x0;
	_ =	sdelay $0x2  }
0x125: {  	v58 =	vmax.f32 v9, v10;
	vm14 =	vgt.f32 v57, v4;
	vm15 =	vgt.f32 v37, v4  }
0x126: {  	v59 =	vmax.f32 v47, v12;
	v7 =	vmax.f32 v7, v8;
	s31 =	spop (v2sf);
	s24 =	simm.s32 $0x20;
	p0 =	slt.s32 s23, $0x5FC0;
	vm0 =	vmor vm14, vm15  }
0x127: {  	v60 =	vmax.f32 v48, v18;
	v61 =	vmax.f32 v51, v20;
	p1 =	sgt.s32 s31, $0x0;
	s24 =	simm.s32 @!p0 $0x0;
	v6 =	vmpcnt.ones.xlane vm0  }
0x128: {  	s24 =	simm.s32 @!p1 $0x0;
	v4 =	vmax.f32 v5, v7;
	v5 =	vmax.f32 v58, v59;
	v7 =	vmax.f32 v15, v16;
	s25 =	spop (v2sf)  }
0x129: {  	s22 =	simm.s32 $0x20;
	s23 =	sadd.s32 s23, s24;
	v4 =	vmax.f32 v4, v5;
	v5 =	vmax.f32 v13, v14;
	(v2sf) =	vpush v6, $0x0;
	p0 =	sgt.s32 s25, $0x0  }
0x12a: {  	p1 =	slt.s32 s23, $0x5FC0;
	v62 =	vmax.f32 v34, v35;
	v5 =	vmax.f32 v5, v7;
	v7 =	vmax.f32 v60, v61;
	s22 =	simm.s32 @!p0 $0x0  }
0x12b: {  	v63 =	vmax.f32 v57, v37;
	v3 =	vmax.f32 v3, v4;
	v4 =	vmax.f32 v5, v7;
	s22 =	simm.s32 @!p1 $0x0  }
0x12c: {  	v5 =	vmax.f32 v23, v25;
	v3 =	vmax.f32 v3, v4;
	v4 =	vmax.f32 v21, v22;
	s22 =	sadd.s32 s23, s22  }
0x12d: {  	v7 =	vmax.f32 v55, v28;
	v4 =	vmax.f32 v4, v5;
	v6 =	vmax.f32 v26, v27;
	s26 =	spop (v2sf);
	s25 =	simm.s32 $0x20;
	p0 =	slt.s32 s22, $0x5FC0  }
0x12e: {  	v5 =	vmax.f32 v6, v7;
	v6 =	vmax.f32 v29, v30;
	v7 =	vmax.f32 v31, v33;
	p1 =	sgt.s32 s26, $0x0;
	s25 =	simm.s32 @!p0 $0x0  }
0x12f: {  	v4 =	vmax.f32 v4, v5;
	v5 =	vmax.f32 v6, v7;
	v6 =	vmax.f32 v62, v63;
	s25 =	simm.s32 @!p1 $0x0  }
0x130: {  	v3 =	vmax.f32 v3, v4;
	v4 =	vmax.f32 v5, v6;
	s28 =	sadd.s32 s22, s25  }
0x131: {  	v3 =	vmax.f32 v3, v4;
	s29 =	spop (v2sf);
	s26 =	simm.s32 $0x20;
	p0 =	slt.s32 s28, $0x5FC0  }
0x132: {  	(xrf0) =	vmax.scan.msk.f32 $0xffff, v3;
	p1 =	sgt.s32 s29, $0x0;
	s26 =	simm.s32 @!p0 $0x0  }
0x133: {  	s26 =	simm.s32 @!p1 $0x0  }
0x134: {  	[tilespmem:s23+$0x10000] =	vst v29;
	s30 =	sadd.s32 s28, s26  }
0x135: {  	[tilespmem:s23+$0x10010] =	vst v30;
	s25 =	simm.s32 $0x20;
	p0 =	slt.s32 s30, $0x5FC0  }
0x136: {  	[tilespmem:s22+$0x10000] =	vst v31;
	s25 =	simm.s32 @!p0 $0x0;
	p0 =	sne.s32 s21, $0xF800  }
.Ltmp1:
0x137: {  	[tilespmem:s22+$0x10010] =	vst v33;
	(pc) =	sbr.rel @p0 .LBB2_4-.Ltmp1, $4  }
0x138: {  	v4, _, _ =	vpop (xrf0);
	s31 =	spop (v2sf);
	[tilespmem:s28+$0x10000] =	vst v34  }
0x139: {  	v5 =	vadd.f32 $-1.000000000e+00, v4;
	[tilespmem:s28+$0x10010] =	vst v35;
	p1 =	sgt.s32 s31, $0x0  }
0x13a: {  	[tilespmem:s30+$0x10000] =	vst v57;
	s25 =	simm.s32 @!p1 $0x0  }
0x13b: {  	v4 =	vmov v2;
	v2 =	vbroadcast v5, $0xF;
	[tilespmem:s30+$0x10010] =	vst v37;
	s21 =	sadd.s32 $0x800, s21;
	s23 =	sadd.s32 s30, s25  }
0x13c: {  	s24 =	sshra.s32 s23, $0x4  }
0x13d: {  	p0 =	slt.s32 s24, $0x1  }
.Ltmp2:
0x13e: {  	_ = 	snop;
	(pc) =	sbr.rel @p0 .LBB2_12-.Ltmp2, $2  }
0x13f: {  	_ =	sdelay $0x2  }
0x140: {  	s21 =	simm.s32 $0x0;
	s22 =	simm.s32 $0x10000;
	s25 =	simm.s32 $0x0  }
0x141: {  	p1 =	sne.s32 s24, $0x1  }
.Ltmp3:
0x142: {  	_ = 	snop;
	(pc) =	sbr.rel @!p1 .LBB2_7-.Ltmp3, $2  }
0x143: {  	_ =	sdelay $0x2  }
0x144: {  	v3 =	vld [tilespmem:s22+$0x0];
	s25 =	sadd.s32 $0xFFFFFFFF, s24;
	p0 =	por $0x0, $0x0  }
0x145: {  	_ =	sdelay $0x3  }
0x146: {  	vm0 =	vgt.f32 v3, v2  }
0x147: {  	v4 =	vmpcnt.ones.xlane vm0;
	_ =	sdelay $0x1  }
0x148: {  	(v2sf) =	vpush v4, $0x0;
	_ =	sdelay $0x2  }
0x149: {  	p1 =	sne.s32 s25, $0x1  }
.Ltmp4:
0x14a: {  	_ = 	snop;
	(pc) =	sbr.rel @!p1 .LBB2_9-.Ltmp4, $3  }
0x14b: {  	_ =	sdelay $0x1  }
0x14c: {  	s24 =	sadd.s32 $0x10, s22;
	[tilespmem:s21+$0x16000] =	vst.msk vm0, v3  }
0x14d: {  	s25 =	sadd.s32 $0xFFFFFFFF, s25;
	p0 =	por $0x1, $0x1;
	s22 =	simm.s32 $0x0;
	v3 =	vld [tilespmem:s24+$0x0]  }
.LBB2_10:
0x14e: {  	p1 =	sne.s32 s25, $0x1;
	_ =	sdelay $0x3  }
0x14f: {  	vm0 =	vgt.f32 v3, v2  }
0x150: {  	v4 =	vmpcnt.ones.xlane vm0  }
0x151: {  	s26 =	spop (v2sf)  }
0x152: {  	(v2sf) =	vpush v4, $0x0;
	s22 =	sadd.s32 s22, s26  }
0x153: {  	[tilespmem:s22+$0x16000] =	vst.msk vm0, v3;
	_ =	sdelay $0x2  }
.Ltmp5:
0x154: {  	(pc) =	sbr.rel @p1 .LBB2_10-.Ltmp5, $3  }
0x155: {  	_ =	sdelay $0x1  }
0x156: {  	s24 =	sadd.s32 $0x10, s24  }
0x157: {  	s25 =	sadd.s32 $0xFFFFFFFF, s25;
	v3 =	vld [tilespmem:s24+$0x0]  }
.LBB2_11:
0x158: {  	_ =	sdelay $0x3  }
0x159: {  	vm0 =	vgt.f32 v3, v2  }
0x15a: {  	v4 =	vmpcnt.ones.xlane vm0;
	_ =	sdelay $0x1  }
0x15b: {  	(v2sf) =	vpush v4, $0x0;
	_ =	sdelay $0xc  }
0x15c: {  	s24 =	spop @p0 (v2sf)  }
0x15d: {  	s22 =	sadd.s32 @p0 s22, s24;
	s24 =	simm.s32 $0x0  }
0x15e: {  	s24 =	smov.u32 @p0 s22;
	s31 =	spop (v2sf)  }
0x15f: {  	[tilespmem:s24+$0x16000] =	vst.msk vm0, v3;
	s25 =	sadd.s32 s24, s31  }
.LBB2_12:
.Ltmp6:
0x160: {  	(pc) =	sbr.rel .LBB2_13-.Ltmp6, $4  }
0x161: {  	_ = 	snop  }
0x162: {  	s22 =	sadd.s32 $0xF, s25  }
0x163: {  	s22 =	sshra.s32 s22, $0x4  }
0x164: {  	[tilespmem:s25+$0x16000] =	vst v0;
	p0 =	sgt.s32 s23, $0x5FDF;
	p1 =	sgt.s32 s22, $0x0  }
.LBB2_20:
0x165: {  	v5 =	vnsel vm0, $0x0, v5;
	v6 =	vsel vm0, $0x1, v1  }
0x166: {  	v3 =	vadd.f32 v5, v3;
	v4 =	vadd.s32 v6, v4  }
.LBB2_21:
0x167: {  	v4 =	vcvt.s32.f32 v4  }
0x168: {  	(xrf2) =	vadd.scan.msk.f32 $0xffff, v3  }
0x169: {  	(xrf2) =	vadd.scan.msk.f32 $0xffff, v4;
	_ =	sdelay $0x8  }
0x16a: {  	v3, _, _ =	vpop (xrf2)  }
0x16b: {  	v4, _, _ =	vpop (xrf2)  }
0x16c: {  	v4 =	vmax.f32 v4, $1.000000000e+00  }
0x16d: {  	v4 =	vbroadcast v4, $0xF;
	_ =	sdelay $0x1  }
0x16e: {  	(erf) = vrcp.f32 v4;
	_ =	sdelay $0x5  }
0x16f: {  	s21 =	sadd.s32 $0x1, s21;
	v3 =	vadd.f32 $-1.000000000e+00, v3  }
0x170: {  	p2 =	sne.s32 s21, $0xA  }
.Ltmp7:
0x171: {  	v3 =	vbroadcast v3, $0xF;
	(pc) =	sbr.rel @!p2 .LBB2_22-.Ltmp7, $3  }
0x172: {  	v4 =	vpop (erf)  }
0x173: {  	v3 =	vmul.f32 v4, v3;
	_ =	sdelay $0x1  }
0x174: {  	v2 =	vmax.f32 v2, v3  }
.LBB2_13:
.Ltmp8:
0x175: {  	(pc) =	sbr.rel @!p0 .LBB2_17-.Ltmp8, $2  }
0x176: {  	_ =	sdelay $0x2  }
0x177: {  	v3 =	vimm.f32 $0.0e+00;
	v4 =	vimm.s32 $0x0  }
0x178: {  	s24 =	simm.s32 $0x0  }
0x179: {  	v5 =	vld [tilespmem:s24+$0x0]  }
0x17a: {  	s23 =	simm.s32 $0x40  }
.LBB2_15:
0x17b: {  	p2 =	seq.s32 s23, $0x1FFC0  }
.Ltmp9:
0x17c: {  	_ = 	snop;
	(pc) =	sbr.rel @!p2 .LBB2_15-.Ltmp9, $4  }
0x17d: {  	_ = 	snop  }
0x17e: {  	s24 =	sshra.s32 s23, $0x2;
	s23 =	sadd.s32 $0x40, s23;
	vm0 =	vgt.f32 v5, v2  }
0x17f: {  	v6 =	vnsel vm0, $0x0, v5;
	v5 =	vld [tilespmem:s24+$0x0];
	v7 =	vsel vm0, $0x1, v1  }
0x180: {  	v3 =	vadd.f32 v6, v3;
	v4 =	vadd.s32 v7, v4  }
0x181: {  	_ = 	snop  }
.Ltmp10:
0x182: {  	_ = 	snop;
	(pc) =	sbr.rel .LBB2_21-.Ltmp10, $4  }
0x183: {  	_ = 	snop  }
0x184: {  	vm0 =	vgt.f32 v5, v2  }
0x185: {  	v5 =	vnsel vm0, $0x0, v5;
	v6 =	vsel vm0, $0x1, v1  }
0x186: {  	v3 =	vadd.f32 v5, v3;
	v4 =	vadd.s32 v6, v4  }
.LBB2_17:
.Ltmp11:
0x187: {  	(pc) =	sbr.rel @!p1 .LBB2_21-.Ltmp11, $2  }
0x188: {  	_ =	sdelay $0x2  }
0x189: {  	s24 =	simm.s32 $0x16000  }
0x18a: {  	v5 =	vld [tilespmem:s24+$0x0];
	p2 =	sne.s32 s22, $0x1  }
.Ltmp12:
0x18b: {  	_ = 	snop;
	(pc) =	sbr.rel @!p2 .LBB2_20-.Ltmp12, $2  }
0x18c: {  	_ =	sdelay $0x2  }
0x18d: {  	s23 =	sadd.s32 $0xFFFFFFFF, s22;
	s24 =	sadd.s32 $0x10, s24;
	vm0 =	vgt.f32 v5, v2  }
.LBB2_19:
0x18e: {  	p2 =	sne.s32 s23, $0x1;
	s23 =	sadd.s32 $0xFFFFFFFF, s23;
	v6 =	vnsel vm0, $0x0, v5;
	v5 =	vld [tilespmem:s24+$0x0];
	v7 =	vsel vm0, $0x1, v1  }
.Ltmp13:
0x18f: {  	v3 =	vadd.f32 v6, v3;
	v4 =	vadd.s32 v7, v4;
	(pc) =	sbr.rel @p2 .LBB2_19-.Ltmp13, $2  }
0x190: {  	_ =	sdelay $0x2  }
0x191: {  	s24 =	sadd.s32 $0x10, s24;
	vm0 =	vgt.f32 v5, v2  }
.Ltmp14:
0x192: {  	_ = 	snop;
	(pc) =	sbr.rel .LBB2_20-.Ltmp14, $1  }
0x193: {  	_ =	sdelay $0x3  }
.LBB2_22:
0x194: {  	s21 =	simm.s32 $0x80  }
0x195: {  	v3 =	vld [tilespmem:s21+$0x70]  }
0x196: {  	v4 =	vld [tilespmem:s21+$0xFFFFFF90]  }
0x197: {  	v5 =	vld [tilespmem:s21+$0xFFFFFFA0]  }
0x198: {  	v6 =	vld [tilespmem:s21+$0xFFFFFFB0]  }
0x199: {  	v7 =	vld [tilespmem:s21+$0xFFFFFFC0]  }
0x19a: {  	v8 =	vld [tilespmem:s21+$0xFFFFFFD0]  }
0x19b: {  	v9 =	vld [tilespmem:s21+$0xFFFFFFE0];
	v3 =	vsub.f32 v3, v2  }
0x19c: {  	v11 =	vld [tilespmem:s21+$0xFFFFFFF0];
	v4 =	vsub.f32 v4, v2  }
0x19d: {  	v5 =	vsub.f32 v5, v2;
	v3 =	vmax.f32 v3, $0.0e+00  }
0x19e: {  	v10 =	vld [tilespmem:s21+$0x0];
	v6 =	vsub.f32 v6, v2;
	v4 =	vmax.f32 v4, $0.0e+00;
	[tilespmem:s21+$0x70] =	vst v3  }
0x19f: {  	[tilespmem:s21+$0xFFFFFF90] =	vst v4;
	v3 =	vmax.f32 v5, $0.0e+00;
	v4 =	vsub.f32 v7, v2;
	v7 =	vld [tilespmem:s21+$0x10]  }
0x1a0: {  	v12 =	vld [tilespmem:s21+$0x20];
	v5 =	vsub.f32 v8, v2;
	[tilespmem:s21+$0xFFFFFFA0] =	vst v3;
	v3 =	vmax.f32 v6, $0.0e+00  }
0x1a1: {  	v8 =	vsub.f32 v11, v2;
	v6 =	vsub.f32 v9, v2;
	[tilespmem:s21+$0xFFFFFFB0] =	vst v3;
	v3 =	vmax.f32 v4, $0.0e+00;
	v4 =	vld [tilespmem:s21+$0x30]  }
0x1a2: {  	[tilespmem:s21+$0xFFFFFFC0] =	vst v3;
	v3 =	vmax.f32 v5, $0.0e+00;
	v5 =	vld [tilespmem:s21+$0x40]  }
0x1a3: {  	v9 =	vsub.f32 v10, v2;
	v10 =	vmax.f32 v8, $0.0e+00;
	[tilespmem:s21+$0xFFFFFFD0] =	vst v3;
	v3 =	vmax.f32 v6, $0.0e+00;
	v6 =	vld [tilespmem:s21+$0x50]  }
0x1a4: {  	[tilespmem:s21+$0xFFFFFFF0] =	vst v10;
	v8 =	vsub.f32 v7, v2;
	v7 =	vld [tilespmem:s21+$0x60]  }
0x1a5: {  	s22 =	simm.s32 $0x0;
	s23 =	simm.s32 $0x180;
	v10 =	vmax.f32 v9, $0.0e+00;
	v9 =	vsub.f32 v12, v2;
	[tilespmem:s21+$0xFFFFFFE0] =	vst v3;
	v3 =	vld [tilespmem:s21+$0xFFFFFF80]  }
.LBB2_23:
0x1a6: {  	v11 =	vld [tilespmem:s23+$0x70];
	s22 =	sadd.s32 $0x2, s22;
	[tilespmem:s21+$0x0] =	vst v10;
	v8 =	vmax.f32 v8, $0.0e+00;
	v4 =	vsub.f32 v4, v2  }
0x1a7: {  	v10 =	vld [tilespmem:s23+$0xFFFFFF90];
	p0 =	slt.u32 s22, $0x7E;
	[tilespmem:s21+$0x10] =	vst v8;
	v8 =	vmax.f32 v9, $0.0e+00;
	v5 =	vsub.f32 v5, v2  }
0x1a8: {  	v9 =	vld [tilespmem:s23+$0xFFFFFFA0];
	[tilespmem:s21+$0x20] =	vst v8;
	v4 =	vmax.f32 v4, $0.0e+00;
	v6 =	vsub.f32 v6, v2  }
0x1a9: {  	v8 =	vld [tilespmem:s23+$0xFFFFFFB0];
	[tilespmem:s21+$0x30] =	vst v4;
	v4 =	vmax.f32 v5, $0.0e+00;
	v5 =	vsub.f32 v7, v2  }
0x1aa: {  	v7 =	vld [tilespmem:s23+$0xFFFFFFC0];
	v3 =	vsub.f32 v3, v2;
	[tilespmem:s21+$0x40] =	vst v4;
	v4 =	vmax.f32 v6, $0.0e+00  }
0x1ab: {  	v6 =	vld [tilespmem:s23+$0xFFFFFFD0];
	v11 =	vsub.f32 v11, v2;
	[tilespmem:s21+$0x50] =	vst v4;
	v4 =	vmax.f32 v5, $0.0e+00  }
0x1ac: {  	v5 =	vsub.f32 v10, v2;
	v10 =	vld [tilespmem:s23+$0xFFFFFFE0];
	v3 =	vmax.f32 v3, $0.0e+00;
	[tilespmem:s21+$0x60] =	vst v4  }
0x1ad: {  	v4 =	vsub.f32 v9, v2;
	v9 =	vld [tilespmem:s23+$0xFFFFFFF0];
	v11 =	vmax.f32 v11, $0.0e+00;
	[tilespmem:s21+$0xFFFFFF80] =	vst v3;
	s21 =	smov.u32 s23  }
0x1ae: {  	v3 =	vmax.f32 v5, $0.0e+00;
	v5 =	vsub.f32 v8, v2;
	v8 =	vld [tilespmem:s23+$0x0];
	[tilespmem:s23+$0x70] =	vst v11  }
0x1af: {  	[tilespmem:s23+$0xFFFFFF90] =	vst v3;
	v3 =	vmax.f32 v4, $0.0e+00;
	v4 =	vsub.f32 v7, v2;
	v7 =	vld [tilespmem:s23+$0x10]  }
0x1b0: {  	[tilespmem:s23+$0xFFFFFFA0] =	vst v3;
	v3 =	vmax.f32 v5, $0.0e+00;
	v5 =	vsub.f32 v6, v2;
	v11 =	vld [tilespmem:s23+$0x20]  }
.Ltmp15:
0x1b1: {  	[tilespmem:s23+$0xFFFFFFB0] =	vst v3;
	v3 =	vmax.f32 v4, $0.0e+00;
	v6 =	vsub.f32 v10, v2;
	v4 =	vld [tilespmem:s23+$0x30];
	(pc) =	sbr.rel @p0 .LBB2_23-.Ltmp15, $4  }
0x1b2: {  	[tilespmem:s23+$0xFFFFFFC0] =	vst v3;
	v3 =	vmax.f32 v5, $0.0e+00;
	v9 =	vsub.f32 v9, v2;
	v5 =	vld [tilespmem:s23+$0x40]  }
0x1b3: {  	[tilespmem:s23+$0xFFFFFFD0] =	vst v3;
	v3 =	vmax.f32 v6, $0.0e+00;
	v10 =	vsub.f32 v8, v2;
	v6 =	vld [tilespmem:s23+$0x50]  }
0x1b4: {  	[tilespmem:s23+$0xFFFFFFE0] =	vst v3;
	v9 =	vmax.f32 v9, $0.0e+00;
	v8 =	vsub.f32 v7, v2;
	v7 =	vld [tilespmem:s23+$0x60]  }
0x1b5: {  	s23 =	sadd.s32 $0x100, s23;
	v3 =	vld [tilespmem:s21+$0xFFFFFF80];
	[tilespmem:s21+$0xFFFFFFF0] =	vst v9;
	v10 =	vmax.f32 v10, $0.0e+00;
	v9 =	vsub.f32 v11, v2  }
0x1b6: {  	[tilespmem:s21+$0x0] =	vst v10;
	v8 =	vmax.f32 v8, $0.0e+00;
	v4 =	vsub.f32 v4, v2  }
0x1b7: {  	[tilespmem:s21+$0x10] =	vst v8;
	v8 =	vmax.f32 v9, $0.0e+00;
	v5 =	vsub.f32 v5, v2  }
0x1b8: {  	[tilespmem:s21+$0x20] =	vst v8;
	v4 =	vmax.f32 v4, $0.0e+00;
	v6 =	vsub.f32 v6, v2  }
0x1b9: {  	[tilespmem:s21+$0x30] =	vst v4;
	v4 =	vmax.f32 v5, $0.0e+00;
	v5 =	vsub.f32 v7, v2  }
0x1ba: {  	v3 =	vsub.f32 v3, v2;
	[tilespmem:s21+$0x40] =	vst v4;
	v4 =	vmax.f32 v6, $0.0e+00  }
0x1bb: {  	[tilespmem:s21+$0x50] =	vst v4;
	v4 =	vmax.f32 v5, $0.0e+00  }
0x1bc: {  	v3 =	vmax.f32 v3, $0.0e+00;
	[tilespmem:s21+$0x60] =	vst v4  }
0x1bd: {  	[tilespmem:s21+$0xFFFFFF80] =	vst v3;
	s21 =	simm.s32 $0x40F0  }
0x1be: {  	[hbm4b:s6+s11] =	stream.strided.scatter [tilespmem:s2], [sflag:$0x1], $0x4000, s12, s11, $0x38;
	[tilespmem:$0x1C000] =	vst v63  }
0x1bf: {  	v3 =	vld [tilespmem:s21+$0x0]  }
0x1c0: {  	v4 =	vld [tilespmem:s21+$0xFFFFFF20]  }
0x1c1: {  	v5 =	vld [tilespmem:s21+$0xFFFFFF30]  }
0x1c2: {  	v6 =	vld [tilespmem:s21+$0xFFFFFF40]  }
0x1c3: {  	v7 =	vld [tilespmem:s21+$0xFFFFFF50]  }
0x1c4: {  	v8 =	vld [tilespmem:s21+$0xFFFFFF60]  }
0x1c5: {  	v9 =	vld [tilespmem:s21+$0xFFFFFF70];
	v3 =	vsub.f32 v3, v2  }
0x1c6: {  	v11 =	vld [tilespmem:s21+$0xFFFFFF80];
	v4 =	vsub.f32 v4, v2  }
0x1c7: {  	v5 =	vsub.f32 v5, v2;
	v3 =	vmax.f32 v3, $0.0e+00  }
0x1c8: {  	v10 =	vld [tilespmem:s21+$0xFFFFFF90];
	v6 =	vsub.f32 v6, v2;
	v4 =	vmax.f32 v4, $0.0e+00;
	[tilespmem:s21+$0x0] =	vst v3  }
0x1c9: {  	[tilespmem:s21+$0xFFFFFF20] =	vst v4;
	v3 =	vmax.f32 v5, $0.0e+00;
	v4 =	vsub.f32 v7, v2;
	v7 =	vld [tilespmem:s21+$0xFFFFFFA0]  }
0x1ca: {  	v12 =	vld [tilespmem:s21+$0xFFFFFFB0];
	v5 =	vsub.f32 v8, v2;
	[tilespmem:s21+$0xFFFFFF30] =	vst v3;
	v3 =	vmax.f32 v6, $0.0e+00  }
0x1cb: {  	v8 =	vsub.f32 v11, v2;
	v6 =	vsub.f32 v9, v2;
	[tilespmem:s21+$0xFFFFFF40] =	vst v3;
	v3 =	vmax.f32 v4, $0.0e+00;
	v4 =	vld [tilespmem:s21+$0xFFFFFFC0]  }
0x1cc: {  	[tilespmem:s21+$0xFFFFFF50] =	vst v3;
	v3 =	vmax.f32 v5, $0.0e+00;
	v5 =	vld [tilespmem:s21+$0xFFFFFFD0]  }
0x1cd: {  	v9 =	vsub.f32 v10, v2;
	v10 =	vmax.f32 v8, $0.0e+00;
	[tilespmem:s21+$0xFFFFFF60] =	vst v3;
	v3 =	vmax.f32 v6, $0.0e+00;
	v6 =	vld [tilespmem:s21+$0xFFFFFFE0]  }
0x1ce: {  	[tilespmem:s21+$0xFFFFFF80] =	vst v10;
	v8 =	vsub.f32 v7, v2;
	v7 =	vld [tilespmem:s21+$0xFFFFFFF0]  }
0x1cf: {  	s22 =	simm.s32 $0x80;
	s23 =	simm.s32 $0x41F0;
	v10 =	vmax.f32 v9, $0.0e+00;
	v9 =	vsub.f32 v12, v2;
	[tilespmem:s21+$0xFFFFFF70] =	vst v3;
	v3 =	vld [tilespmem:s21+$0xFFFFFF10]  }
.LBB2_25:
0x1d0: {  	v11 =	vld [tilespmem:s23+$0x0];
	s22 =	sadd.s32 $0x2, s22;
	[tilespmem:s21+$0xFFFFFF90] =	vst v10;
	v8 =	vmax.f32 v8, $0.0e+00;
	v4 =	vsub.f32 v4, v2  }
0x1d1: {  	v10 =	vld [tilespmem:s23+$0xFFFFFF20];
	p0 =	slt.u32 s22, $0xFE;
	[tilespmem:s21+$0xFFFFFFA0] =	vst v8;
	v8 =	vmax.f32 v9, $0.0e+00;
	v5 =	vsub.f32 v5, v2  }
0x1d2: {  	v9 =	vld [tilespmem:s23+$0xFFFFFF30];
	[tilespmem:s21+$0xFFFFFFB0] =	vst v8;
	v4 =	vmax.f32 v4, $0.0e+00;
	v6 =	vsub.f32 v6, v2  }
0x1d3: {  	v8 =	vld [tilespmem:s23+$0xFFFFFF40];
	[tilespmem:s21+$0xFFFFFFC0] =	vst v4;
	v4 =	vmax.f32 v5, $0.0e+00;
	v5 =	vsub.f32 v7, v2  }
0x1d4: {  	v7 =	vld [tilespmem:s23+$0xFFFFFF50];
	v3 =	vsub.f32 v3, v2;
	[tilespmem:s21+$0xFFFFFFD0] =	vst v4;
	v4 =	vmax.f32 v6, $0.0e+00  }
0x1d5: {  	v6 =	vld [tilespmem:s23+$0xFFFFFF60];
	v11 =	vsub.f32 v11, v2;
	[tilespmem:s21+$0xFFFFFFE0] =	vst v4;
	v4 =	vmax.f32 v5, $0.0e+00  }
0x1d6: {  	v5 =	vsub.f32 v10, v2;
	v10 =	vld [tilespmem:s23+$0xFFFFFF70];
	v3 =	vmax.f32 v3, $0.0e+00;
	[tilespmem:s21+$0xFFFFFFF0] =	vst v4  }
0x1d7: {  	v4 =	vsub.f32 v9, v2;
	v9 =	vld [tilespmem:s23+$0xFFFFFF80];
	v11 =	vmax.f32 v11, $0.0e+00;
	[tilespmem:s21+$0xFFFFFF10] =	vst v3;
	s21 =	smov.u32 s23  }
0x1d8: {  	v3 =	vmax.f32 v5, $0.0e+00;
	v5 =	vsub.f32 v8, v2;
	v8 =	vld [tilespmem:s23+$0xFFFFFF90];
	[tilespmem:s23+$0x0] =	vst v11  }
0x1d9: {  	[tilespmem:s23+$0xFFFFFF20] =	vst v3;
	v3 =	vmax.f32 v4, $0.0e+00;
	v4 =	vsub.f32 v7, v2;
	v7 =	vld [tilespmem:s23+$0xFFFFFFA0]  }
0x1da: {  	[tilespmem:s23+$0xFFFFFF30] =	vst v3;
	v3 =	vmax.f32 v5, $0.0e+00;
	v5 =	vsub.f32 v6, v2;
	v11 =	vld [tilespmem:s23+$0xFFFFFFB0]  }
.Ltmp16:
0x1db: {  	[tilespmem:s23+$0xFFFFFF40] =	vst v3;
	v3 =	vmax.f32 v4, $0.0e+00;
	v6 =	vsub.f32 v10, v2;
	v4 =	vld [tilespmem:s23+$0xFFFFFFC0];
	(pc) =	sbr.rel @p0 .LBB2_25-.Ltmp16, $4  }
0x1dc: {  	[tilespmem:s23+$0xFFFFFF50] =	vst v3;
	v3 =	vmax.f32 v5, $0.0e+00;
	v9 =	vsub.f32 v9, v2;
	v5 =	vld [tilespmem:s23+$0xFFFFFFD0]  }
0x1dd: {  	[tilespmem:s23+$0xFFFFFF60] =	vst v3;
	v3 =	vmax.f32 v6, $0.0e+00;
	v10 =	vsub.f32 v8, v2;
	v6 =	vld [tilespmem:s23+$0xFFFFFFE0]  }
0x1de: {  	[tilespmem:s23+$0xFFFFFF70] =	vst v3;
	v9 =	vmax.f32 v9, $0.0e+00;
	v8 =	vsub.f32 v7, v2;
	v7 =	vld [tilespmem:s23+$0xFFFFFFF0]  }
0x1df: {  	s23 =	sadd.s32 $0x100, s23;
	v3 =	vld [tilespmem:s21+$0xFFFFFF10];
	[tilespmem:s21+$0xFFFFFF80] =	vst v9;
	v10 =	vmax.f32 v10, $0.0e+00;
	v9 =	vsub.f32 v11, v2  }
0x1e0: {  	[tilespmem:s21+$0xFFFFFF90] =	vst v10;
	v8 =	vmax.f32 v8, $0.0e+00;
	v4 =	vsub.f32 v4, v2  }
0x1e1: {  	[tilespmem:s21+$0xFFFFFFA0] =	vst v8;
	v61 =	vmax.f32 v9, $0.0e+00;
	v5 =	vsub.f32 v5, v2  }
0x1e2: {  	[tilespmem:s21+$0xFFFFFFB0] =	vst v61;
	v4 =	vmax.f32 v4, $0.0e+00;
	v6 =	vsub.f32 v6, v2  }
0x1e3: {  	[tilespmem:s21+$0xFFFFFFC0] =	vst v4;
	v4 =	vmax.f32 v5, $0.0e+00;
	v5 =	vsub.f32 v7, v2  }
0x1e4: {  	v2 =	vsub.f32 v3, v2;
	[tilespmem:s21+$0xFFFFFFD0] =	vst v4;
	v3 =	vmax.f32 v6, $0.0e+00  }
0x1e5: {  	[tilespmem:s21+$0xFFFFFFE0] =	vst v3;
	v3 =	vmax.f32 v5, $0.0e+00  }
0x1e6: {  	v2 =	vmax.f32 v2, $0.0e+00;
	[tilespmem:s21+$0xFFFFFFF0] =	vst v3  }
0x1e7: {  	[tilespmem:s21+$0xFFFFFF10] =	vst v2  }
0x1e8: {  	[hbm4b:s7+s11] =	stream.strided.scatter [tilespmem:s13], [sflag:$0x2], $0x4000, s12, s11, $0x38;
	[tilespmem:$0x1C000] =	vst v63  }
0x1e9: {  	_ =	swait.ge [sflag:s17], $0x8000  }
0x1ea: {  	[sflag:s17] =	ssyncset.done $0x0  }
0x1eb: {  	[sflag:s17] =	ssyncadd.s32 $0xFFFF8000  }
0x1ec: {  	v2 =	vld [tilespmem:$0x8000]  }
0x1ed: {  	v3 =	vld [tilespmem:$0x8010]  }
0x1ee: {  	v4 =	vld [tilespmem:$0x8020]  }
0x1ef: {  	v5 =	vld [tilespmem:$0x8030]  }
0x1f0: {  	v6 =	vld [tilespmem:$0x8040]  }
0x1f1: {  	v7 =	vld [tilespmem:$0x8050]  }
0x1f2: {  	v62 =	vld [tilespmem:$0x8060]  }
0x1f3: {  	v63 =	vld [tilespmem:$0x8070];
	_ =	sdelay $0x3  }
0x1f4: {  	v2 =	vmax.f32 v2, v3  }
0x1f5: {  	v3 =	vmax.f32 v4, v5;
	v4 =	vmax.f32 v6, v7;
	v5 =	vmax.f32 v62, v63  }
0x1f6: {  	v2 =	vmax.f32 v2, v3;
	v3 =	vmax.f32 v4, v5  }
0x1f7: {  	v3 =	vmax.f32 v2, v3  }
0x1f8: {  	(xrf0) =	vmax.scan.msk.f32 $0xffff, v3;
	_ =	sdelay $0x5  }
0x1f9: {  	v2, _, _ =	vpop (xrf0)  }
0x1fa: {  	v2 =	vadd.f32 $-1.000000000e+00, v2;
	_ =	sdelay $0x1  }
0x1fb: {  	v2 =	vbroadcast v2, $0xF;
	_ =	sdelay $0x1  }
0x1fc: {  	s23 =	simm.s32 $0x0;
	s21 =	simm.s32 $0x0;
	v4 =	vmov v2  }
.LBB2_27:
0x1fd: {  	s22 =	sshra.s32 s21, $0x2  }
0x1fe: {  	v5 =	vld [tilespmem:s22+$0x8000]  }
0x1ff: {  	v6 =	vld [tilespmem:s22+$0x8010];
	_ =	sdelay $0x3  }
0x200: {  	v7 =	vld [tilespmem:s22+$0x8020]  }
0x201: {  	v8 =	vld [tilespmem:s22+$0x8030];
	vm0 =	vgt.f32 v5, v4;
	vm1 =	vgt.f32 v6, v4  }
0x202: {  	vm0 =	vmor vm0, vm1  }
0x203: {  	v11 =	vmpcnt.ones.xlane vm0  }
0x204: {  	v9 =	vld [tilespmem:s22+$0x8040]  }
0x205: {  	v10 =	vld [tilespmem:s22+$0x8050];
	(v2sf) =	vpush v11, $0x0  }
0x206: {  	vm10 =	vgt.f32 v7, v4;
	vm11 =	vgt.f32 v8, v4  }
0x207: {  	vm0 =	vmor vm10, vm11  }
0x208: {  	v45 =	vmpcnt.ones.xlane vm0;
	_ =	sdelay $0x1  }
0x209: {  	vm12 =	vgt.f32 v9, v4;
	vm13 =	vgt.f32 v10, v4;
	(v2sf) =	vpush v45, $0x0  }
0x20a: {  	vm0 =	vmor vm12, vm13  }
0x20b: {  	v46 =	vmpcnt.ones.xlane vm0;
	_ =	sdelay $0x1  }
0x20c: {  	(v2sf) =	vpush v46, $0x0;
	_ =	sdelay $0x5  }
0x20d: {  	s24 =	spop (v2sf)  }
0x20e: {  	p0 =	sgt.s32 s24, $0x0;
	s24 =	simm.s32 $0x20  }
0x20f: {  	p1 =	slt.s32 s23, $0x5FC0;
	s24 =	simm.s32 @!p0 $0x0  }
0x210: {  	s24 =	simm.s32 @!p1 $0x0  }
0x211: {  	s24 =	sadd.s32 s23, s24  }
0x212: {  	s26 =	simm.s32 $0x20;
	s25 =	spop (v2sf);
	p0 =	slt.s32 s24, $0x5FC0  }
0x213: {  	v47 =	vld [tilespmem:s22+$0x8060];
	p1 =	sgt.s32 s25, $0x0;
	s26 =	simm.s32 @!p0 $0x0  }
0x214: {  	v12 =	vld [tilespmem:s22+$0x8070];
	[tilespmem:s23+$0x10000] =	vst v5;
	s26 =	simm.s32 @!p1 $0x0  }
0x215: {  	[tilespmem:s23+$0x10010] =	vst v6;
	s29 =	sadd.s32 s24, s26  }
0x216: {  	s30 =	spop (v2sf);
	[tilespmem:s24+$0x10000] =	vst v7;
	s26 =	simm.s32 $0x20;
	p0 =	slt.s32 s29, $0x5FC0  }
0x217: {  	[tilespmem:s24+$0x10010] =	vst v8;
	p1 =	sgt.s32 s30, $0x0;
	s26 =	simm.s32 @!p0 $0x0  }
0x218: {  	[tilespmem:s29+$0x10000] =	vst v9;
	s26 =	simm.s32 @!p1 $0x0  }
0x219: {  	[tilespmem:s29+$0x10010] =	vst v10;
	s23 =	sadd.s32 s29, s26  }
0x21a: {  	[tilespmem:s23+$0x10000] =	vst v47  }
0x21b: {  	[tilespmem:s23+$0x10010] =	vst v12  }
0x21c: {  	v13 =	vld [tilespmem:s22+$0x8080]  }
0x21d: {  	v14 =	vld [tilespmem:s22+$0x8090];
	_ =	sdelay $0x2  }
0x21e: {  	vm14 =	vgt.f32 v47, v4;
	vm15 =	vgt.f32 v12, v4  }
0x21f: {  	vm0 =	vmor vm14, vm15;
	v15 =	vld [tilespmem:s22+$0x80A0]  }
0x220: {  	v17 =	vmpcnt.ones.xlane vm0;
	v16 =	vld [tilespmem:s22+$0x80B0];
	vm4 =	vgt.f32 v13, v4;
	vm5 =	vgt.f32 v14, v4  }
0x221: {  	vm0 =	vmor vm4, vm5  }
0x222: {  	(v2sf) =	vpush v17, $0x0;
	v19 =	vmpcnt.ones.xlane vm0  }
0x223: {  	v48 =	vld [tilespmem:s22+$0x80C0]  }
0x224: {  	v18 =	vld [tilespmem:s22+$0x80D0];
	(v2sf) =	vpush v19, $0x0  }
0x225: {  	vm6 =	vgt.f32 v15, v4;
	vm7 =	vgt.f32 v16, v4  }
0x226: {  	vm0 =	vmor vm6, vm7  }
0x227: {  	v49 =	vmpcnt.ones.xlane vm0;
	_ =	sdelay $0x1  }
0x228: {  	vm8 =	vgt.f32 v48, v4;
	vm9 =	vgt.f32 v18, v4;
	(v2sf) =	vpush v49, $0x0  }
0x229: {  	vm0 =	vmor vm8, vm9  }
0x22a: {  	v50 =	vmpcnt.ones.xlane vm0;
	_ =	sdelay $0x1  }
0x22b: {  	(v2sf) =	vpush v50, $0x0;
	_ =	sdelay $0x3  }
0x22c: {  	s25 =	simm.s32 $0x20;
	p0 =	slt.s32 s23, $0x5FC0;
	s31 =	spop (v2sf)  }
0x22d: {  	s25 =	simm.s32 @!p0 $0x0;
	p1 =	sgt.s32 s31, $0x0  }
0x22e: {  	s25 =	simm.s32 @!p1 $0x0;
	s26 =	spop (v2sf)  }
0x22f: {  	s24 =	simm.s32 $0x20;
	s23 =	sadd.s32 s23, s25;
	p0 =	sgt.s32 s26, $0x0  }
0x230: {  	p1 =	slt.s32 s23, $0x5FC0;
	s24 =	simm.s32 @!p0 $0x0  }
0x231: {  	s24 =	simm.s32 @!p1 $0x0  }
0x232: {  	s24 =	sadd.s32 s23, s24  }
0x233: {  	s28 =	spop (v2sf);
	s26 =	simm.s32 $0x20;
	p0 =	slt.s32 s24, $0x5FC0  }
0x234: {  	v51 =	vld [tilespmem:s22+$0x80E0];
	p1 =	sgt.s32 s28, $0x0;
	s26 =	simm.s32 @!p0 $0x0  }
0x235: {  	v20 =	vld [tilespmem:s22+$0x80F0];
	[tilespmem:s23+$0x10000] =	vst v13;
	s26 =	simm.s32 @!p1 $0x0  }
0x236: {  	[tilespmem:s23+$0x10010] =	vst v14;
	s29 =	sadd.s32 s24, s26  }
0x237: {  	s30 =	spop (v2sf);
	[tilespmem:s24+$0x10000] =	vst v15;
	s26 =	simm.s32 $0x20;
	p0 =	slt.s32 s29, $0x5FC0  }
0x238: {  	[tilespmem:s24+$0x10010] =	vst v16;
	p1 =	sgt.s32 s30, $0x0;
	s26 =	simm.s32 @!p0 $0x0  }
0x239: {  	[tilespmem:s29+$0x10000] =	vst v48;
	s26 =	simm.s32 @!p1 $0x0  }
0x23a: {  	[tilespmem:s29+$0x10010] =	vst v18;
	s23 =	sadd.s32 s29, s26  }
0x23b: {  	[tilespmem:s23+$0x10000] =	vst v51  }
0x23c: {  	[tilespmem:s23+$0x10010] =	vst v20  }
0x23d: {  	v21 =	vld [tilespmem:s22+$0x8100]  }
0x23e: {  	v22 =	vld [tilespmem:s22+$0x8110];
	_ =	sdelay $0x2  }
0x23f: {  	vm10 =	vgt.f32 v51, v4;
	vm11 =	vgt.f32 v20, v4  }
0x240: {  	vm0 =	vmor vm10, vm11;
	v23 =	vld [tilespmem:s22+$0x8120]  }
0x241: {  	v24 =	vmpcnt.ones.xlane vm0;
	v25 =	vld [tilespmem:s22+$0x8130];
	vm12 =	vgt.f32 v21, v4;
	vm13 =	vgt.f32 v22, v4  }
0x242: {  	vm0 =	vmor vm12, vm13  }
0x243: {  	(v2sf) =	vpush v24, $0x0;
	v52 =	vmpcnt.ones.xlane vm0  }
0x244: {  	v26 =	vld [tilespmem:s22+$0x8140]  }
0x245: {  	v27 =	vld [tilespmem:s22+$0x8150];
	(v2sf) =	vpush v52, $0x0  }
0x246: {  	vm14 =	vgt.f32 v23, v4;
	vm15 =	vgt.f32 v25, v4  }
0x247: {  	vm0 =	vmor vm14, vm15  }
0x248: {  	v53 =	vmpcnt.ones.xlane vm0;
	_ =	sdelay $0x1  }
0x249: {  	vm4 =	vgt.f32 v26, v4;
	vm5 =	vgt.f32 v27, v4;
	(v2sf) =	vpush v53, $0x0  }
0x24a: {  	vm0 =	vmor vm4, vm5  }
0x24b: {  	v54 =	vmpcnt.ones.xlane vm0;
	_ =	sdelay $0x1  }
0x24c: {  	(v2sf) =	vpush v54, $0x0;
	_ =	sdelay $0x3  }
0x24d: {  	s25 =	simm.s32 $0x20;
	s31 =	spop (v2sf);
	p0 =	slt.s32 s23, $0x5FC0  }
0x24e: {  	p1 =	sgt.s32 s31, $0x0;
	s25 =	simm.s32 @!p0 $0x0  }
0x24f: {  	s25 =	simm.s32 @!p1 $0x0;
	s26 =	spop (v2sf)  }
0x250: {  	s24 =	simm.s32 $0x20;
	s23 =	sadd.s32 s23, s25;
	p0 =	sgt.s32 s26, $0x0  }
0x251: {  	p1 =	slt.s32 s23, $0x5FC0;
	s24 =	simm.s32 @!p0 $0x0  }
0x252: {  	s24 =	simm.s32 @!p1 $0x0  }
0x253: {  	s24 =	sadd.s32 s23, s24  }
0x254: {  	s28 =	spop (v2sf);
	s26 =	simm.s32 $0x20;
	p0 =	slt.s32 s24, $0x5FC0  }
0x255: {  	v55 =	vld [tilespmem:s22+$0x8160];
	p1 =	sgt.s32 s28, $0x0;
	s26 =	simm.s32 @!p0 $0x0  }
0x256: {  	v28 =	vld [tilespmem:s22+$0x8170];
	[tilespmem:s23+$0x10000] =	vst v21;
	s26 =	simm.s32 @!p1 $0x0  }
0x257: {  	[tilespmem:s23+$0x10010] =	vst v22;
	s29 =	sadd.s32 s24, s26  }
0x258: {  	s30 =	spop (v2sf);
	[tilespmem:s24+$0x10000] =	vst v23;
	s26 =	simm.s32 $0x20;
	p0 =	slt.s32 s29, $0x5FC0  }
0x259: {  	[tilespmem:s24+$0x10010] =	vst v25;
	p1 =	sgt.s32 s30, $0x0;
	s26 =	simm.s32 @!p0 $0x0  }
0x25a: {  	[tilespmem:s29+$0x10000] =	vst v26;
	s26 =	simm.s32 @!p1 $0x0  }
0x25b: {  	[tilespmem:s29+$0x10010] =	vst v27;
	s23 =	sadd.s32 s29, s26  }
0x25c: {  	[tilespmem:s23+$0x10000] =	vst v55  }
0x25d: {  	[tilespmem:s23+$0x10010] =	vst v28  }
0x25e: {  	v29 =	vld [tilespmem:s22+$0x8180]  }
0x25f: {  	v30 =	vld [tilespmem:s22+$0x8190];
	_ =	sdelay $0x2  }
0x260: {  	vm6 =	vgt.f32 v55, v4;
	vm7 =	vgt.f32 v28, v4  }
0x261: {  	vm0 =	vmor vm6, vm7;
	v31 =	vld [tilespmem:s22+$0x81A0]  }
0x262: {  	v32 =	vmpcnt.ones.xlane vm0;
	v33 =	vld [tilespmem:s22+$0x81B0];
	vm8 =	vgt.f32 v29, v4;
	vm9 =	vgt.f32 v30, v4  }
0x263: {  	vm0 =	vmor vm8, vm9  }
0x264: {  	(v2sf) =	vpush v32, $0x0;
	v56 =	vmpcnt.ones.xlane vm0  }
0x265: {  	v34 =	vld [tilespmem:s22+$0x81C0]  }
0x266: {  	v35 =	vld [tilespmem:s22+$0x81D0];
	(v2sf) =	vpush v56, $0x0  }
0x267: {  	vm10 =	vgt.f32 v31, v4;
	vm11 =	vgt.f32 v33, v4  }
0x268: {  	vm0 =	vmor vm10, vm11  }
0x269: {  	v36 =	vmpcnt.ones.xlane vm0;
	_ =	sdelay $0x1  }
0x26a: {  	vm12 =	vgt.f32 v34, v4;
	vm13 =	vgt.f32 v35, v4;
	(v2sf) =	vpush v36, $0x0  }
0x26b: {  	v57 =	vld [tilespmem:s22+$0x81E0];
	vm0 =	vmor vm12, vm13  }
0x26c: {  	v5 =	vmax.f32 v5, v6;
	v37 =	vld [tilespmem:s22+$0x81F0];
	v6 =	vmpcnt.ones.xlane vm0;
	_ =	sdelay $0x1  }
0x26d: {  	(v2sf) =	vpush v6, $0x0;
	_ =	sdelay $0x2  }
0x26e: {  	v58 =	vmax.f32 v9, v10;
	vm14 =	vgt.f32 v57, v4;
	vm15 =	vgt.f32 v37, v4  }
0x26f: {  	v59 =	vmax.f32 v47, v12;
	v7 =	vmax.f32 v7, v8;
	s31 =	spop (v2sf);
	s24 =	simm.s32 $0x20;
	p0 =	slt.s32 s23, $0x5FC0;
	vm0 =	vmor vm14, vm15  }
0x270: {  	v60 =	vmax.f32 v48, v18;
	v61 =	vmax.f32 v51, v20;
	p1 =	sgt.s32 s31, $0x0;
	s24 =	simm.s32 @!p0 $0x0;
	v6 =	vmpcnt.ones.xlane vm0  }
0x271: {  	s24 =	simm.s32 @!p1 $0x0;
	v4 =	vmax.f32 v5, v7;
	v5 =	vmax.f32 v58, v59;
	v7 =	vmax.f32 v15, v16;
	s25 =	spop (v2sf)  }
0x272: {  	s22 =	simm.s32 $0x20;
	s23 =	sadd.s32 s23, s24;
	v4 =	vmax.f32 v4, v5;
	v5 =	vmax.f32 v13, v14;
	(v2sf) =	vpush v6, $0x0;
	p0 =	sgt.s32 s25, $0x0  }
0x273: {  	p1 =	slt.s32 s23, $0x5FC0;
	v62 =	vmax.f32 v34, v35;
	v5 =	vmax.f32 v5, v7;
	v7 =	vmax.f32 v60, v61;
	s22 =	simm.s32 @!p0 $0x0  }
0x274: {  	v63 =	vmax.f32 v57, v37;
	v3 =	vmax.f32 v3, v4;
	v4 =	vmax.f32 v5, v7;
	s22 =	simm.s32 @!p1 $0x0  }
0x275: {  	v5 =	vmax.f32 v23, v25;
	v3 =	vmax.f32 v3, v4;
	v4 =	vmax.f32 v21, v22;
	s22 =	sadd.s32 s23, s22  }
0x276: {  	v7 =	vmax.f32 v55, v28;
	v4 =	vmax.f32 v4, v5;
	v6 =	vmax.f32 v26, v27;
	s26 =	spop (v2sf);
	s25 =	simm.s32 $0x20;
	p0 =	slt.s32 s22, $0x5FC0  }
0x277: {  	v5 =	vmax.f32 v6, v7;
	v6 =	vmax.f32 v29, v30;
	v7 =	vmax.f32 v31, v33;
	p1 =	sgt.s32 s26, $0x0;
	s25 =	simm.s32 @!p0 $0x0  }
0x278: {  	v4 =	vmax.f32 v4, v5;
	v5 =	vmax.f32 v6, v7;
	v6 =	vmax.f32 v62, v63;
	s25 =	simm.s32 @!p1 $0x0  }
0x279: {  	v3 =	vmax.f32 v3, v4;
	v4 =	vmax.f32 v5, v6;
	s28 =	sadd.s32 s22, s25  }
0x27a: {  	v3 =	vmax.f32 v3, v4;
	s29 =	spop (v2sf);
	s26 =	simm.s32 $0x20;
	p0 =	slt.s32 s28, $0x5FC0  }
0x27b: {  	(xrf0) =	vmax.scan.msk.f32 $0xffff, v3;
	p1 =	sgt.s32 s29, $0x0;
	s26 =	simm.s32 @!p0 $0x0  }
0x27c: {  	s26 =	simm.s32 @!p1 $0x0  }
0x27d: {  	[tilespmem:s23+$0x10000] =	vst v29;
	s30 =	sadd.s32 s28, s26  }
0x27e: {  	[tilespmem:s23+$0x10010] =	vst v30;
	s25 =	simm.s32 $0x20;
	p0 =	slt.s32 s30, $0x5FC0  }
0x27f: {  	[tilespmem:s22+$0x10000] =	vst v31;
	s25 =	simm.s32 @!p0 $0x0;
	p0 =	sne.s32 s21, $0x1F800  }
.Ltmp17:
0x280: {  	[tilespmem:s22+$0x10010] =	vst v33;
	(pc) =	sbr.rel @p0 .LBB2_27-.Ltmp17, $4  }
0x281: {  	v4, _, _ =	vpop (xrf0);
	s31 =	spop (v2sf);
	[tilespmem:s28+$0x10000] =	vst v34  }
0x282: {  	v5 =	vadd.f32 $-1.000000000e+00, v4;
	[tilespmem:s28+$0x10010] =	vst v35;
	p1 =	sgt.s32 s31, $0x0  }
0x283: {  	[tilespmem:s30+$0x10000] =	vst v57;
	s25 =	simm.s32 @!p1 $0x0  }
0x284: {  	v4 =	vmov v2;
	v2 =	vbroadcast v5, $0xF;
	[tilespmem:s30+$0x10010] =	vst v37;
	s21 =	sadd.s32 $0x800, s21;
	s23 =	sadd.s32 s30, s25  }
0x285: {  	s24 =	sshra.s32 s23, $0x4  }
0x286: {  	p0 =	slt.s32 s24, $0x1  }
.Ltmp18:
0x287: {  	_ = 	snop;
	(pc) =	sbr.rel @p0 .LBB2_35-.Ltmp18, $2  }
0x288: {  	_ =	sdelay $0x2  }
0x289: {  	s21 =	simm.s32 $0x0;
	s22 =	simm.s32 $0x10000;
	s25 =	simm.s32 $0x0  }
0x28a: {  	p1 =	sne.s32 s24, $0x1  }
.Ltmp19:
0x28b: {  	_ = 	snop;
	(pc) =	sbr.rel @!p1 .LBB2_30-.Ltmp19, $2  }
0x28c: {  	_ =	sdelay $0x2  }
0x28d: {  	v3 =	vld [tilespmem:s22+$0x0];
	s25 =	sadd.s32 $0xFFFFFFFF, s24;
	p0 =	por $0x0, $0x0  }
0x28e: {  	_ =	sdelay $0x3  }
0x28f: {  	vm0 =	vgt.f32 v3, v2  }
0x290: {  	v4 =	vmpcnt.ones.xlane vm0;
	_ =	sdelay $0x1  }
0x291: {  	(v2sf) =	vpush v4, $0x0;
	_ =	sdelay $0x2  }
0x292: {  	p1 =	sne.s32 s25, $0x1  }
.Ltmp20:
0x293: {  	_ = 	snop;
	(pc) =	sbr.rel @!p1 .LBB2_32-.Ltmp20, $3  }
0x294: {  	_ =	sdelay $0x1  }
0x295: {  	s24 =	sadd.s32 $0x10, s22;
	[tilespmem:s21+$0x16000] =	vst.msk vm0, v3  }
0x296: {  	s25 =	sadd.s32 $0xFFFFFFFF, s25;
	p0 =	por $0x1, $0x1;
	s22 =	simm.s32 $0x0;
	v3 =	vld [tilespmem:s24+$0x0]  }
.LBB2_33:
0x297: {  	p1 =	sne.s32 s25, $0x1;
	_ =	sdelay $0x3  }
0x298: {  	vm0 =	vgt.f32 v3, v2  }
0x299: {  	v4 =	vmpcnt.ones.xlane vm0  }
0x29a: {  	s26 =	spop (v2sf)  }
0x29b: {  	(v2sf) =	vpush v4, $0x0;
	s22 =	sadd.s32 s22, s26  }
0x29c: {  	[tilespmem:s22+$0x16000] =	vst.msk vm0, v3;
	_ =	sdelay $0x2  }
.Ltmp21:
0x29d: {  	(pc) =	sbr.rel @p1 .LBB2_33-.Ltmp21, $3  }
0x29e: {  	_ =	sdelay $0x1  }
0x29f: {  	s24 =	sadd.s32 $0x10, s24  }
0x2a0: {  	s25 =	sadd.s32 $0xFFFFFFFF, s25;
	v3 =	vld [tilespmem:s24+$0x0]  }
.LBB2_34:
0x2a1: {  	_ =	sdelay $0x3  }
0x2a2: {  	vm0 =	vgt.f32 v3, v2  }
0x2a3: {  	v4 =	vmpcnt.ones.xlane vm0;
	_ =	sdelay $0x1  }
0x2a4: {  	(v2sf) =	vpush v4, $0x0;
	_ =	sdelay $0xc  }
0x2a5: {  	s24 =	spop @p0 (v2sf)  }
0x2a6: {  	s22 =	sadd.s32 @p0 s22, s24;
	s24 =	simm.s32 $0x0  }
0x2a7: {  	s24 =	smov.u32 @p0 s22;
	s31 =	spop (v2sf)  }
0x2a8: {  	[tilespmem:s24+$0x16000] =	vst.msk vm0, v3;
	s25 =	sadd.s32 s24, s31  }
.LBB2_35:
.Ltmp22:
0x2a9: {  	(pc) =	sbr.rel .LBB2_36-.Ltmp22, $4  }
0x2aa: {  	_ = 	snop  }
0x2ab: {  	s22 =	sadd.s32 $0xF, s25  }
0x2ac: {  	s22 =	sshra.s32 s22, $0x4  }
0x2ad: {  	[tilespmem:s25+$0x16000] =	vst v0;
	p0 =	sgt.s32 s23, $0x5FDF;
	p1 =	sgt.s32 s22, $0x0  }
.LBB2_43:
0x2ae: {  	v5 =	vnsel vm0, $0x0, v5;
	v6 =	vsel vm0, $0x1, v1  }
0x2af: {  	v3 =	vadd.f32 v5, v3;
	v4 =	vadd.s32 v6, v4  }
.LBB2_44:
0x2b0: {  	v4 =	vcvt.s32.f32 v4  }
0x2b1: {  	(xrf2) =	vadd.scan.msk.f32 $0xffff, v3  }
0x2b2: {  	(xrf2) =	vadd.scan.msk.f32 $0xffff, v4;
	_ =	sdelay $0x8  }
0x2b3: {  	v3, _, _ =	vpop (xrf2)  }
0x2b4: {  	v4, _, _ =	vpop (xrf2)  }
0x2b5: {  	v4 =	vmax.f32 v4, $1.000000000e+00  }
0x2b6: {  	v4 =	vbroadcast v4, $0xF;
	_ =	sdelay $0x1  }
0x2b7: {  	(erf) = vrcp.f32 v4;
	_ =	sdelay $0x5  }
0x2b8: {  	s21 =	sadd.s32 $0x1, s21;
	v3 =	vadd.f32 $-1.000000000e+00, v3  }
0x2b9: {  	p2 =	sne.s32 s21, $0xA  }
.Ltmp23:
0x2ba: {  	v3 =	vbroadcast v3, $0xF;
	(pc) =	sbr.rel @!p2 .LBB2_45-.Ltmp23, $3  }
0x2bb: {  	v4 =	vpop (erf)  }
0x2bc: {  	v3 =	vmul.f32 v4, v3;
	_ =	sdelay $0x1  }
0x2bd: {  	v2 =	vmax.f32 v2, v3  }
.LBB2_36:
.Ltmp24:
0x2be: {  	(pc) =	sbr.rel @!p0 .LBB2_40-.Ltmp24, $2  }
0x2bf: {  	_ =	sdelay $0x2  }
0x2c0: {  	v3 =	vimm.f32 $0.0e+00;
	v4 =	vimm.s32 $0x0  }
0x2c1: {  	s24 =	simm.s32 $0x0  }
0x2c2: {  	v5 =	vld [tilespmem:s24+$0x8000]  }
0x2c3: {  	s23 =	simm.s32 $0x40  }
.LBB2_38:
0x2c4: {  	p2 =	seq.s32 s23, $0x1FFC0  }
.Ltmp25:
0x2c5: {  	_ = 	snop;
	(pc) =	sbr.rel @!p2 .LBB2_38-.Ltmp25, $4  }
0x2c6: {  	_ = 	snop  }
0x2c7: {  	s24 =	sshra.s32 s23, $0x2;
	s23 =	sadd.s32 $0x40, s23;
	vm0 =	vgt.f32 v5, v2  }
0x2c8: {  	v6 =	vnsel vm0, $0x0, v5;
	v5 =	vld [tilespmem:s24+$0x8000];
	v7 =	vsel vm0, $0x1, v1  }
0x2c9: {  	v3 =	vadd.f32 v6, v3;
	v4 =	vadd.s32 v7, v4  }
0x2ca: {  	_ = 	snop  }
.Ltmp26:
0x2cb: {  	_ = 	snop;
	(pc) =	sbr.rel .LBB2_44-.Ltmp26, $4  }
0x2cc: {  	_ = 	snop  }
0x2cd: {  	vm0 =	vgt.f32 v5, v2  }
0x2ce: {  	v5 =	vnsel vm0, $0x0, v5;
	v6 =	vsel vm0, $0x1, v1  }
0x2cf: {  	v3 =	vadd.f32 v5, v3;
	v4 =	vadd.s32 v6, v4  }
.LBB2_40:
.Ltmp27:
0x2d0: {  	(pc) =	sbr.rel @!p1 .LBB2_44-.Ltmp27, $2  }
0x2d1: {  	_ =	sdelay $0x2  }
0x2d2: {  	s24 =	simm.s32 $0x16000  }
0x2d3: {  	v5 =	vld [tilespmem:s24+$0x0];
	p2 =	sne.s32 s22, $0x1  }
.Ltmp28:
0x2d4: {  	_ = 	snop;
	(pc) =	sbr.rel @!p2 .LBB2_43-.Ltmp28, $2  }
0x2d5: {  	_ =	sdelay $0x2  }
0x2d6: {  	s23 =	sadd.s32 $0xFFFFFFFF, s22;
	s24 =	sadd.s32 $0x10, s24;
	vm0 =	vgt.f32 v5, v2  }
.LBB2_42:
0x2d7: {  	p2 =	sne.s32 s23, $0x1;
	s23 =	sadd.s32 $0xFFFFFFFF, s23;
	v6 =	vnsel vm0, $0x0, v5;
	v5 =	vld [tilespmem:s24+$0x0];
	v7 =	vsel vm0, $0x1, v1  }
.Ltmp29:
0x2d8: {  	v3 =	vadd.f32 v6, v3;
	v4 =	vadd.s32 v7, v4;
	(pc) =	sbr.rel @p2 .LBB2_42-.Ltmp29, $2  }
0x2d9: {  	_ =	sdelay $0x2  }
0x2da: {  	s24 =	sadd.s32 $0x10, s24;
	vm0 =	vgt.f32 v5, v2  }
.Ltmp30:
0x2db: {  	_ = 	snop;
	(pc) =	sbr.rel .LBB2_43-.Ltmp30, $1  }
0x2dc: {  	_ =	sdelay $0x3  }
.LBB2_45:
0x2dd: {  	s21 =	simm.s32 $0x8080  }
0x2de: {  	v3 =	vld [tilespmem:s21+$0x70]  }
0x2df: {  	v4 =	vld [tilespmem:s21+$0xFFFFFF90]  }
0x2e0: {  	v5 =	vld [tilespmem:s21+$0xFFFFFFA0]  }
0x2e1: {  	v6 =	vld [tilespmem:s21+$0xFFFFFFB0]  }
0x2e2: {  	v7 =	vld [tilespmem:s21+$0xFFFFFFC0]  }
0x2e3: {  	v8 =	vld [tilespmem:s21+$0xFFFFFFD0]  }
0x2e4: {  	v9 =	vld [tilespmem:s21+$0xFFFFFFE0];
	v3 =	vsub.f32 v3, v2  }
0x2e5: {  	v11 =	vld [tilespmem:s21+$0xFFFFFFF0];
	v4 =	vsub.f32 v4, v2  }
0x2e6: {  	v5 =	vsub.f32 v5, v2;
	v3 =	vmax.f32 v3, $0.0e+00  }
0x2e7: {  	v10 =	vld [tilespmem:s21+$0x0];
	v6 =	vsub.f32 v6, v2;
	v4 =	vmax.f32 v4, $0.0e+00;
	[tilespmem:s21+$0x70] =	vst v3  }
0x2e8: {  	[tilespmem:s21+$0xFFFFFF90] =	vst v4;
	v3 =	vmax.f32 v5, $0.0e+00;
	v4 =	vsub.f32 v7, v2;
	v7 =	vld [tilespmem:s21+$0x10]  }
0x2e9: {  	v12 =	vld [tilespmem:s21+$0x20];
	v5 =	vsub.f32 v8, v2;
	[tilespmem:s21+$0xFFFFFFA0] =	vst v3;
	v3 =	vmax.f32 v6, $0.0e+00  }
0x2ea: {  	v8 =	vsub.f32 v11, v2;
	v6 =	vsub.f32 v9, v2;
	[tilespmem:s21+$0xFFFFFFB0] =	vst v3;
	v3 =	vmax.f32 v4, $0.0e+00;
	v4 =	vld [tilespmem:s21+$0x30]  }
0x2eb: {  	[tilespmem:s21+$0xFFFFFFC0] =	vst v3;
	v3 =	vmax.f32 v5, $0.0e+00;
	v5 =	vld [tilespmem:s21+$0x40]  }
0x2ec: {  	v9 =	vsub.f32 v10, v2;
	v10 =	vmax.f32 v8, $0.0e+00;
	[tilespmem:s21+$0xFFFFFFD0] =	vst v3;
	v3 =	vmax.f32 v6, $0.0e+00;
	v6 =	vld [tilespmem:s21+$0x50]  }
0x2ed: {  	[tilespmem:s21+$0xFFFFFFF0] =	vst v10;
	v8 =	vsub.f32 v7, v2;
	v7 =	vld [tilespmem:s21+$0x60]  }
0x2ee: {  	s22 =	simm.s32 $0x0;
	s23 =	simm.s32 $0x8180;
	v10 =	vmax.f32 v9, $0.0e+00;
	v9 =	vsub.f32 v12, v2;
	[tilespmem:s21+$0xFFFFFFE0] =	vst v3;
	v3 =	vld [tilespmem:s21+$0xFFFFFF80]  }
.LBB2_46:
0x2ef: {  	v11 =	vld [tilespmem:s23+$0x70];
	s22 =	sadd.s32 $0x2, s22;
	[tilespmem:s21+$0x0] =	vst v10;
	v8 =	vmax.f32 v8, $0.0e+00;
	v4 =	vsub.f32 v4, v2  }
0x2f0: {  	v10 =	vld [tilespmem:s23+$0xFFFFFF90];
	p0 =	slt.u32 s22, $0x7E;
	[tilespmem:s21+$0x10] =	vst v8;
	v8 =	vmax.f32 v9, $0.0e+00;
	v5 =	vsub.f32 v5, v2  }
0x2f1: {  	v9 =	vld [tilespmem:s23+$0xFFFFFFA0];
	[tilespmem:s21+$0x20] =	vst v8;
	v4 =	vmax.f32 v4, $0.0e+00;
	v6 =	vsub.f32 v6, v2  }
0x2f2: {  	v8 =	vld [tilespmem:s23+$0xFFFFFFB0];
	[tilespmem:s21+$0x30] =	vst v4;
	v4 =	vmax.f32 v5, $0.0e+00;
	v5 =	vsub.f32 v7, v2  }
0x2f3: {  	v7 =	vld [tilespmem:s23+$0xFFFFFFC0];
	v3 =	vsub.f32 v3, v2;
	[tilespmem:s21+$0x40] =	vst v4;
	v4 =	vmax.f32 v6, $0.0e+00  }
0x2f4: {  	v6 =	vld [tilespmem:s23+$0xFFFFFFD0];
	v11 =	vsub.f32 v11, v2;
	[tilespmem:s21+$0x50] =	vst v4;
	v4 =	vmax.f32 v5, $0.0e+00  }
0x2f5: {  	v5 =	vsub.f32 v10, v2;
	v10 =	vld [tilespmem:s23+$0xFFFFFFE0];
	v3 =	vmax.f32 v3, $0.0e+00;
	[tilespmem:s21+$0x60] =	vst v4  }
0x2f6: {  	v4 =	vsub.f32 v9, v2;
	v9 =	vld [tilespmem:s23+$0xFFFFFFF0];
	v11 =	vmax.f32 v11, $0.0e+00;
	[tilespmem:s21+$0xFFFFFF80] =	vst v3;
	s21 =	smov.u32 s23  }
0x2f7: {  	v3 =	vmax.f32 v5, $0.0e+00;
	v5 =	vsub.f32 v8, v2;
	v8 =	vld [tilespmem:s23+$0x0];
	[tilespmem:s23+$0x70] =	vst v11  }
0x2f8: {  	[tilespmem:s23+$0xFFFFFF90] =	vst v3;
	v3 =	vmax.f32 v4, $0.0e+00;
	v4 =	vsub.f32 v7, v2;
	v7 =	vld [tilespmem:s23+$0x10]  }
0x2f9: {  	[tilespmem:s23+$0xFFFFFFA0] =	vst v3;
	v3 =	vmax.f32 v5, $0.0e+00;
	v5 =	vsub.f32 v6, v2;
	v11 =	vld [tilespmem:s23+$0x20]  }
.Ltmp31:
0x2fa: {  	[tilespmem:s23+$0xFFFFFFB0] =	vst v3;
	v3 =	vmax.f32 v4, $0.0e+00;
	v6 =	vsub.f32 v10, v2;
	v4 =	vld [tilespmem:s23+$0x30];
	(pc) =	sbr.rel @p0 .LBB2_46-.Ltmp31, $4  }
0x2fb: {  	[tilespmem:s23+$0xFFFFFFC0] =	vst v3;
	v3 =	vmax.f32 v5, $0.0e+00;
	v9 =	vsub.f32 v9, v2;
	v5 =	vld [tilespmem:s23+$0x40]  }
0x2fc: {  	[tilespmem:s23+$0xFFFFFFD0] =	vst v3;
	v3 =	vmax.f32 v6, $0.0e+00;
	v10 =	vsub.f32 v8, v2;
	v6 =	vld [tilespmem:s23+$0x50]  }
0x2fd: {  	[tilespmem:s23+$0xFFFFFFE0] =	vst v3;
	v9 =	vmax.f32 v9, $0.0e+00;
	v8 =	vsub.f32 v7, v2;
	v7 =	vld [tilespmem:s23+$0x60]  }
0x2fe: {  	s23 =	sadd.s32 $0x100, s23;
	v3 =	vld [tilespmem:s21+$0xFFFFFF80];
	[tilespmem:s21+$0xFFFFFFF0] =	vst v9;
	v10 =	vmax.f32 v10, $0.0e+00;
	v9 =	vsub.f32 v11, v2  }
0x2ff: {  	[tilespmem:s21+$0x0] =	vst v10;
	v8 =	vmax.f32 v8, $0.0e+00;
	v4 =	vsub.f32 v4, v2  }
0x300: {  	[tilespmem:s21+$0x10] =	vst v8;
	v8 =	vmax.f32 v9, $0.0e+00;
	v5 =	vsub.f32 v5, v2  }
0x301: {  	[tilespmem:s21+$0x20] =	vst v8;
	v4 =	vmax.f32 v4, $0.0e+00;
	v6 =	vsub.f32 v6, v2  }
0x302: {  	[tilespmem:s21+$0x30] =	vst v4;
	v4 =	vmax.f32 v5, $0.0e+00;
	v5 =	vsub.f32 v7, v2  }
0x303: {  	v3 =	vsub.f32 v3, v2;
	[tilespmem:s21+$0x40] =	vst v4;
	v4 =	vmax.f32 v6, $0.0e+00  }
0x304: {  	[tilespmem:s21+$0x50] =	vst v4;
	v4 =	vmax.f32 v5, $0.0e+00  }
0x305: {  	v3 =	vmax.f32 v3, $0.0e+00;
	[tilespmem:s21+$0x60] =	vst v4  }
0x306: {  	[tilespmem:s21+$0xFFFFFF80] =	vst v3;
	s21 =	simm.s32 $0xC0F0  }
0x307: {  	[hbm4b:s8+s11] =	stream.strided.scatter [tilespmem:s14], [sflag:$0x3], $0x4000, s12, s11, $0x38;
	[tilespmem:$0x1C000] =	vst v63  }
0x308: {  	v3 =	vld [tilespmem:s21+$0x0]  }
0x309: {  	v4 =	vld [tilespmem:s21+$0xFFFFFF20]  }
0x30a: {  	v5 =	vld [tilespmem:s21+$0xFFFFFF30]  }
0x30b: {  	v6 =	vld [tilespmem:s21+$0xFFFFFF40]  }
0x30c: {  	v7 =	vld [tilespmem:s21+$0xFFFFFF50]  }
0x30d: {  	v8 =	vld [tilespmem:s21+$0xFFFFFF60]  }
0x30e: {  	v9 =	vld [tilespmem:s21+$0xFFFFFF70];
	v3 =	vsub.f32 v3, v2  }
0x30f: {  	v11 =	vld [tilespmem:s21+$0xFFFFFF80];
	v4 =	vsub.f32 v4, v2  }
0x310: {  	v5 =	vsub.f32 v5, v2;
	v3 =	vmax.f32 v3, $0.0e+00  }
0x311: {  	v10 =	vld [tilespmem:s21+$0xFFFFFF90];
	v6 =	vsub.f32 v6, v2;
	v4 =	vmax.f32 v4, $0.0e+00;
	[tilespmem:s21+$0x0] =	vst v3  }
0x312: {  	[tilespmem:s21+$0xFFFFFF20] =	vst v4;
	v3 =	vmax.f32 v5, $0.0e+00;
	v4 =	vsub.f32 v7, v2;
	v7 =	vld [tilespmem:s21+$0xFFFFFFA0]  }
0x313: {  	v12 =	vld [tilespmem:s21+$0xFFFFFFB0];
	v5 =	vsub.f32 v8, v2;
	[tilespmem:s21+$0xFFFFFF30] =	vst v3;
	v3 =	vmax.f32 v6, $0.0e+00  }
0x314: {  	v8 =	vsub.f32 v11, v2;
	v6 =	vsub.f32 v9, v2;
	[tilespmem:s21+$0xFFFFFF40] =	vst v3;
	v3 =	vmax.f32 v4, $0.0e+00;
	v4 =	vld [tilespmem:s21+$0xFFFFFFC0]  }
0x315: {  	[tilespmem:s21+$0xFFFFFF50] =	vst v3;
	v3 =	vmax.f32 v5, $0.0e+00;
	v5 =	vld [tilespmem:s21+$0xFFFFFFD0]  }
0x316: {  	v9 =	vsub.f32 v10, v2;
	v10 =	vmax.f32 v8, $0.0e+00;
	[tilespmem:s21+$0xFFFFFF60] =	vst v3;
	v3 =	vmax.f32 v6, $0.0e+00;
	v6 =	vld [tilespmem:s21+$0xFFFFFFE0]  }
0x317: {  	[tilespmem:s21+$0xFFFFFF80] =	vst v10;
	v8 =	vsub.f32 v7, v2;
	v7 =	vld [tilespmem:s21+$0xFFFFFFF0]  }
0x318: {  	s22 =	simm.s32 $0x80;
	s23 =	simm.s32 $0xC1F0;
	v10 =	vmax.f32 v9, $0.0e+00;
	v9 =	vsub.f32 v12, v2;
	[tilespmem:s21+$0xFFFFFF70] =	vst v3;
	v3 =	vld [tilespmem:s21+$0xFFFFFF10]  }
.LBB2_48:
0x319: {  	v11 =	vld [tilespmem:s23+$0x0];
	s22 =	sadd.s32 $0x2, s22;
	[tilespmem:s21+$0xFFFFFF90] =	vst v10;
	v8 =	vmax.f32 v8, $0.0e+00;
	v4 =	vsub.f32 v4, v2  }
0x31a: {  	v10 =	vld [tilespmem:s23+$0xFFFFFF20];
	p0 =	slt.u32 s22, $0xFE;
	[tilespmem:s21+$0xFFFFFFA0] =	vst v8;
	v8 =	vmax.f32 v9, $0.0e+00;
	v5 =	vsub.f32 v5, v2  }
0x31b: {  	v9 =	vld [tilespmem:s23+$0xFFFFFF30];
	[tilespmem:s21+$0xFFFFFFB0] =	vst v8;
	v4 =	vmax.f32 v4, $0.0e+00;
	v6 =	vsub.f32 v6, v2  }
0x31c: {  	v8 =	vld [tilespmem:s23+$0xFFFFFF40];
	[tilespmem:s21+$0xFFFFFFC0] =	vst v4;
	v4 =	vmax.f32 v5, $0.0e+00;
	v5 =	vsub.f32 v7, v2  }
0x31d: {  	v7 =	vld [tilespmem:s23+$0xFFFFFF50];
	v3 =	vsub.f32 v3, v2;
	[tilespmem:s21+$0xFFFFFFD0] =	vst v4;
	v4 =	vmax.f32 v6, $0.0e+00  }
0x31e: {  	v6 =	vld [tilespmem:s23+$0xFFFFFF60];
	v11 =	vsub.f32 v11, v2;
	[tilespmem:s21+$0xFFFFFFE0] =	vst v4;
	v4 =	vmax.f32 v5, $0.0e+00  }
0x31f: {  	v5 =	vsub.f32 v10, v2;
	v10 =	vld [tilespmem:s23+$0xFFFFFF70];
	v3 =	vmax.f32 v3, $0.0e+00;
	[tilespmem:s21+$0xFFFFFFF0] =	vst v4  }
0x320: {  	v4 =	vsub.f32 v9, v2;
	v9 =	vld [tilespmem:s23+$0xFFFFFF80];
	v11 =	vmax.f32 v11, $0.0e+00;
	[tilespmem:s21+$0xFFFFFF10] =	vst v3;
	s21 =	smov.u32 s23  }
0x321: {  	v3 =	vmax.f32 v5, $0.0e+00;
	v5 =	vsub.f32 v8, v2;
	v8 =	vld [tilespmem:s23+$0xFFFFFF90];
	[tilespmem:s23+$0x0] =	vst v11  }
0x322: {  	[tilespmem:s23+$0xFFFFFF20] =	vst v3;
	v3 =	vmax.f32 v4, $0.0e+00;
	v4 =	vsub.f32 v7, v2;
	v7 =	vld [tilespmem:s23+$0xFFFFFFA0]  }
0x323: {  	[tilespmem:s23+$0xFFFFFF30] =	vst v3;
	v3 =	vmax.f32 v5, $0.0e+00;
	v5 =	vsub.f32 v6, v2;
	v11 =	vld [tilespmem:s23+$0xFFFFFFB0]  }
.Ltmp32:
0x324: {  	[tilespmem:s23+$0xFFFFFF40] =	vst v3;
	v3 =	vmax.f32 v4, $0.0e+00;
	v6 =	vsub.f32 v10, v2;
	v4 =	vld [tilespmem:s23+$0xFFFFFFC0];
	(pc) =	sbr.rel @p0 .LBB2_48-.Ltmp32, $4  }
0x325: {  	[tilespmem:s23+$0xFFFFFF50] =	vst v3;
	v3 =	vmax.f32 v5, $0.0e+00;
	v9 =	vsub.f32 v9, v2;
	v5 =	vld [tilespmem:s23+$0xFFFFFFD0]  }
0x326: {  	[tilespmem:s23+$0xFFFFFF60] =	vst v3;
	v3 =	vmax.f32 v6, $0.0e+00;
	v10 =	vsub.f32 v8, v2;
	v6 =	vld [tilespmem:s23+$0xFFFFFFE0]  }
0x327: {  	[tilespmem:s23+$0xFFFFFF70] =	vst v3;
	v9 =	vmax.f32 v9, $0.0e+00;
	v8 =	vsub.f32 v7, v2;
	v7 =	vld [tilespmem:s23+$0xFFFFFFF0]  }
0x328: {  	s23 =	sadd.s32 $0x100, s23;
	v3 =	vld [tilespmem:s21+$0xFFFFFF10];
	[tilespmem:s21+$0xFFFFFF80] =	vst v9;
	v10 =	vmax.f32 v10, $0.0e+00;
	v9 =	vsub.f32 v11, v2  }
0x329: {  	[tilespmem:s21+$0xFFFFFF90] =	vst v10;
	v8 =	vmax.f32 v8, $0.0e+00;
	v4 =	vsub.f32 v4, v2  }
0x32a: {  	[tilespmem:s21+$0xFFFFFFA0] =	vst v8;
	v61 =	vmax.f32 v9, $0.0e+00;
	v5 =	vsub.f32 v5, v2  }
0x32b: {  	[tilespmem:s21+$0xFFFFFFB0] =	vst v61;
	v4 =	vmax.f32 v4, $0.0e+00;
	v6 =	vsub.f32 v6, v2  }
0x32c: {  	[tilespmem:s21+$0xFFFFFFC0] =	vst v4;
	v62 =	vmax.f32 v5, $0.0e+00;
	v63 =	vsub.f32 v7, v2  }
0x32d: {  	v2 =	vsub.f32 v3, v2;
	[tilespmem:s21+$0xFFFFFFD0] =	vst v62;
	v3 =	vmax.f32 v6, $0.0e+00  }
0x32e: {  	[tilespmem:s21+$0xFFFFFFE0] =	vst v3;
	v3 =	vmax.f32 v63, $0.0e+00  }
0x32f: {  	v2 =	vmax.f32 v2, $0.0e+00;
	[tilespmem:s21+$0xFFFFFFF0] =	vst v3  }
0x330: {  	[tilespmem:s21+$0xFFFFFF10] =	vst v2  }
0x331: {  	[hbm4b:s9+s11] =	stream.strided.scatter [tilespmem:s18], [sflag:$0x4], $0x4000, s12, s11, $0x38;
	[tilespmem:$0x1C000] =	vst v63  }
0x332: {  	_ =	swait.ge [sflag:s15], $0x4000  }
0x333: {  	[sflag:s15] =	ssyncset.done $0x0  }
0x334: {  	[sflag:s15] =	ssyncadd.s32 $0xFFFFC000  }
0x335: {  	_ =	swait.ge [sflag:s16], $0x4000  }
0x336: {  	[sflag:s16] =	ssyncset.done $0x0  }
0x337: {  	s20 =	sadd.s32 $0x1, s20;
	[sflag:s16] =	ssyncadd.s32 $0xFFFFC000  }
0x338: {  	p0 =	sne.s32 s20, s10;
	_ =	swait.ge [sflag:s17], $0x4000  }
.Ltmp33:
0x339: {  	[sflag:s17] =	ssyncset.done $0x0;
	(pc) =	sbr.rel @p0 .LBB2_1-.Ltmp33, $4  }
.Ltmp34:
0x33a: {  	[sflag:s17] =	ssyncadd.s32 $0xFFFFC000;
	(pc) =	sbr.rel @!p0 .LBB2_50-.Ltmp34, $4  }
0x33b: {  	_ =	swait.ge [sflag:s19], $0x4000  }
0x33c: {  	[sflag:s19] =	ssyncset.done $0x0  }
0x33d: {  	[sflag:s19] =	ssyncadd.s32 $0xFFFFC000  }
0x33e: {  	_ = 	snop  }
.LBB2_7:
.Ltmp35:
0x33f: {  	(pc) =	sbr.rel .LBB2_11-.Ltmp35, $2  }
0x340: {  	_ =	sdelay $0x2  }
0x341: {  	s22 =	simm.s32 $0x0  }
.LBB2_30:
.Ltmp36:
0x342: {  	(pc) =	sbr.rel .LBB2_34-.Ltmp36, $2  }
0x343: {  	_ =	sdelay $0x2  }
0x344: {  	s22 =	simm.s32 $0x0  }
.LBB2_9:
.Ltmp37:
0x345: {  	(pc) =	sbr.rel .LBB2_11-.Ltmp37, $2  }
0x346: {  	_ =	sdelay $0x2  }
0x347: {  	s22 =	simm.s32 $0x0  }
.LBB2_32:
.Ltmp38:
0x348: {  	(pc) =	sbr.rel .LBB2_34-.Ltmp38, $2  }
0x349: {  	_ =	sdelay $0x2  }
0x34a: {  	s22 =	simm.s32 $0x0  }
.LBB2_50:
0x34b: {  	_ =	sfence.sel $0x180000  }
0x34c: {  	[bflag:$0x0] =	sbarrier.arrive $0xFFFF  }
0x34d: {  	p0 =	sne.s32 s1, $0x0;
	_ =	strace $0x90000047  }
0x34e: {  	s0 =	sadd.s32 @!p0 $0x100000, s0;
	[bflag:$0x2] =	sbarrier.arrive $0xFFFF  }
0x34f: {  	[sflag:s0] =	ssyncadd.tile.s32 @!p0 $0x1;
	_ =	shalt  }
.Lfunc_end2:
_tile_overlayer_lowered:
.L_overlay_start_2:
0x350: {  	(tag) =	ssettag $0x2  }
0x351: {  	s0 =	rddreg [dreg:$0x0];
	s2 =	stileid.u32  }
0x352: {  	s1 =	rddreg [dreg:$0x1];
	p0 =	sne.s32 s2, $0x0  }
0x353: {  	s3 =	rddreg [dreg:$0x2];
	[bflag:$0x3] =	sbarrier.arrive $0xFFFF;
	s2 =	simm.s32 @!p0 $0x1C05  }
0x354: {  	[timem:s3], [sflag:s2] =	dma.local @!p0 [hbm:s0], s1  }
0x355: {  	s0 =	simm.s32 @!p0 $0x5  }
0x356: {  	_ =	swait.ge @!p0 [sflag:s0], s1  }
0x357: {  	s1 =	ssub.s32 @!p0 $0x0, s1;
	[sflag:s0] =	ssyncset.done @!p0 $0x0  }
0x358: {  	[sflag:s0] =	ssyncadd.s32 @!p0 s1  }
0x359: {  	[bflag:$0x3] =	sbarrier.arrive $0xFFFF  }
0x35a: {  	_ =	shalt  }

</sc_bundles>
